<compile_context>
chip_gen: v7x
topology: tpu7x:2x2x1
jax: 0.10.2.dev20260603
libtpu: 0.0.44.dev20260713+nightly
codegen_flags: <defaults>
</compile_context>

<pallas_src>
import functools

import jax
import jax.numpy as jnp
from jax import lax
from jax.experimental import pallas as pl
from jax.experimental.pallas import tpu as pltpu
from jax.experimental.pallas import tpu_sc as plsc

_K = 256
_R, _C = 64, 8192
_NC, _NS, _L = 2, 16, 16
_NW = _NC * _NS
_SC_ROWS = 32
_TC_ROWS = _R - _SC_ROWS
_NV = _C // _L
_G = 8


def _find_bucket(hist_v, totals_v, nb, k_target):
    nbv = nb // _L
    ng = nbv // _G
    iota1 = jnp.arange(_L, dtype=jnp.int32) + 1
    zero_v = jnp.zeros((_L,), jnp.int32)
    kt_vec = jnp.broadcast_to(k_target, (_L,))

    @plsc.parallel_loop(0, ng, unroll=4)
    def p1(g):
        acc = hist_v[pl.ds(g * (_G * _L), _L)]
        for q in range(1, _G):
            acc = acc + hist_v[pl.ds(g * (_G * _L) + q * _L, _L)]
        totals_v[g] = jnp.sum(acc)

    def p2(s, carry):
        found, jg, cum_jg, cum_after = carry
        j = (ng - 1) - s
        tot = totals_v[j]
        this = jnp.where((cum_after + tot >= k_target) & (found == 0),
                         jnp.int32(1), jnp.int32(0))
        jg = jnp.where(this == 1, j, jg)
        cum_jg = jnp.where(this == 1, cum_after, cum_jg)
        found = found | this
        return (found, jg, cum_jg, cum_after + tot)

    zero_s = jnp.int32(0)
    _, jg, cum_jg, _ = lax.fori_loop(
        0, ng, p2, (zero_s, zero_s, zero_s, zero_s), unroll=4)

    found = zero_s
    jc = zero_s
    cum_jc = zero_s
    cum = cum_jg
    for q in range(_G - 1, -1, -1):
        v = hist_v[pl.ds((jg * _G + q) * _L, _L)]
        tot = jnp.sum(v)
        this = jnp.where((cum + tot >= k_target) & (found == 0),
                         jnp.int32(1), jnp.int32(0))
        jc = jnp.where(this == 1, jg * _G + q, jc)
        cum_jc = jnp.where(this == 1, cum, cum_jc)
        found = found | this
        cum = cum + tot

    h = hist_v[pl.ds(jc * _L, _L)]
    ssum = lax.rev(jnp.cumsum(lax.rev(h, (0,))), (0,))
    splus = ssum + jnp.broadcast_to(cum_jc, (_L,))
    m = splus >= kt_vec
    p = jnp.max(jnp.where(m, iota1, zero_v))
    s_excl = jnp.max(jnp.where(m, zero_v, ssum))
    bucket = jc * _L + (p - 1)
    above = cum_jc + s_excl
    return bucket, above


def _sc_body(x_hbm, out_hbm, x_v, key_v, hist_v, totals_v, sem):
    sign = jnp.uint32(0x80000000)
    rest = jnp.uint32(0x7FFFFFFF)
    ones_i = jnp.full((_L,), 1, jnp.int32)
    zeros_i = jnp.zeros((_L,), jnp.int32)
    zeros_u = jnp.zeros((_L,), jnp.uint32)
    wid = lax.axis_index("s") * _NC + lax.axis_index("c")
    row = wid

    pltpu.sync_copy(x_hbm.at[row], x_v)

    @plsc.parallel_loop(0, 128, unroll=8)
    def zloopA(j):
        hist_v[pl.ds(j * _L, _L)] = zeros_i

    @plsc.parallel_loop(0, _NV, unroll=16)
    def histA(i):
        xu = x_v[pl.ds(i * _L, _L)]
        neg = xu >> 31
        kv = xu ^ (sign ^ (neg * rest))
        key_v[pl.ds(i * _L, _L)] = kv
        idx = lax.convert_element_type(kv >> 21, jnp.int32)
        plsc.addupdate_scatter(hist_v, [idx], ones_i)

    ba, above_a = _find_bucket(hist_v, totals_v, 2048, jnp.int32(_K))
    ka = jnp.int32(_K) - above_a
    ba_u = lax.convert_element_type(ba, jnp.uint32)
    ba_vec = jnp.broadcast_to(ba_u, (_L,))

    @plsc.parallel_loop(0, 128, unroll=8)
    def zloopB(j):
        hist_v[pl.ds(j * _L, _L)] = zeros_i

    m7ff = jnp.uint32(0x7FF)

    @plsc.parallel_loop(0, _NV, unroll=16)
    def histB(i):
        kv = key_v[pl.ds(i * _L, _L)]
        mb = (kv >> 21) == ba_vec
        idx = lax.convert_element_type((kv >> 10) & m7ff, jnp.int32)
        plsc.addupdate_scatter(hist_v, [idx], ones_i, mask=mb)

    bb, above_b = _find_bucket(hist_v, totals_v, 2048, ka)
    kb = ka - above_b
    bb_u = lax.convert_element_type(bb, jnp.uint32)
    bab_vec = jnp.broadcast_to((ba_u << 11) | bb_u, (_L,))

    @plsc.parallel_loop(0, 64, unroll=8)
    def zloopC(j):
        hist_v[pl.ds(j * _L, _L)] = zeros_i

    m3ff = jnp.uint32(0x3FF)

    @plsc.parallel_loop(0, _NV, unroll=16)
    def histC(i):
        kv = key_v[pl.ds(i * _L, _L)]
        mc = (kv >> 10) == bab_vec
        idx = lax.convert_element_type(kv & m3ff, jnp.int32)
        plsc.addupdate_scatter(hist_v, [idx], ones_i, mask=mc)

    bc, _ = _find_bucket(hist_v, totals_v, 1024, kb)
    bc_u = lax.convert_element_type(bc, jnp.uint32)

    t = (ba_u << 21) | (bb_u << 10) | bc_u
    t_vec = jnp.broadcast_to(t, (_L,))

    @plsc.parallel_loop(0, _NV, unroll=16)
    def maskloop(i):
        kv = key_v[pl.ds(i * _L, _L)]
        xu = x_v[pl.ds(i * _L, _L)]
        x_v[pl.ds(i * _L, _L)] = jnp.where(kv >= t_vec, xu, zeros_u)

    pltpu.sync_copy(x_v, out_hbm.at[row])


_sparsify_sc = functools.partial(
    pl.kernel,
    out_type=jax.ShapeDtypeStruct((_SC_ROWS, _C), jnp.uint32),
    mesh=plsc.VectorSubcoreMesh(
        core_axis_name="c", subcore_axis_name="s",
        num_cores=_NC, num_subcores=_NS,
    ),
    scratch_types=[
        pltpu.VMEM((_C,), jnp.uint32),
        pltpu.VMEM((_C,), jnp.uint32),
        pltpu.VMEM((2048,), jnp.int32),
        pltpu.SMEM((128,), jnp.int32),
        pltpu.SemaphoreType.DMA,
    ],
    compiler_params=pltpu.CompilerParams(
        needs_layout_passes=False, disable_bounds_checks=True,
        skip_device_barrier=True),
)(_sc_body)


def _tc_body(x_ref, o_ref):
    xu = x_ref[...]
    sign = jnp.uint32(0x80000000)
    rest = jnp.uint32(0x7FFFFFFF)
    neg = xu >> 31
    key = xu ^ (sign ^ (neg * rest))

    def bitloop(b, carry):
        t, bit = carry
        cand = t | bit
        cnt = jnp.sum((key >= cand[:, None]).astype(jnp.int32), axis=1,
                      keepdims=False)
        return (jnp.where(cnt >= _K, cand, t), bit >> 1)

    t, _ = lax.fori_loop(
        0, 32, bitloop,
        (jnp.zeros((_TC_ROWS,), jnp.uint32),
         jnp.full((_TC_ROWS,), sign)))
    o_ref[...] = jnp.where(key >= t[:, None], xu, jnp.uint32(0))


_sparsify_tc = pl.pallas_call(
    _tc_body,
    out_shape=jax.ShapeDtypeStruct((_TC_ROWS, _C), jnp.uint32),
    grid=(1,),
    in_specs=[pl.BlockSpec((_TC_ROWS, _C), lambda i: (1, 0))],
    out_specs=pl.BlockSpec((_TC_ROWS, _C), lambda i: (0, 0)),
)


def kernel(x):
    xu = lax.bitcast_convert_type(x, jnp.uint32)
    sc_out = _sparsify_sc(xu)
    tc_out = _sparsify_tc(xu)
    out = jnp.concatenate([sc_out, tc_out], axis=0)
    return lax.bitcast_convert_type(out, jnp.float32)

# --- scband reference (transcript-rebuilt; emitter-appended) ---
"""Pipeline reference for scband-sparsify1-d-7627861918121 (READ-ONLY COPY).

The authoritative reference and input builder live on the scoring server;
editing this copy changes nothing except your own understanding.
"""

import jax, jax.numpy as jnp
import numpy as np

K = 256  # numOnBits from init_kwargs

def setup_inputs(seed: int = 0) -> dict:
    key = jax.random.key(seed)
    x = jax.random.normal(key, (64, 8192), dtype=jnp.float32)
    return {"x": x}

def reference(x):
    # tmpx = x.view(B, -1)
    tmpx = x.reshape(x.shape[0], -1)
    # k-th largest value per row (threshold)
    topval = jax.lax.top_k(tmpx, K)[0][:, -1]
    # broadcast threshold back to x's shape (repeat/permute/view_as in torch)
    topval_full = jnp.broadcast_to(topval[:, None], tmpx.shape).reshape(x.shape)
    comp = (x >= topval_full).astype(x.dtype)
    return comp * x

if __name__ == "__main__":
    import jax
    _d = setup_inputs()
    print(jax.jit(kernel)(*tuple(_d.values())))

</pallas_src>

<mosaic_0001>
#map = affine_map<(d0, d1) -> (0, 0)>
module attributes {stable_mosaic.version = 14 : i64} {
  func.func @_sc_body(%arg0: i32, %arg1: i32, %arg2: memref<64x8192xi32, #tpu.memory_space<hbm>>, %arg3: memref<32x8192xi32, #tpu.memory_space<hbm>>, %arg4: memref<8192xi32, #tpu.memory_space<vmem>>, %arg5: memref<8192xi32, #tpu.memory_space<vmem>>, %arg6: memref<2048xi32, #tpu.memory_space<vmem>>, %arg7: memref<128xi32, #tpu.memory_space<smem>>, %arg8: memref<!tpu.dma_semaphore, #tpu.memory_space<semaphore_mem>>) attributes {dimension_semantics = [#tpu.dimension_semantics<core_parallel>, #tpu.dimension_semantics<subcore_parallel>], iteration_bounds = array<i64: 2, 16>, scalar_prefetch = 0 : i64, scratch_operands = 5 : i64, tpu.core_type = #tpu.core_type<sc_vector_subcore>, window_params = [{transform_indices = #map}, {transform_indices = #map}]} {
    %broadcast_in_dim3A = arith.constant 1 : i32
    %broadcast_in_dim3A_0 = vector.broadcast %broadcast_in_dim3A : i32 to vector<16xi32>
    %broadcast_in_dim3A_1 = arith.constant 0 : i32
    %broadcast_in_dim3A_2 = vector.broadcast %broadcast_in_dim3A_1 : i32 to vector<16xi32>
    %broadcast_in_dim3A_3 = arith.constant 0 : i32
    %broadcast_in_dim3A_4 = vector.broadcast %broadcast_in_dim3A_3 : i32 to vector<16xi32>
    %mul3A = arith.constant 2 : i32
    %mul3A_5 = arith.muli %arg1, %mul3A : i32
    %add3A = arith.addi %mul3A_5, %arg0 : i32
    "tpu.region"() ({
      %run_scoped3A = tpu.sem_alloc : memref<!tpu.dma_semaphore, #tpu.memory_space<semaphore_mem>>
      %dma_start3A = arith.constant 0 : i32
      %dma_start3A_1012 = tpu.memref_slice %arg2[%add3A, %dma_start3A] : memref<64x8192xi32, #tpu.memory_space<hbm>> -> memref<1x8192xi32, #tpu.memory_space<hbm>>
      %dma_start3A_1013 = tpu.memref_squeeze %dma_start3A_1012 : memref<1x8192xi32, #tpu.memory_space<hbm>> -> memref<8192xi32, #tpu.memory_space<hbm>>
      %dma_start3A_1014 = arith.constant 0 : i32
      %dma_start3A_1015 = tpu.memref_slice %arg2[%add3A, %dma_start3A_1014] : memref<64x8192xi32, #tpu.memory_space<hbm>> -> memref<1x8192xi32, #tpu.memory_space<hbm>>
      %dma_start3A_1016 = tpu.memref_squeeze %dma_start3A_1015 : memref<1x8192xi32, #tpu.memory_space<hbm>> -> memref<8192xi32, #tpu.memory_space<hbm>>
      tpu.enqueue_dma source(%dma_start3A_1016 : memref<8192xi32, #tpu.memory_space<hbm>>) target(%arg4 : memref<8192xi32, #tpu.memory_space<vmem>>) target_semaphore(%run_scoped3A : memref<!tpu.dma_semaphore, #tpu.memory_space<semaphore_mem>>)
      %dma_wait3A = arith.constant 0 : i32
      %dma_wait3A_1017 = tpu.memref_slice %arg2[%add3A, %dma_wait3A] : memref<64x8192xi32, #tpu.memory_space<hbm>> -> memref<1x8192xi32, #tpu.memory_space<hbm>>
      %dma_wait3A_1018 = tpu.memref_squeeze %dma_wait3A_1017 : memref<1x8192xi32, #tpu.memory_space<hbm>> -> memref<8192xi32, #tpu.memory_space<hbm>>
      %dma_wait3A_1019 = arith.constant 0 : i32
      %dma_wait3A_1020 = tpu.memref_slice %arg2[%add3A, %dma_wait3A_1019] : memref<64x8192xi32, #tpu.memory_space<hbm>> -> memref<1x8192xi32, #tpu.memory_space<hbm>>
      %dma_wait3A_1021 = tpu.memref_squeeze %dma_wait3A_1020 : memref<1x8192xi32, #tpu.memory_space<hbm>> -> memref<8192xi32, #tpu.memory_space<hbm>>
      tpu.wait_dma2 semaphore(%run_scoped3A : memref<!tpu.dma_semaphore, #tpu.memory_space<semaphore_mem>>) src(%dma_wait3A_1021 : memref<8192xi32, #tpu.memory_space<hbm>>) dst(%arg4 : memref<8192xi32, #tpu.memory_space<vmem>>)
      tpu.yield
    }) : () -> ()
    %parallel_loop3A = arith.constant 0 : i32
    %parallel_loop3A_6 = arith.constant 128 : i32
    %parallel_loop3A_7 = arith.constant 1 : i32
    scf.for %parallel_loop3A_1012 = %parallel_loop3A to %parallel_loop3A_6 step %parallel_loop3A_7  : i32 {
      %parallel_loop3A_1013 = arith.constant 16 : i32
      %parallel_loop3A_1014 = arith.muli %parallel_loop3A_1012, %parallel_loop3A_1013 : i32
      %parallel_loop3A_1015 = arith.index_cast %parallel_loop3A_1014 : i32 to index
      %parallel_loop3A_1016 = tpu.vector_load %arg6[%parallel_loop3A_1015] {strides = array<i32>} : memref<2048xi32, #tpu.memory_space<vmem>>, vector<16xi32>,
      tpu.vector_store %arg6[%parallel_loop3A_1015], %broadcast_in_dim3A_2 {strides = array<i32>} : memref<2048xi32, #tpu.memory_space<vmem>>, vector<16xi32>,
    } {sc.loop_unroll_factor = 8 : i64, sc.parallel_access}
    %parallel_loop3A_8 = arith.constant 0 : i32
    %parallel_loop3A_9 = arith.constant 512 : i32
    %parallel_loop3A_10 = arith.constant 1 : i32
    %parallel_loop3A_11 = arith.constant 2147483647 : i32
    %parallel_loop3A_12 = arith.constant -2147483648 : i32
    scf.for %parallel_loop3A_1012 = %parallel_loop3A_8 to %parallel_loop3A_9 step %parallel_loop3A_10  : i32 {
      %parallel_loop3A_1013 = arith.constant 16 : i32
      %parallel_loop3A_1014 = arith.muli %parallel_loop3A_1012, %parallel_loop3A_1013 : i32
      %parallel_loop3A_1015 = arith.index_cast %parallel_loop3A_1014 : i32 to index
      %parallel_loop3A_1016 = tpu.vector_load %arg4[%parallel_loop3A_1015] {strides = array<i32>} : memref<8192xi32, #tpu.memory_space<vmem>>, vector<16xi32>,
      %parallel_loop3A_1017 = arith.constant 31 : i32
      %parallel_loop3A_1018 = vector.broadcast %parallel_loop3A_1017 : i32 to vector<16xi32>
      %parallel_loop3A_1019 = arith.shrui %parallel_loop3A_1016, %parallel_loop3A_1018 : vector<16xi32>
      %parallel_loop3A_1020 = vector.broadcast %parallel_loop3A_11 : i32 to vector<16xi32>
      %parallel_loop3A_1021 = arith.muli %parallel_loop3A_1019, %parallel_loop3A_1020 : vector<16xi32>
      %parallel_loop3A_1022 = vector.broadcast %parallel_loop3A_12 : i32 to vector<16xi32>
      %parallel_loop3A_1023 = arith.xori %parallel_loop3A_1022, %parallel_loop3A_1021 : vector<16xi32>
      %parallel_loop3A_1024 = arith.xori %parallel_loop3A_1016, %parallel_loop3A_1023 : vector<16xi32>
      %parallel_loop3A_1025 = arith.constant 16 : i32
      %parallel_loop3A_1026 = arith.muli %parallel_loop3A_1012, %parallel_loop3A_1025 : i32
      %parallel_loop3A_1027 = arith.index_cast %parallel_loop3A_1026 : i32 to index
      %parallel_loop3A_1028 = tpu.vector_load %arg5[%parallel_loop3A_1027] {strides = array<i32>} : memref<8192xi32, #tpu.memory_space<vmem>>, vector<16xi32>,
      tpu.vector_store %arg5[%parallel_loop3A_1027], %parallel_loop3A_1024 {strides = array<i32>} : memref<8192xi32, #tpu.memory_space<vmem>>, vector<16xi32>,
      %parallel_loop3A_1029 = arith.constant 21 : i32
      %parallel_loop3A_1030 = vector.broadcast %parallel_loop3A_1029 : i32 to vector<16xi32>
      %parallel_loop3A_1031 = arith.shrui %parallel_loop3A_1024, %parallel_loop3A_1030 : vector<16xi32>
      tpu.vector_store_idx %arg6[%parallel_loop3A_1031], %broadcast_in_dim3A_0 {add = true} : memref<2048xi32, #tpu.memory_space<vmem>>[vector<16xi32>], vector<16xi32>,
    } {sc.loop_unroll_factor = 16 : i64, sc.parallel_access}
    %iota3A = tpu.iota {dimensions = array<i32: 0>} : vector<16xi32>
    %add3A_13 = arith.constant 1 : i32
    %add3A_14 = vector.broadcast %add3A_13 : i32 to vector<16xi32>
    %add3A_15 = arith.addi %iota3A, %add3A_14 : vector<16xi32>
    %broadcast_in_dim3A_16 = arith.constant 0 : i32
    %broadcast_in_dim3A_17 = vector.broadcast %broadcast_in_dim3A_16 : i32 to vector<16xi32>
    %broadcast_in_dim3A_18 = arith.constant 256 : i32
    %broadcast_in_dim3A_19 = vector.broadcast %broadcast_in_dim3A_18 : i32 to vector<16xi32>
    %parallel_loop3A_20 = arith.constant 0 : i32
    %parallel_loop3A_21 = arith.constant 16 : i32
    %parallel_loop3A_22 = arith.constant 1 : i32
    scf.for %parallel_loop3A_1012 = %parallel_loop3A_20 to %parallel_loop3A_21 step %parallel_loop3A_22  : i32 {
      %parallel_loop3A_1013 = arith.constant 128 : i32
      %parallel_loop3A_1014 = arith.muli %parallel_loop3A_1012, %parallel_loop3A_1013 : i32
      %parallel_loop3A_1015 = arith.index_cast %parallel_loop3A_1014 : i32 to index
      %parallel_loop3A_1016 = tpu.vector_load %arg6[%parallel_loop3A_1015] {strides = array<i32>} : memref<2048xi32, #tpu.memory_space<vmem>>, vector<16xi32>,
      %parallel_loop3A_1017 = arith.constant 128 : i32
      %parallel_loop3A_1018 = arith.muli %parallel_loop3A_1012, %parallel_loop3A_1017 : i32
      %parallel_loop3A_1019 = arith.constant 16 : i32
      %parallel_loop3A_1020 = arith.addi %parallel_loop3A_1018, %parallel_loop3A_1019 : i32
      %parallel_loop3A_1021 = arith.index_cast %parallel_loop3A_1020 : i32 to index
      %parallel_loop3A_1022 = tpu.vector_load %arg6[%parallel_loop3A_1021] {strides = array<i32>} : memref<2048xi32, #tpu.memory_space<vmem>>, vector<16xi32>,
      %parallel_loop3A_1023 = arith.addi %parallel_loop3A_1016, %parallel_loop3A_1022 : vector<16xi32>
      %parallel_loop3A_1024 = arith.constant 128 : i32
      %parallel_loop3A_1025 = arith.muli %parallel_loop3A_1012, %parallel_loop3A_1024 : i32
      %parallel_loop3A_1026 = arith.constant 32 : i32
      %parallel_loop3A_1027 = arith.addi %parallel_loop3A_1025, %parallel_loop3A_1026 : i32
      %parallel_loop3A_1028 = arith.index_cast %parallel_loop3A_1027 : i32 to index
      %parallel_loop3A_1029 = tpu.vector_load %arg6[%parallel_loop3A_1028] {strides = array<i32>} : memref<2048xi32, #tpu.memory_space<vmem>>, vector<16xi32>,
      %parallel_loop3A_1030 = arith.addi %parallel_loop3A_1023, %parallel_loop3A_1029 : vector<16xi32>
      %parallel_loop3A_1031 = arith.constant 128 : i32
      %parallel_loop3A_1032 = arith.muli %parallel_loop3A_1012, %parallel_loop3A_1031 : i32
      %parallel_loop3A_1033 = arith.constant 48 : i32
      %parallel_loop3A_1034 = arith.addi %parallel_loop3A_1032, %parallel_loop3A_1033 : i32
      %parallel_loop3A_1035 = arith.index_cast %parallel_loop3A_1034 : i32 to index
      %parallel_loop3A_1036 = tpu.vector_load %arg6[%parallel_loop3A_1035] {strides = array<i32>} : memref<2048xi32, #tpu.memory_space<vmem>>, vector<16xi32>,
      %parallel_loop3A_1037 = arith.addi %parallel_loop3A_1030, %parallel_loop3A_1036 : vector<16xi32>
      %parallel_loop3A_1038 = arith.constant 128 : i32
      %parallel_loop3A_1039 = arith.muli %parallel_loop3A_1012, %parallel_loop3A_1038 : i32
      %parallel_loop3A_1040 = arith.constant 64 : i32
      %parallel_loop3A_1041 = arith.addi %parallel_loop3A_1039, %parallel_loop3A_1040 : i32
      %parallel_loop3A_1042 = arith.index_cast %parallel_loop3A_1041 : i32 to index
      %parallel_loop3A_1043 = tpu.vector_load %arg6[%parallel_loop3A_1042] {strides = array<i32>} : memref<2048xi32, #tpu.memory_space<vmem>>, vector<16xi32>,
      %parallel_loop3A_1044 = arith.addi %parallel_loop3A_1037, %parallel_loop3A_1043 : vector<16xi32>
      %parallel_loop3A_1045 = arith.constant 128 : i32
      %parallel_loop3A_1046 = arith.muli %parallel_loop3A_1012, %parallel_loop3A_1045 : i32
      %parallel_loop3A_1047 = arith.constant 80 : i32
      %parallel_loop3A_1048 = arith.addi %parallel_loop3A_1046, %parallel_loop3A_1047 : i32
      %parallel_loop3A_1049 = arith.index_cast %parallel_loop3A_1048 : i32 to index
      %parallel_loop3A_1050 = tpu.vector_load %arg6[%parallel_loop3A_1049] {strides = array<i32>} : memref<2048xi32, #tpu.memory_space<vmem>>, vector<16xi32>,
      %parallel_loop3A_1051 = arith.addi %parallel_loop3A_1044, %parallel_loop3A_1050 : vector<16xi32>
      %parallel_loop3A_1052 = arith.constant 128 : i32
      %parallel_loop3A_1053 = arith.muli %parallel_loop3A_1012, %parallel_loop3A_1052 : i32
      %parallel_loop3A_1054 = arith.constant 96 : i32
      %parallel_loop3A_1055 = arith.addi %parallel_loop3A_1053, %parallel_loop3A_1054 : i32
      %parallel_loop3A_1056 = arith.index_cast %parallel_loop3A_1055 : i32 to index
      %parallel_loop3A_1057 = tpu.vector_load %arg6[%parallel_loop3A_1056] {strides = array<i32>} : memref<2048xi32, #tpu.memory_space<vmem>>, vector<16xi32>,
      %parallel_loop3A_1058 = arith.addi %parallel_loop3A_1051, %parallel_loop3A_1057 : vector<16xi32>
      %parallel_loop3A_1059 = arith.constant 128 : i32
      %parallel_loop3A_1060 = arith.muli %parallel_loop3A_1012, %parallel_loop3A_1059 : i32
      %parallel_loop3A_1061 = arith.constant 112 : i32
      %parallel_loop3A_1062 = arith.addi %parallel_loop3A_1060, %parallel_loop3A_1061 : i32
      %parallel_loop3A_1063 = arith.index_cast %parallel_loop3A_1062 : i32 to index
      %parallel_loop3A_1064 = tpu.vector_load %arg6[%parallel_loop3A_1063] {strides = array<i32>} : memref<2048xi32, #tpu.memory_space<vmem>>, vector<16xi32>,
      %parallel_loop3A_1065 = arith.addi %parallel_loop3A_1058, %parallel_loop3A_1064 : vector<16xi32>
      %parallel_loop3A_1066 = arith.constant true
      %parallel_loop3A_1067 = vector.broadcast %parallel_loop3A_1066 : i1 to vector<16xi1>
      %parallel_loop3A_1068 = tpu.scan <sum>, %parallel_loop3A_1065 masked %parallel_loop3A_1067 : vector<16xi32>, vector<16xi1> -> vector<16xi32>
      %parallel_loop3A_1069 = vector.extract %parallel_loop3A_1068[15] : i32 from vector<16xi32>
      %parallel_loop3A_1070 = arith.index_cast %parallel_loop3A_1012 : i32 to index
      %parallel_loop3A_1071 = memref.load %arg7[%parallel_loop3A_1070] : memref<128xi32, #tpu.memory_space<smem>>
      memref.store %parallel_loop3A_1069, %arg7[%parallel_loop3A_1070] : memref<128xi32, #tpu.memory_space<smem>>
    } {sc.loop_unroll_factor = 4 : i64, sc.parallel_access}
    %scan3A = arith.constant 256 : i32
    %scan3A_23 = arith.constant 0 : i32
    %scan3A_24 = arith.constant 0 : i32
    %scan3A_25 = arith.constant 0 : i32
    %scan3A_26 = arith.constant 0 : i32
    %scan3A_27 = arith.constant 0 : i32
    %scan3A_28 = arith.constant 16 : i32
    %scan3A_29 = arith.addi %scan3A_27, %scan3A_28 : i32
    %scan3A_30 = arith.constant 4 : i32
    %scan3A_31:4 = scf.for %scan3A_1012 = %scan3A_27 to %scan3A_29 step %scan3A_30 iter_args(%scan3A_1013 = %scan3A_23, %scan3A_1014 = %scan3A_24, %scan3A_1015 = %scan3A_25, %scan3A_1016 = %scan3A_26) -> (i32, i32, i32, i32)  : i32 {
      %sub3A_1017 = arith.constant 15 : i32
      %sub3A_1018 = arith.subi %sub3A_1017, %scan3A_1012 : i32
      %get3A_1019 = arith.index_cast %sub3A_1018 : i32 to index
      %get3A_1020 = memref.load %arg7[%get3A_1019] : memref<128xi32, #tpu.memory_space<smem>>
      %add3A_1021 = arith.addi %scan3A_1016, %get3A_1020 : i32
      %ge3A_1022 = arith.cmpi sge, %add3A_1021, %scan3A : i32
      %eq3A_1023 = arith.constant 0 : i32
      %eq3A_1024 = arith.cmpi eq, %scan3A_1013, %eq3A_1023 : i32
      %and3A_1025 = arith.andi %ge3A_1022, %eq3A_1024 : i1
      %jit3A_1026 = arith.constant 1 : i32
      %jit3A_1027 = arith.constant 0 : i32
      %select_n3A_1028 = arith.select %and3A_1025, %jit3A_1026, %jit3A_1027 : i32
      %eq3A_1029 = arith.constant 1 : i32
      %eq3A_1030 = arith.cmpi eq, %select_n3A_1028, %eq3A_1029 : i32
      %select_n3A_1031 = arith.select %eq3A_1030, %sub3A_1018, %scan3A_1014 : i32
      %eq3A_1032 = arith.constant 1 : i32
      %eq3A_1033 = arith.cmpi eq, %select_n3A_1028, %eq3A_1032 : i32
      %select_n3A_1034 = arith.select %eq3A_1033, %scan3A_1016, %scan3A_1015 : i32
      %or3A_1035 = arith.ori %scan3A_1013, %select_n3A_1028 : i32
      %add3A_1036 = arith.addi %scan3A_1016, %get3A_1020 : i32
      %scan3A_1037 = arith.constant 1 : i32
      %scan3A_1038 = arith.addi %scan3A_1012, %scan3A_1037 : i32
      %sub3A_1039 = arith.constant 15 : i32
      %sub3A_1040 = arith.subi %sub3A_1039, %scan3A_1038 : i32
      %get3A_1041 = arith.index_cast %sub3A_1040 : i32 to index
      %get3A_1042 = memref.load %arg7[%get3A_1041] : memref<128xi32, #tpu.memory_space<smem>>
      %add3A_1043 = arith.addi %add3A_1036, %get3A_1042 : i32
      %ge3A_1044 = arith.cmpi sge, %add3A_1043, %scan3A : i32
      %eq3A_1045 = arith.constant 0 : i32
      %eq3A_1046 = arith.cmpi eq, %or3A_1035, %eq3A_1045 : i32
      %and3A_1047 = arith.andi %ge3A_1044, %eq3A_1046 : i1
      %jit3A_1048 = arith.constant 1 : i32
      %jit3A_1049 = arith.constant 0 : i32
      %select_n3A_1050 = arith.select %and3A_1047, %jit3A_1048, %jit3A_1049 : i32
      %eq3A_1051 = arith.constant 1 : i32
      %eq3A_1052 = arith.cmpi eq, %select_n3A_1050, %eq3A_1051 : i32
      %select_n3A_1053 = arith.select %eq3A_1052, %sub3A_1040, %select_n3A_1031 : i32
      %eq3A_1054 = arith.constant 1 : i32
      %eq3A_1055 = arith.cmpi eq, %select_n3A_1050, %eq3A_1054 : i32
      %select_n3A_1056 = arith.select %eq3A_1055, %add3A_1036, %select_n3A_1034 : i32
      %or3A_1057 = arith.ori %or3A_1035, %select_n3A_1050 : i32
      %add3A_1058 = arith.addi %add3A_1036, %get3A_1042 : i32
      %scan3A_1059 = arith.constant 2 : i32
      %scan3A_1060 = arith.addi %scan3A_1012, %scan3A_1059 : i32
      %sub3A_1061 = arith.constant 15 : i32
      %sub3A_1062 = arith.subi %sub3A_1061, %scan3A_1060 : i32
      %get3A_1063 = arith.index_cast %sub3A_1062 : i32 to index
      %get3A_1064 = memref.load %arg7[%get3A_1063] : memref<128xi32, #tpu.memory_space<smem>>
      %add3A_1065 = arith.addi %add3A_1058, %get3A_1064 : i32
      %ge3A_1066 = arith.cmpi sge, %add3A_1065, %scan3A : i32
      %eq3A_1067 = arith.constant 0 : i32
      %eq3A_1068 = arith.cmpi eq, %or3A_1057, %eq3A_1067 : i32
      %and3A_1069 = arith.andi %ge3A_1066, %eq3A_1068 : i1
      %jit3A_1070 = arith.constant 1 : i32
      %jit3A_1071 = arith.constant 0 : i32
      %select_n3A_1072 = arith.select %and3A_1069, %jit3A_1070, %jit3A_1071 : i32
      %eq3A_1073 = arith.constant 1 : i32
      %eq3A_1074 = arith.cmpi eq, %select_n3A_1072, %eq3A_1073 : i32
      %select_n3A_1075 = arith.select %eq3A_1074, %sub3A_1062, %select_n3A_1053 : i32
      %eq3A_1076 = arith.constant 1 : i32
      %eq3A_1077 = arith.cmpi eq, %select_n3A_1072, %eq3A_1076 : i32
      %select_n3A_1078 = arith.select %eq3A_1077, %add3A_1058, %select_n3A_1056 : i32
      %or3A_1079 = arith.ori %or3A_1057, %select_n3A_1072 : i32
      %add3A_1080 = arith.addi %add3A_1058, %get3A_1064 : i32
      %scan3A_1081 = arith.constant 3 : i32
      %scan3A_1082 = arith.addi %scan3A_1012, %scan3A_1081 : i32
      %sub3A_1083 = arith.constant 15 : i32
      %sub3A_1084 = arith.subi %sub3A_1083, %scan3A_1082 : i32
      %get3A_1085 = arith.index_cast %sub3A_1084 : i32 to index
      %get3A_1086 = memref.load %arg7[%get3A_1085] : memref<128xi32, #tpu.memory_space<smem>>
      %add3A_1087 = arith.addi %add3A_1080, %get3A_1086 : i32
      %ge3A_1088 = arith.cmpi sge, %add3A_1087, %scan3A : i32
      %eq3A_1089 = arith.constant 0 : i32
      %eq3A_1090 = arith.cmpi eq, %or3A_1079, %eq3A_1089 : i32
      %and3A_1091 = arith.andi %ge3A_1088, %eq3A_1090 : i1
      %jit3A_1092 = arith.constant 1 : i32
      %jit3A_1093 = arith.constant 0 : i32
      %select_n3A_1094 = arith.select %and3A_1091, %jit3A_1092, %jit3A_1093 : i32
      %eq3A_1095 = arith.constant 1 : i32
      %eq3A_1096 = arith.cmpi eq, %select_n3A_1094, %eq3A_1095 : i32
      %select_n3A_1097 = arith.select %eq3A_1096, %sub3A_1084, %select_n3A_1075 : i32
      %eq3A_1098 = arith.constant 1 : i32
      %eq3A_1099 = arith.cmpi eq, %select_n3A_1094, %eq3A_1098 : i32
      %select_n3A_1100 = arith.select %eq3A_1099, %add3A_1080, %select_n3A_1078 : i32
      %or3A_1101 = arith.ori %or3A_1079, %select_n3A_1094 : i32
      %add3A_1102 = arith.addi %add3A_1080, %get3A_1086 : i32
      scf.yield %or3A_1101, %select_n3A_1097, %select_n3A_1100, %add3A_1102 : i32, i32, i32, i32
    }
    %scan3A_32 = arith.constant 16 : i32
    %mul3A_33 = arith.constant 8 : i32
    %mul3A_34 = arith.muli %scan3A_31#1, %mul3A_33 : i32
    %add3A_35 = arith.constant 7 : i32
    %add3A_36 = arith.addi %mul3A_34, %add3A_35 : i32
    %mul3A_37 = arith.constant 16 : i32
    %mul3A_38 = arith.muli %add3A_36, %mul3A_37 : i32
    %get3A = arith.index_cast %mul3A_38 : i32 to index
    %get3A_39 = tpu.vector_load %arg6[%get3A] {strides = array<i32>} : memref<2048xi32, #tpu.memory_space<vmem>>, vector<16xi32>,
    %reduce_sum3A = arith.constant true
    %reduce_sum3A_40 = vector.broadcast %reduce_sum3A : i1 to vector<16xi1>
    %reduce_sum3A_41 = tpu.scan <sum>, %get3A_39 masked %reduce_sum3A_40 : vector<16xi32>, vector<16xi1> -> vector<16xi32>
    %reduce_sum3A_42 = vector.extract %reduce_sum3A_41[15] : i32 from vector<16xi32>
    %add3A_43 = arith.addi %scan3A_31#2, %reduce_sum3A_42 : i32
    %ge3A = arith.constant 256 : i32
    %ge3A_44 = arith.cmpi sge, %add3A_43, %ge3A : i32
    %eq3A = arith.constant 0 : i32
    %eq3A_45 = arith.constant 0 : i32
    %eq3A_46 = arith.cmpi eq, %eq3A, %eq3A_45 : i32
    %and3A = arith.andi %ge3A_44, %eq3A_46 : i1
    %jit3A = arith.constant 1 : i32
    %jit3A_47 = arith.constant 0 : i32
    %select_n3A = arith.select %and3A, %jit3A, %jit3A_47 : i32
    %eq3A_48 = arith.constant 1 : i32
    %eq3A_49 = arith.cmpi eq, %select_n3A, %eq3A_48 : i32
    %mul3A_50 = arith.constant 8 : i32
    %mul3A_51 = arith.muli %scan3A_31#1, %mul3A_50 : i32
    %add3A_52 = arith.constant 7 : i32
    %add3A_53 = arith.addi %mul3A_51, %add3A_52 : i32
    %jit3A_54 = arith.constant 0 : i32
    %select_n3A_55 = arith.select %eq3A_49, %add3A_53, %jit3A_54 : i32
    %eq3A_56 = arith.constant 1 : i32
    %eq3A_57 = arith.cmpi eq, %select_n3A, %eq3A_56 : i32
    %jit3A_58 = arith.constant 0 : i32
    %select_n3A_59 = arith.select %eq3A_57, %scan3A_31#2, %jit3A_58 : i32
    %or3A = arith.constant 0 : i32
    %or3A_60 = arith.ori %or3A, %select_n3A : i32
    %add3A_61 = arith.addi %scan3A_31#2, %reduce_sum3A_42 : i32
    %mul3A_62 = arith.constant 8 : i32
    %mul3A_63 = arith.muli %scan3A_31#1, %mul3A_62 : i32
    %add3A_64 = arith.constant 6 : i32
    %add3A_65 = arith.addi %mul3A_63, %add3A_64 : i32
    %mul3A_66 = arith.constant 16 : i32
    %mul3A_67 = arith.muli %add3A_65, %mul3A_66 : i32
    %get3A_68 = arith.index_cast %mul3A_67 : i32 to index
    %get3A_69 = tpu.vector_load %arg6[%get3A_68] {strides = array<i32>} : memref<2048xi32, #tpu.memory_space<vmem>>, vector<16xi32>,
    %reduce_sum3A_70 = arith.constant true
    %reduce_sum3A_71 = vector.broadcast %reduce_sum3A_70 : i1 to vector<16xi1>
    %reduce_sum3A_72 = tpu.scan <sum>, %get3A_69 masked %reduce_sum3A_71 : vector<16xi32>, vector<16xi1> -> vector<16xi32>
    %reduce_sum3A_73 = vector.extract %reduce_sum3A_72[15] : i32 from vector<16xi32>
    %add3A_74 = arith.addi %add3A_61, %reduce_sum3A_73 : i32
    %ge3A_75 = arith.constant 256 : i32
    %ge3A_76 = arith.cmpi sge, %add3A_74, %ge3A_75 : i32
    %eq3A_77 = arith.constant 0 : i32
    %eq3A_78 = arith.cmpi eq, %or3A_60, %eq3A_77 : i32
    %and3A_79 = arith.andi %ge3A_76, %eq3A_78 : i1
    %jit3A_80 = arith.constant 1 : i32
    %jit3A_81 = arith.constant 0 : i32
    %select_n3A_82 = arith.select %and3A_79, %jit3A_80, %jit3A_81 : i32
    %eq3A_83 = arith.constant 1 : i32
    %eq3A_84 = arith.cmpi eq, %select_n3A_82, %eq3A_83 : i32
    %mul3A_85 = arith.constant 8 : i32
    %mul3A_86 = arith.muli %scan3A_31#1, %mul3A_85 : i32
    %add3A_87 = arith.constant 6 : i32
    %add3A_88 = arith.addi %mul3A_86, %add3A_87 : i32
    %select_n3A_89 = arith.select %eq3A_84, %add3A_88, %select_n3A_55 : i32
    %eq3A_90 = arith.constant 1 : i32
    %eq3A_91 = arith.cmpi eq, %select_n3A_82, %eq3A_90 : i32
    %select_n3A_92 = arith.select %eq3A_91, %add3A_61, %select_n3A_59 : i32
    %or3A_93 = arith.ori %or3A_60, %select_n3A_82 : i32
    %add3A_94 = arith.addi %add3A_61, %reduce_sum3A_73 : i32
    %mul3A_95 = arith.constant 8 : i32
    %mul3A_96 = arith.muli %scan3A_31#1, %mul3A_95 : i32
    %add3A_97 = arith.constant 5 : i32
    %add3A_98 = arith.addi %mul3A_96, %add3A_97 : i32
    %mul3A_99 = arith.constant 16 : i32
    %mul3A_100 = arith.muli %add3A_98, %mul3A_99 : i32
    %get3A_101 = arith.index_cast %mul3A_100 : i32 to index
    %get3A_102 = tpu.vector_load %arg6[%get3A_101] {strides = array<i32>} : memref<2048xi32, #tpu.memory_space<vmem>>, vector<16xi32>,
    %reduce_sum3A_103 = arith.constant true
    %reduce_sum3A_104 = vector.broadcast %reduce_sum3A_103 : i1 to vector<16xi1>
    %reduce_sum3A_105 = tpu.scan <sum>, %get3A_102 masked %reduce_sum3A_104 : vector<16xi32>, vector<16xi1> -> vector<16xi32>
    %reduce_sum3A_106 = vector.extract %reduce_sum3A_105[15] : i32 from vector<16xi32>
    %add3A_107 = arith.addi %add3A_94, %reduce_sum3A_106 : i32
    %ge3A_108 = arith.constant 256 : i32
    %ge3A_109 = arith.cmpi sge, %add3A_107, %ge3A_108 : i32
    %eq3A_110 = arith.constant 0 : i32
    %eq3A_111 = arith.cmpi eq, %or3A_93, %eq3A_110 : i32
    %and3A_112 = arith.andi %ge3A_109, %eq3A_111 : i1
    %jit3A_113 = arith.constant 1 : i32
    %jit3A_114 = arith.constant 0 : i32
    %select_n3A_115 = arith.select %and3A_112, %jit3A_113, %jit3A_114 : i32
    %eq3A_116 = arith.constant 1 : i32
    %eq3A_117 = arith.cmpi eq, %select_n3A_115, %eq3A_116 : i32
    %mul3A_118 = arith.constant 8 : i32
    %mul3A_119 = arith.muli %scan3A_31#1, %mul3A_118 : i32
    %add3A_120 = arith.constant 5 : i32
    %add3A_121 = arith.addi %mul3A_119, %add3A_120 : i32
    %select_n3A_122 = arith.select %eq3A_117, %add3A_121, %select_n3A_89 : i32
    %eq3A_123 = arith.constant 1 : i32
    %eq3A_124 = arith.cmpi eq, %select_n3A_115, %eq3A_123 : i32
    %select_n3A_125 = arith.select %eq3A_124, %add3A_94, %select_n3A_92 : i32
    %or3A_126 = arith.ori %or3A_93, %select_n3A_115 : i32
    %add3A_127 = arith.addi %add3A_94, %reduce_sum3A_106 : i32
    %mul3A_128 = arith.constant 8 : i32
    %mul3A_129 = arith.muli %scan3A_31#1, %mul3A_128 : i32
    %add3A_130 = arith.constant 4 : i32
    %add3A_131 = arith.addi %mul3A_129, %add3A_130 : i32
    %mul3A_132 = arith.constant 16 : i32
    %mul3A_133 = arith.muli %add3A_131, %mul3A_132 : i32
    %get3A_134 = arith.index_cast %mul3A_133 : i32 to index
    %get3A_135 = tpu.vector_load %arg6[%get3A_134] {strides = array<i32>} : memref<2048xi32, #tpu.memory_space<vmem>>, vector<16xi32>,
    %reduce_sum3A_136 = arith.constant true
    %reduce_sum3A_137 = vector.broadcast %reduce_sum3A_136 : i1 to vector<16xi1>
    %reduce_sum3A_138 = tpu.scan <sum>, %get3A_135 masked %reduce_sum3A_137 : vector<16xi32>, vector<16xi1> -> vector<16xi32>
    %reduce_sum3A_139 = vector.extract %reduce_sum3A_138[15] : i32 from vector<16xi32>
    %add3A_140 = arith.addi %add3A_127, %reduce_sum3A_139 : i32
    %ge3A_141 = arith.constant 256 : i32
    %ge3A_142 = arith.cmpi sge, %add3A_140, %ge3A_141 : i32
    %eq3A_143 = arith.constant 0 : i32
    %eq3A_144 = arith.cmpi eq, %or3A_126, %eq3A_143 : i32
    %and3A_145 = arith.andi %ge3A_142, %eq3A_144 : i1
    %jit3A_146 = arith.constant 1 : i32
    %jit3A_147 = arith.constant 0 : i32
    %select_n3A_148 = arith.select %and3A_145, %jit3A_146, %jit3A_147 : i32
    %eq3A_149 = arith.constant 1 : i32
    %eq3A_150 = arith.cmpi eq, %select_n3A_148, %eq3A_149 : i32
    %mul3A_151 = arith.constant 8 : i32
    %mul3A_152 = arith.muli %scan3A_31#1, %mul3A_151 : i32
    %add3A_153 = arith.constant 4 : i32
    %add3A_154 = arith.addi %mul3A_152, %add3A_153 : i32
    %select_n3A_155 = arith.select %eq3A_150, %add3A_154, %select_n3A_122 : i32
    %eq3A_156 = arith.constant 1 : i32
    %eq3A_157 = arith.cmpi eq, %select_n3A_148, %eq3A_156 : i32
    %select_n3A_158 = arith.select %eq3A_157, %add3A_127, %select_n3A_125 : i32
    %or3A_159 = arith.ori %or3A_126, %select_n3A_148 : i32
    %add3A_160 = arith.addi %add3A_127, %reduce_sum3A_139 : i32
    %mul3A_161 = arith.constant 8 : i32
    %mul3A_162 = arith.muli %scan3A_31#1, %mul3A_161 : i32
    %add3A_163 = arith.constant 3 : i32
    %add3A_164 = arith.addi %mul3A_162, %add3A_163 : i32
    %mul3A_165 = arith.constant 16 : i32
    %mul3A_166 = arith.muli %add3A_164, %mul3A_165 : i32
    %get3A_167 = arith.index_cast %mul3A_166 : i32 to index
    %get3A_168 = tpu.vector_load %arg6[%get3A_167] {strides = array<i32>} : memref<2048xi32, #tpu.memory_space<vmem>>, vector<16xi32>,
    %reduce_sum3A_169 = arith.constant true
    %reduce_sum3A_170 = vector.broadcast %reduce_sum3A_169 : i1 to vector<16xi1>
    %reduce_sum3A_171 = tpu.scan <sum>, %get3A_168 masked %reduce_sum3A_170 : vector<16xi32>, vector<16xi1> -> vector<16xi32>
    %reduce_sum3A_172 = vector.extract %reduce_sum3A_171[15] : i32 from vector<16xi32>
    %add3A_173 = arith.addi %add3A_160, %reduce_sum3A_172 : i32
    %ge3A_174 = arith.constant 256 : i32
    %ge3A_175 = arith.cmpi sge, %add3A_173, %ge3A_174 : i32
    %eq3A_176 = arith.constant 0 : i32
    %eq3A_177 = arith.cmpi eq, %or3A_159, %eq3A_176 : i32
    %and3A_178 = arith.andi %ge3A_175, %eq3A_177 : i1
    %jit3A_179 = arith.constant 1 : i32
    %jit3A_180 = arith.constant 0 : i32
    %select_n3A_181 = arith.select %and3A_178, %jit3A_179, %jit3A_180 : i32
    %eq3A_182 = arith.constant 1 : i32
    %eq3A_183 = arith.cmpi eq, %select_n3A_181, %eq3A_182 : i32
    %mul3A_184 = arith.constant 8 : i32
    %mul3A_185 = arith.muli %scan3A_31#1, %mul3A_184 : i32
    %add3A_186 = arith.constant 3 : i32
    %add3A_187 = arith.addi %mul3A_185, %add3A_186 : i32
    %select_n3A_188 = arith.select %eq3A_183, %add3A_187, %select_n3A_155 : i32
    %eq3A_189 = arith.constant 1 : i32
    %eq3A_190 = arith.cmpi eq, %select_n3A_181, %eq3A_189 : i32
    %select_n3A_191 = arith.select %eq3A_190, %add3A_160, %select_n3A_158 : i32
    %or3A_192 = arith.ori %or3A_159, %select_n3A_181 : i32
    %add3A_193 = arith.addi %add3A_160, %reduce_sum3A_172 : i32
    %mul3A_194 = arith.constant 8 : i32
    %mul3A_195 = arith.muli %scan3A_31#1, %mul3A_194 : i32
    %add3A_196 = arith.constant 2 : i32
    %add3A_197 = arith.addi %mul3A_195, %add3A_196 : i32
    %mul3A_198 = arith.constant 16 : i32
    %mul3A_199 = arith.muli %add3A_197, %mul3A_198 : i32
    %get3A_200 = arith.index_cast %mul3A_199 : i32 to index
    %get3A_201 = tpu.vector_load %arg6[%get3A_200] {strides = array<i32>} : memref<2048xi32, #tpu.memory_space<vmem>>, vector<16xi32>,
    %reduce_sum3A_202 = arith.constant true
    %reduce_sum3A_203 = vector.broadcast %reduce_sum3A_202 : i1 to vector<16xi1>
    %reduce_sum3A_204 = tpu.scan <sum>, %get3A_201 masked %reduce_sum3A_203 : vector<16xi32>, vector<16xi1> -> vector<16xi32>
    %reduce_sum3A_205 = vector.extract %reduce_sum3A_204[15] : i32 from vector<16xi32>
    %add3A_206 = arith.addi %add3A_193, %reduce_sum3A_205 : i32
    %ge3A_207 = arith.constant 256 : i32
    %ge3A_208 = arith.cmpi sge, %add3A_206, %ge3A_207 : i32
    %eq3A_209 = arith.constant 0 : i32
    %eq3A_210 = arith.cmpi eq, %or3A_192, %eq3A_209 : i32
    %and3A_211 = arith.andi %ge3A_208, %eq3A_210 : i1
    %jit3A_212 = arith.constant 1 : i32
    %jit3A_213 = arith.constant 0 : i32
    %select_n3A_214 = arith.select %and3A_211, %jit3A_212, %jit3A_213 : i32
    %eq3A_215 = arith.constant 1 : i32
    %eq3A_216 = arith.cmpi eq, %select_n3A_214, %eq3A_215 : i32
    %mul3A_217 = arith.constant 8 : i32
    %mul3A_218 = arith.muli %scan3A_31#1, %mul3A_217 : i32
    %add3A_219 = arith.constant 2 : i32
    %add3A_220 = arith.addi %mul3A_218, %add3A_219 : i32
    %select_n3A_221 = arith.select %eq3A_216, %add3A_220, %select_n3A_188 : i32
    %eq3A_222 = arith.constant 1 : i32
    %eq3A_223 = arith.cmpi eq, %select_n3A_214, %eq3A_222 : i32
    %select_n3A_224 = arith.select %eq3A_223, %add3A_193, %select_n3A_191 : i32
    %or3A_225 = arith.ori %or3A_192, %select_n3A_214 : i32
    %add3A_226 = arith.addi %add3A_193, %reduce_sum3A_205 : i32
    %mul3A_227 = arith.constant 8 : i32
    %mul3A_228 = arith.muli %scan3A_31#1, %mul3A_227 : i32
    %add3A_229 = arith.constant 1 : i32
    %add3A_230 = arith.addi %mul3A_228, %add3A_229 : i32
    %mul3A_231 = arith.constant 16 : i32
    %mul3A_232 = arith.muli %add3A_230, %mul3A_231 : i32
    %get3A_233 = arith.index_cast %mul3A_232 : i32 to index
    %get3A_234 = tpu.vector_load %arg6[%get3A_233] {strides = array<i32>} : memref<2048xi32, #tpu.memory_space<vmem>>, vector<16xi32>,
    %reduce_sum3A_235 = arith.constant true
    %reduce_sum3A_236 = vector.broadcast %reduce_sum3A_235 : i1 to vector<16xi1>
    %reduce_sum3A_237 = tpu.scan <sum>, %get3A_234 masked %reduce_sum3A_236 : vector<16xi32>, vector<16xi1> -> vector<16xi32>
    %reduce_sum3A_238 = vector.extract %reduce_sum3A_237[15] : i32 from vector<16xi32>
    %add3A_239 = arith.addi %add3A_226, %reduce_sum3A_238 : i32
    %ge3A_240 = arith.constant 256 : i32
    %ge3A_241 = arith.cmpi sge, %add3A_239, %ge3A_240 : i32
    %eq3A_242 = arith.constant 0 : i32
    %eq3A_243 = arith.cmpi eq, %or3A_225, %eq3A_242 : i32
    %and3A_244 = arith.andi %ge3A_241, %eq3A_243 : i1
    %jit3A_245 = arith.constant 1 : i32
    %jit3A_246 = arith.constant 0 : i32
    %select_n3A_247 = arith.select %and3A_244, %jit3A_245, %jit3A_246 : i32
    %eq3A_248 = arith.constant 1 : i32
    %eq3A_249 = arith.cmpi eq, %select_n3A_247, %eq3A_248 : i32
    %mul3A_250 = arith.constant 8 : i32
    %mul3A_251 = arith.muli %scan3A_31#1, %mul3A_250 : i32
    %add3A_252 = arith.constant 1 : i32
    %add3A_253 = arith.addi %mul3A_251, %add3A_252 : i32
    %select_n3A_254 = arith.select %eq3A_249, %add3A_253, %select_n3A_221 : i32
    %eq3A_255 = arith.constant 1 : i32
    %eq3A_256 = arith.cmpi eq, %select_n3A_247, %eq3A_255 : i32
    %select_n3A_257 = arith.select %eq3A_256, %add3A_226, %select_n3A_224 : i32
    %or3A_258 = arith.ori %or3A_225, %select_n3A_247 : i32
    %add3A_259 = arith.addi %add3A_226, %reduce_sum3A_238 : i32
    %mul3A_260 = arith.constant 8 : i32
    %mul3A_261 = arith.muli %scan3A_31#1, %mul3A_260 : i32
    %add3A_262 = arith.constant 0 : i32
    %add3A_263 = arith.addi %mul3A_261, %add3A_262 : i32
    %mul3A_264 = arith.constant 16 : i32
    %mul3A_265 = arith.muli %add3A_263, %mul3A_264 : i32
    %get3A_266 = arith.index_cast %mul3A_265 : i32 to index
    %get3A_267 = tpu.vector_load %arg6[%get3A_266] {strides = array<i32>} : memref<2048xi32, #tpu.memory_space<vmem>>, vector<16xi32>,
    %reduce_sum3A_268 = arith.constant true
    %reduce_sum3A_269 = vector.broadcast %reduce_sum3A_268 : i1 to vector<16xi1>
    %reduce_sum3A_270 = tpu.scan <sum>, %get3A_267 masked %reduce_sum3A_269 : vector<16xi32>, vector<16xi1> -> vector<16xi32>
    %reduce_sum3A_271 = vector.extract %reduce_sum3A_270[15] : i32 from vector<16xi32>
    %add3A_272 = arith.addi %add3A_259, %reduce_sum3A_271 : i32
    %ge3A_273 = arith.constant 256 : i32
    %ge3A_274 = arith.cmpi sge, %add3A_272, %ge3A_273 : i32
    %eq3A_275 = arith.constant 0 : i32
    %eq3A_276 = arith.cmpi eq, %or3A_258, %eq3A_275 : i32
    %and3A_277 = arith.andi %ge3A_274, %eq3A_276 : i1
    %jit3A_278 = arith.constant 1 : i32
    %jit3A_279 = arith.constant 0 : i32
    %select_n3A_280 = arith.select %and3A_277, %jit3A_278, %jit3A_279 : i32
    %eq3A_281 = arith.constant 1 : i32
    %eq3A_282 = arith.cmpi eq, %select_n3A_280, %eq3A_281 : i32
    %mul3A_283 = arith.constant 8 : i32
    %mul3A_284 = arith.muli %scan3A_31#1, %mul3A_283 : i32
    %add3A_285 = arith.constant 0 : i32
    %add3A_286 = arith.addi %mul3A_284, %add3A_285 : i32
    %select_n3A_287 = arith.select %eq3A_282, %add3A_286, %select_n3A_254 : i32
    %eq3A_288 = arith.constant 1 : i32
    %eq3A_289 = arith.cmpi eq, %select_n3A_280, %eq3A_288 : i32
    %select_n3A_290 = arith.select %eq3A_289, %add3A_259, %select_n3A_257 : i32
    %or3A_291 = arith.ori %or3A_258, %select_n3A_280 : i32
    %add3A_292 = arith.addi %add3A_259, %reduce_sum3A_271 : i32
    %mul3A_293 = arith.constant 16 : i32
    %mul3A_294 = arith.muli %select_n3A_287, %mul3A_293 : i32
    %get3A_295 = arith.index_cast %mul3A_294 : i32 to index
    %get3A_296 = tpu.vector_load %arg6[%get3A_295] {strides = array<i32>} : memref<2048xi32, #tpu.memory_space<vmem>>, vector<16xi32>,
    %rev3A = arith.constant 15 : i32
    %rev3A_297 = vector.broadcast %rev3A : i32 to vector<16xi32>
    %rev3A_298 = tpu.iota {dimensions = array<i32: 0>} : vector<16xi32>
    %rev3A_299 = arith.subi %rev3A_297, %rev3A_298 : vector<16xi32>
    %rev3A_300 = tpu.dynamic_gather %get3A_296[%rev3A_299] in [0] : vector<16xi32>, vector<16xi32> -> vector<16xi32>
    %cumsum3A = arith.constant true
    %cumsum3A_301 = vector.broadcast %cumsum3A : i1 to vector<16xi1>
    %cumsum3A_302 = tpu.scan <sum>, %rev3A_300 masked %cumsum3A_301 : vector<16xi32>, vector<16xi1> -> vector<16xi32>
    %rev3A_303 = arith.constant 15 : i32
    %rev3A_304 = vector.broadcast %rev3A_303 : i32 to vector<16xi32>
    %rev3A_305 = tpu.iota {dimensions = array<i32: 0>} : vector<16xi32>
    %rev3A_306 = arith.subi %rev3A_304, %rev3A_305 : vector<16xi32>
    %rev3A_307 = tpu.dynamic_gather %cumsum3A_302[%rev3A_306] in [0] : vector<16xi32>, vector<16xi32> -> vector<16xi32>
    %broadcast_in_dim3A_308 = vector.broadcast %select_n3A_290 : i32 to vector<16xi32>
    %add3A_309 = arith.addi %rev3A_307, %broadcast_in_dim3A_308 : vector<16xi32>
    %ge3A_310 = arith.cmpi sge, %add3A_309, %broadcast_in_dim3A_19 : vector<16xi32>
    %select_n3A_311 = arith.select %ge3A_310, %add3A_15, %broadcast_in_dim3A_17 : vector<16xi1>, vector<16xi32>
    %reduce_max3A = arith.constant true
    %reduce_max3A_312 = vector.broadcast %reduce_max3A : i1 to vector<16xi1>
    %reduce_max3A_313 = arith.constant -2147483648 : i32
    %reduce_max3A_314 = vector.broadcast %reduce_max3A_313 : i32 to vector<16xi32>
    %reduce_max3A_315 = arith.xori %select_n3A_311, %reduce_max3A_314 : vector<16xi32>
    %reduce_max3A_316 = tpu.scan <max>, %reduce_max3A_315 masked %reduce_max3A_312 : vector<16xi32>, vector<16xi1> -> vector<16xi32>
    %reduce_max3A_317 = arith.xori %reduce_max3A_316, %reduce_max3A_314 : vector<16xi32>
    %reduce_max3A_318 = vector.extract %reduce_max3A_317[15] : i32 from vector<16xi32>
    %select_n3A_319 = arith.select %ge3A_310, %broadcast_in_dim3A_17, %rev3A_307 : vector<16xi1>, vector<16xi32>
    %reduce_max3A_320 = arith.constant true
    %reduce_max3A_321 = vector.broadcast %reduce_max3A_320 : i1 to vector<16xi1>
    %reduce_max3A_322 = arith.constant -2147483648 : i32
    %reduce_max3A_323 = vector.broadcast %reduce_max3A_322 : i32 to vector<16xi32>
    %reduce_max3A_324 = arith.xori %select_n3A_319, %reduce_max3A_323 : vector<16xi32>
    %reduce_max3A_325 = tpu.scan <max>, %reduce_max3A_324 masked %reduce_max3A_321 : vector<16xi32>, vector<16xi1> -> vector<16xi32>
    %reduce_max3A_326 = arith.xori %reduce_max3A_325, %reduce_max3A_323 : vector<16xi32>
    %reduce_max3A_327 = vector.extract %reduce_max3A_326[15] : i32 from vector<16xi32>
    %mul3A_328 = arith.constant 16 : i32
    %mul3A_329 = arith.muli %select_n3A_287, %mul3A_328 : i32
    %sub3A = arith.constant 1 : i32
    %sub3A_330 = arith.subi %reduce_max3A_318, %sub3A : i32
    %add3A_331 = arith.addi %mul3A_329, %sub3A_330 : i32
    %add3A_332 = arith.addi %select_n3A_290, %reduce_max3A_327 : i32
    %sub3A_333 = arith.constant 256 : i32
    %sub3A_334 = arith.subi %sub3A_333, %add3A_332 : i32
    %broadcast_in_dim3A_335 = vector.broadcast %add3A_331 : i32 to vector<16xi32>
    %parallel_loop3A_336 = arith.constant 0 : i32
    %parallel_loop3A_337 = arith.constant 128 : i32
    %parallel_loop3A_338 = arith.constant 1 : i32
    scf.for %parallel_loop3A_1012 = %parallel_loop3A_336 to %parallel_loop3A_337 step %parallel_loop3A_338  : i32 {
      %parallel_loop3A_1013 = arith.constant 16 : i32
      %parallel_loop3A_1014 = arith.muli %parallel_loop3A_1012, %parallel_loop3A_1013 : i32
      %parallel_loop3A_1015 = arith.index_cast %parallel_loop3A_1014 : i32 to index
      %parallel_loop3A_1016 = tpu.vector_load %arg6[%parallel_loop3A_1015] {strides = array<i32>} : memref<2048xi32, #tpu.memory_space<vmem>>, vector<16xi32>,
      tpu.vector_store %arg6[%parallel_loop3A_1015], %broadcast_in_dim3A_2 {strides = array<i32>} : memref<2048xi32, #tpu.memory_space<vmem>>, vector<16xi32>,
    } {sc.loop_unroll_factor = 8 : i64, sc.parallel_access}
    %parallel_loop3A_339 = arith.constant 0 : i32
    %parallel_loop3A_340 = arith.constant 512 : i32
    %parallel_loop3A_341 = arith.constant 1 : i32
    %parallel_loop3A_342 = arith.constant 2047 : i32
    scf.for %parallel_loop3A_1012 = %parallel_loop3A_339 to %parallel_loop3A_340 step %parallel_loop3A_341  : i32 {
      %parallel_loop3A_1013 = arith.constant 16 : i32
      %parallel_loop3A_1014 = arith.muli %parallel_loop3A_1012, %parallel_loop3A_1013 : i32
      %parallel_loop3A_1015 = arith.index_cast %parallel_loop3A_1014 : i32 to index
      %parallel_loop3A_1016 = tpu.vector_load %arg5[%parallel_loop3A_1015] {strides = array<i32>} : memref<8192xi32, #tpu.memory_space<vmem>>, vector<16xi32>,
      %parallel_loop3A_1017 = arith.constant 21 : i32
      %parallel_loop3A_1018 = vector.broadcast %parallel_loop3A_1017 : i32 to vector<16xi32>
      %parallel_loop3A_1019 = arith.shrui %parallel_loop3A_1016, %parallel_loop3A_1018 : vector<16xi32>
      %parallel_loop3A_1020 = arith.cmpi eq, %parallel_loop3A_1019, %broadcast_in_dim3A_335 : vector<16xi32>
      %parallel_loop3A_1021 = arith.constant 10 : i32
      %parallel_loop3A_1022 = vector.broadcast %parallel_loop3A_1021 : i32 to vector<16xi32>
      %parallel_loop3A_1023 = arith.shrui %parallel_loop3A_1016, %parallel_loop3A_1022 : vector<16xi32>
      %parallel_loop3A_1024 = vector.broadcast %parallel_loop3A_342 : i32 to vector<16xi32>
      %parallel_loop3A_1025 = arith.andi %parallel_loop3A_1023, %parallel_loop3A_1024 : vector<16xi32>
      tpu.vector_store_idx %arg6[%parallel_loop3A_1025], %broadcast_in_dim3A_0 masked %parallel_loop3A_1020 {add = true} : memref<2048xi32, #tpu.memory_space<vmem>>[vector<16xi32>], vector<16xi32>, vector<16xi1>
    } {sc.loop_unroll_factor = 16 : i64, sc.parallel_access}
    %iota3A_343 = tpu.iota {dimensions = array<i32: 0>} : vector<16xi32>
    %add3A_344 = arith.constant 1 : i32
    %add3A_345 = vector.broadcast %add3A_344 : i32 to vector<16xi32>
    %add3A_346 = arith.addi %iota3A_343, %add3A_345 : vector<16xi32>
    %broadcast_in_dim3A_347 = arith.constant 0 : i32
    %broadcast_in_dim3A_348 = vector.broadcast %broadcast_in_dim3A_347 : i32 to vector<16xi32>
    %broadcast_in_dim3A_349 = vector.broadcast %sub3A_334 : i32 to vector<16xi32>
    %parallel_loop3A_350 = arith.constant 0 : i32
    %parallel_loop3A_351 = arith.constant 16 : i32
    %parallel_loop3A_352 = arith.constant 1 : i32
    scf.for %parallel_loop3A_1012 = %parallel_loop3A_350 to %parallel_loop3A_351 step %parallel_loop3A_352  : i32 {
      %parallel_loop3A_1013 = arith.constant 128 : i32
      %parallel_loop3A_1014 = arith.muli %parallel_loop3A_1012, %parallel_loop3A_1013 : i32
      %parallel_loop3A_1015 = arith.index_cast %parallel_loop3A_1014 : i32 to index
      %parallel_loop3A_1016 = tpu.vector_load %arg6[%parallel_loop3A_1015] {strides = array<i32>} : memref<2048xi32, #tpu.memory_space<vmem>>, vector<16xi32>,
      %parallel_loop3A_1017 = arith.constant 128 : i32
      %parallel_loop3A_1018 = arith.muli %parallel_loop3A_1012, %parallel_loop3A_1017 : i32
      %parallel_loop3A_1019 = arith.constant 16 : i32
      %parallel_loop3A_1020 = arith.addi %parallel_loop3A_1018, %parallel_loop3A_1019 : i32
      %parallel_loop3A_1021 = arith.index_cast %parallel_loop3A_1020 : i32 to index
      %parallel_loop3A_1022 = tpu.vector_load %arg6[%parallel_loop3A_1021] {strides = array<i32>} : memref<2048xi32, #tpu.memory_space<vmem>>, vector<16xi32>,
      %parallel_loop3A_1023 = arith.addi %parallel_loop3A_1016, %parallel_loop3A_1022 : vector<16xi32>
      %parallel_loop3A_1024 = arith.constant 128 : i32
      %parallel_loop3A_1025 = arith.muli %parallel_loop3A_1012, %parallel_loop3A_1024 : i32
      %parallel_loop3A_1026 = arith.constant 32 : i32
      %parallel_loop3A_1027 = arith.addi %parallel_loop3A_1025, %parallel_loop3A_1026 : i32
      %parallel_loop3A_1028 = arith.index_cast %parallel_loop3A_1027 : i32 to index
      %parallel_loop3A_1029 = tpu.vector_load %arg6[%parallel_loop3A_1028] {strides = array<i32>} : memref<2048xi32, #tpu.memory_space<vmem>>, vector<16xi32>,
      %parallel_loop3A_1030 = arith.addi %parallel_loop3A_1023, %parallel_loop3A_1029 : vector<16xi32>
      %parallel_loop3A_1031 = arith.constant 128 : i32
      %parallel_loop3A_1032 = arith.muli %parallel_loop3A_1012, %parallel_loop3A_1031 : i32
      %parallel_loop3A_1033 = arith.constant 48 : i32
      %parallel_loop3A_1034 = arith.addi %parallel_loop3A_1032, %parallel_loop3A_1033 : i32
      %parallel_loop3A_1035 = arith.index_cast %parallel_loop3A_1034 : i32 to index
      %parallel_loop3A_1036 = tpu.vector_load %arg6[%parallel_loop3A_1035] {strides = array<i32>} : memref<2048xi32, #tpu.memory_space<vmem>>, vector<16xi32>,
      %parallel_loop3A_1037 = arith.addi %parallel_loop3A_1030, %parallel_loop3A_1036 : vector<16xi32>
      %parallel_loop3A_1038 = arith.constant 128 : i32
      %parallel_loop3A_1039 = arith.muli %parallel_loop3A_1012, %parallel_loop3A_1038 : i32
      %parallel_loop3A_1040 = arith.constant 64 : i32
      %parallel_loop3A_1041 = arith.addi %parallel_loop3A_1039, %parallel_loop3A_1040 : i32
      %parallel_loop3A_1042 = arith.index_cast %parallel_loop3A_1041 : i32 to index
      %parallel_loop3A_1043 = tpu.vector_load %arg6[%parallel_loop3A_1042] {strides = array<i32>} : memref<2048xi32, #tpu.memory_space<vmem>>, vector<16xi32>,
      %parallel_loop3A_1044 = arith.addi %parallel_loop3A_1037, %parallel_loop3A_1043 : vector<16xi32>
      %parallel_loop3A_1045 = arith.constant 128 : i32
      %parallel_loop3A_1046 = arith.muli %parallel_loop3A_1012, %parallel_loop3A_1045 : i32
      %parallel_loop3A_1047 = arith.constant 80 : i32
      %parallel_loop3A_1048 = arith.addi %parallel_loop3A_1046, %parallel_loop3A_1047 : i32
      %parallel_loop3A_1049 = arith.index_cast %parallel_loop3A_1048 : i32 to index
      %parallel_loop3A_1050 = tpu.vector_load %arg6[%parallel_loop3A_1049] {strides = array<i32>} : memref<2048xi32, #tpu.memory_space<vmem>>, vector<16xi32>,
      %parallel_loop3A_1051 = arith.addi %parallel_loop3A_1044, %parallel_loop3A_1050 : vector<16xi32>
      %parallel_loop3A_1052 = arith.constant 128 : i32
      %parallel_loop3A_1053 = arith.muli %parallel_loop3A_1012, %parallel_loop3A_1052 : i32
      %parallel_loop3A_1054 = arith.constant 96 : i32
      %parallel_loop3A_1055 = arith.addi %parallel_loop3A_1053, %parallel_loop3A_1054 : i32
      %parallel_loop3A_1056 = arith.index_cast %parallel_loop3A_1055 : i32 to index
      %parallel_loop3A_1057 = tpu.vector_load %arg6[%parallel_loop3A_1056] {strides = array<i32>} : memref<2048xi32, #tpu.memory_space<vmem>>, vector<16xi32>,
      %parallel_loop3A_1058 = arith.addi %parallel_loop3A_1051, %parallel_loop3A_1057 : vector<16xi32>
      %parallel_loop3A_1059 = arith.constant 128 : i32
      %parallel_loop3A_1060 = arith.muli %parallel_loop3A_1012, %parallel_loop3A_1059 : i32
      %parallel_loop3A_1061 = arith.constant 112 : i32
      %parallel_loop3A_1062 = arith.addi %parallel_loop3A_1060, %parallel_loop3A_1061 : i32
      %parallel_loop3A_1063 = arith.index_cast %parallel_loop3A_1062 : i32 to index
      %parallel_loop3A_1064 = tpu.vector_load %arg6[%parallel_loop3A_1063] {strides = array<i32>} : memref<2048xi32, #tpu.memory_space<vmem>>, vector<16xi32>,
      %parallel_loop3A_1065 = arith.addi %parallel_loop3A_1058, %parallel_loop3A_1064 : vector<16xi32>
      %parallel_loop3A_1066 = arith.constant true
      %parallel_loop3A_1067 = vector.broadcast %parallel_loop3A_1066 : i1 to vector<16xi1>
      %parallel_loop3A_1068 = tpu.scan <sum>, %parallel_loop3A_1065 masked %parallel_loop3A_1067 : vector<16xi32>, vector<16xi1> -> vector<16xi32>
      %parallel_loop3A_1069 = vector.extract %parallel_loop3A_1068[15] : i32 from vector<16xi32>
      %parallel_loop3A_1070 = arith.index_cast %parallel_loop3A_1012 : i32 to index
      %parallel_loop3A_1071 = memref.load %arg7[%parallel_loop3A_1070] : memref<128xi32, #tpu.memory_space<smem>>
      memref.store %parallel_loop3A_1069, %arg7[%parallel_loop3A_1070] : memref<128xi32, #tpu.memory_space<smem>>
    } {sc.loop_unroll_factor = 4 : i64, sc.parallel_access}
    %scan3A_353 = arith.constant 0 : i32
    %scan3A_354 = arith.constant 0 : i32
    %scan3A_355 = arith.constant 0 : i32
    %scan3A_356 = arith.constant 0 : i32
    %scan3A_357 = arith.constant 0 : i32
    %scan3A_358 = arith.constant 16 : i32
    %scan3A_359 = arith.addi %scan3A_357, %scan3A_358 : i32
    %scan3A_360 = arith.constant 4 : i32
    %scan3A_361:4 = scf.for %scan3A_1012 = %scan3A_357 to %scan3A_359 step %scan3A_360 iter_args(%scan3A_1013 = %scan3A_353, %scan3A_1014 = %scan3A_354, %scan3A_1015 = %scan3A_355, %scan3A_1016 = %scan3A_356) -> (i32, i32, i32, i32)  : i32 {
      %sub3A_1017 = arith.constant 15 : i32
      %sub3A_1018 = arith.subi %sub3A_1017, %scan3A_1012 : i32
      %get3A_1019 = arith.index_cast %sub3A_1018 : i32 to index
      %get3A_1020 = memref.load %arg7[%get3A_1019] : memref<128xi32, #tpu.memory_space<smem>>
      %add3A_1021 = arith.addi %scan3A_1016, %get3A_1020 : i32
      %ge3A_1022 = arith.cmpi sge, %add3A_1021, %sub3A_334 : i32
      %eq3A_1023 = arith.constant 0 : i32
      %eq3A_1024 = arith.cmpi eq, %scan3A_1013, %eq3A_1023 : i32
      %and3A_1025 = arith.andi %ge3A_1022, %eq3A_1024 : i1
      %jit3A_1026 = arith.constant 1 : i32
      %jit3A_1027 = arith.constant 0 : i32
      %select_n3A_1028 = arith.select %and3A_1025, %jit3A_1026, %jit3A_1027 : i32
      %eq3A_1029 = arith.constant 1 : i32
      %eq3A_1030 = arith.cmpi eq, %select_n3A_1028, %eq3A_1029 : i32
      %select_n3A_1031 = arith.select %eq3A_1030, %sub3A_1018, %scan3A_1014 : i32
      %eq3A_1032 = arith.constant 1 : i32
      %eq3A_1033 = arith.cmpi eq, %select_n3A_1028, %eq3A_1032 : i32
      %select_n3A_1034 = arith.select %eq3A_1033, %scan3A_1016, %scan3A_1015 : i32
      %or3A_1035 = arith.ori %scan3A_1013, %select_n3A_1028 : i32
      %add3A_1036 = arith.addi %scan3A_1016, %get3A_1020 : i32
      %scan3A_1037 = arith.constant 1 : i32
      %scan3A_1038 = arith.addi %scan3A_1012, %scan3A_1037 : i32
      %sub3A_1039 = arith.constant 15 : i32
      %sub3A_1040 = arith.subi %sub3A_1039, %scan3A_1038 : i32
      %get3A_1041 = arith.index_cast %sub3A_1040 : i32 to index
      %get3A_1042 = memref.load %arg7[%get3A_1041] : memref<128xi32, #tpu.memory_space<smem>>
      %add3A_1043 = arith.addi %add3A_1036, %get3A_1042 : i32
      %ge3A_1044 = arith.cmpi sge, %add3A_1043, %sub3A_334 : i32
      %eq3A_1045 = arith.constant 0 : i32
      %eq3A_1046 = arith.cmpi eq, %or3A_1035, %eq3A_1045 : i32
      %and3A_1047 = arith.andi %ge3A_1044, %eq3A_1046 : i1
      %jit3A_1048 = arith.constant 1 : i32
      %jit3A_1049 = arith.constant 0 : i32
      %select_n3A_1050 = arith.select %and3A_1047, %jit3A_1048, %jit3A_1049 : i32
      %eq3A_1051 = arith.constant 1 : i32
      %eq3A_1052 = arith.cmpi eq, %select_n3A_1050, %eq3A_1051 : i32
      %select_n3A_1053 = arith.select %eq3A_1052, %sub3A_1040, %select_n3A_1031 : i32
      %eq3A_1054 = arith.constant 1 : i32
      %eq3A_1055 = arith.cmpi eq, %select_n3A_1050, %eq3A_1054 : i32
      %select_n3A_1056 = arith.select %eq3A_1055, %add3A_1036, %select_n3A_1034 : i32
      %or3A_1057 = arith.ori %or3A_1035, %select_n3A_1050 : i32
      %add3A_1058 = arith.addi %add3A_1036, %get3A_1042 : i32
      %scan3A_1059 = arith.constant 2 : i32
      %scan3A_1060 = arith.addi %scan3A_1012, %scan3A_1059 : i32
      %sub3A_1061 = arith.constant 15 : i32
      %sub3A_1062 = arith.subi %sub3A_1061, %scan3A_1060 : i32
      %get3A_1063 = arith.index_cast %sub3A_1062 : i32 to index
      %get3A_1064 = memref.load %arg7[%get3A_1063] : memref<128xi32, #tpu.memory_space<smem>>
      %add3A_1065 = arith.addi %add3A_1058, %get3A_1064 : i32
      %ge3A_1066 = arith.cmpi sge, %add3A_1065, %sub3A_334 : i32
      %eq3A_1067 = arith.constant 0 : i32
      %eq3A_1068 = arith.cmpi eq, %or3A_1057, %eq3A_1067 : i32
      %and3A_1069 = arith.andi %ge3A_1066, %eq3A_1068 : i1
      %jit3A_1070 = arith.constant 1 : i32
      %jit3A_1071 = arith.constant 0 : i32
      %select_n3A_1072 = arith.select %and3A_1069, %jit3A_1070, %jit3A_1071 : i32
      %eq3A_1073 = arith.constant 1 : i32
      %eq3A_1074 = arith.cmpi eq, %select_n3A_1072, %eq3A_1073 : i32
      %select_n3A_1075 = arith.select %eq3A_1074, %sub3A_1062, %select_n3A_1053 : i32
      %eq3A_1076 = arith.constant 1 : i32
      %eq3A_1077 = arith.cmpi eq, %select_n3A_1072, %eq3A_1076 : i32
      %select_n3A_1078 = arith.select %eq3A_1077, %add3A_1058, %select_n3A_1056 : i32
      %or3A_1079 = arith.ori %or3A_1057, %select_n3A_1072 : i32
      %add3A_1080 = arith.addi %add3A_1058, %get3A_1064 : i32
      %scan3A_1081 = arith.constant 3 : i32
      %scan3A_1082 = arith.addi %scan3A_1012, %scan3A_1081 : i32
      %sub3A_1083 = arith.constant 15 : i32
      %sub3A_1084 = arith.subi %sub3A_1083, %scan3A_1082 : i32
      %get3A_1085 = arith.index_cast %sub3A_1084 : i32 to index
      %get3A_1086 = memref.load %arg7[%get3A_1085] : memref<128xi32, #tpu.memory_space<smem>>
      %add3A_1087 = arith.addi %add3A_1080, %get3A_1086 : i32
      %ge3A_1088 = arith.cmpi sge, %add3A_1087, %sub3A_334 : i32
      %eq3A_1089 = arith.constant 0 : i32
      %eq3A_1090 = arith.cmpi eq, %or3A_1079, %eq3A_1089 : i32
      %and3A_1091 = arith.andi %ge3A_1088, %eq3A_1090 : i1
      %jit3A_1092 = arith.constant 1 : i32
      %jit3A_1093 = arith.constant 0 : i32
      %select_n3A_1094 = arith.select %and3A_1091, %jit3A_1092, %jit3A_1093 : i32
      %eq3A_1095 = arith.constant 1 : i32
      %eq3A_1096 = arith.cmpi eq, %select_n3A_1094, %eq3A_1095 : i32
      %select_n3A_1097 = arith.select %eq3A_1096, %sub3A_1084, %select_n3A_1075 : i32
      %eq3A_1098 = arith.constant 1 : i32
      %eq3A_1099 = arith.cmpi eq, %select_n3A_1094, %eq3A_1098 : i32
      %select_n3A_1100 = arith.select %eq3A_1099, %add3A_1080, %select_n3A_1078 : i32
      %or3A_1101 = arith.ori %or3A_1079, %select_n3A_1094 : i32
      %add3A_1102 = arith.addi %add3A_1080, %get3A_1086 : i32
      scf.yield %or3A_1101, %select_n3A_1097, %select_n3A_1100, %add3A_1102 : i32, i32, i32, i32
    }
    %scan3A_362 = arith.constant 16 : i32
    %mul3A_363 = arith.constant 8 : i32
    %mul3A_364 = arith.muli %scan3A_361#1, %mul3A_363 : i32
    %add3A_365 = arith.constant 7 : i32
    %add3A_366 = arith.addi %mul3A_364, %add3A_365 : i32
    %mul3A_367 = arith.constant 16 : i32
    %mul3A_368 = arith.muli %add3A_366, %mul3A_367 : i32
    %get3A_369 = arith.index_cast %mul3A_368 : i32 to index
    %get3A_370 = tpu.vector_load %arg6[%get3A_369] {strides = array<i32>} : memref<2048xi32, #tpu.memory_space<vmem>>, vector<16xi32>,
    %reduce_sum3A_371 = arith.constant true
    %reduce_sum3A_372 = vector.broadcast %reduce_sum3A_371 : i1 to vector<16xi1>
    %reduce_sum3A_373 = tpu.scan <sum>, %get3A_370 masked %reduce_sum3A_372 : vector<16xi32>, vector<16xi1> -> vector<16xi32>
    %reduce_sum3A_374 = vector.extract %reduce_sum3A_373[15] : i32 from vector<16xi32>
    %add3A_375 = arith.addi %scan3A_361#2, %reduce_sum3A_374 : i32
    %ge3A_376 = arith.cmpi sge, %add3A_375, %sub3A_334 : i32
    %eq3A_377 = arith.constant 0 : i32
    %eq3A_378 = arith.constant 0 : i32
    %eq3A_379 = arith.cmpi eq, %eq3A_377, %eq3A_378 : i32
    %and3A_380 = arith.andi %ge3A_376, %eq3A_379 : i1
    %jit3A_381 = arith.constant 1 : i32
    %jit3A_382 = arith.constant 0 : i32
    %select_n3A_383 = arith.select %and3A_380, %jit3A_381, %jit3A_382 : i32
    %eq3A_384 = arith.constant 1 : i32
    %eq3A_385 = arith.cmpi eq, %select_n3A_383, %eq3A_384 : i32
    %mul3A_386 = arith.constant 8 : i32
    %mul3A_387 = arith.muli %scan3A_361#1, %mul3A_386 : i32
    %add3A_388 = arith.constant 7 : i32
    %add3A_389 = arith.addi %mul3A_387, %add3A_388 : i32
    %jit3A_390 = arith.constant 0 : i32
    %select_n3A_391 = arith.select %eq3A_385, %add3A_389, %jit3A_390 : i32
    %eq3A_392 = arith.constant 1 : i32
    %eq3A_393 = arith.cmpi eq, %select_n3A_383, %eq3A_392 : i32
    %jit3A_394 = arith.constant 0 : i32
    %select_n3A_395 = arith.select %eq3A_393, %scan3A_361#2, %jit3A_394 : i32
    %or3A_396 = arith.constant 0 : i32
    %or3A_397 = arith.ori %or3A_396, %select_n3A_383 : i32
    %add3A_398 = arith.addi %scan3A_361#2, %reduce_sum3A_374 : i32
    %mul3A_399 = arith.constant 8 : i32
    %mul3A_400 = arith.muli %scan3A_361#1, %mul3A_399 : i32
    %add3A_401 = arith.constant 6 : i32
    %add3A_402 = arith.addi %mul3A_400, %add3A_401 : i32
    %mul3A_403 = arith.constant 16 : i32
    %mul3A_404 = arith.muli %add3A_402, %mul3A_403 : i32
    %get3A_405 = arith.index_cast %mul3A_404 : i32 to index
    %get3A_406 = tpu.vector_load %arg6[%get3A_405] {strides = array<i32>} : memref<2048xi32, #tpu.memory_space<vmem>>, vector<16xi32>,
    %reduce_sum3A_407 = arith.constant true
    %reduce_sum3A_408 = vector.broadcast %reduce_sum3A_407 : i1 to vector<16xi1>
    %reduce_sum3A_409 = tpu.scan <sum>, %get3A_406 masked %reduce_sum3A_408 : vector<16xi32>, vector<16xi1> -> vector<16xi32>
    %reduce_sum3A_410 = vector.extract %reduce_sum3A_409[15] : i32 from vector<16xi32>
    %add3A_411 = arith.addi %add3A_398, %reduce_sum3A_410 : i32
    %ge3A_412 = arith.cmpi sge, %add3A_411, %sub3A_334 : i32
    %eq3A_413 = arith.constant 0 : i32
    %eq3A_414 = arith.cmpi eq, %or3A_397, %eq3A_413 : i32
    %and3A_415 = arith.andi %ge3A_412, %eq3A_414 : i1
    %jit3A_416 = arith.constant 1 : i32
    %jit3A_417 = arith.constant 0 : i32
    %select_n3A_418 = arith.select %and3A_415, %jit3A_416, %jit3A_417 : i32
    %eq3A_419 = arith.constant 1 : i32
    %eq3A_420 = arith.cmpi eq, %select_n3A_418, %eq3A_419 : i32
    %mul3A_421 = arith.constant 8 : i32
    %mul3A_422 = arith.muli %scan3A_361#1, %mul3A_421 : i32
    %add3A_423 = arith.constant 6 : i32
    %add3A_424 = arith.addi %mul3A_422, %add3A_423 : i32
    %select_n3A_425 = arith.select %eq3A_420, %add3A_424, %select_n3A_391 : i32
    %eq3A_426 = arith.constant 1 : i32
    %eq3A_427 = arith.cmpi eq, %select_n3A_418, %eq3A_426 : i32
    %select_n3A_428 = arith.select %eq3A_427, %add3A_398, %select_n3A_395 : i32
    %or3A_429 = arith.ori %or3A_397, %select_n3A_418 : i32
    %add3A_430 = arith.addi %add3A_398, %reduce_sum3A_410 : i32
    %mul3A_431 = arith.constant 8 : i32
    %mul3A_432 = arith.muli %scan3A_361#1, %mul3A_431 : i32
    %add3A_433 = arith.constant 5 : i32
    %add3A_434 = arith.addi %mul3A_432, %add3A_433 : i32
    %mul3A_435 = arith.constant 16 : i32
    %mul3A_436 = arith.muli %add3A_434, %mul3A_435 : i32
    %get3A_437 = arith.index_cast %mul3A_436 : i32 to index
    %get3A_438 = tpu.vector_load %arg6[%get3A_437] {strides = array<i32>} : memref<2048xi32, #tpu.memory_space<vmem>>, vector<16xi32>,
    %reduce_sum3A_439 = arith.constant true
    %reduce_sum3A_440 = vector.broadcast %reduce_sum3A_439 : i1 to vector<16xi1>
    %reduce_sum3A_441 = tpu.scan <sum>, %get3A_438 masked %reduce_sum3A_440 : vector<16xi32>, vector<16xi1> -> vector<16xi32>
    %reduce_sum3A_442 = vector.extract %reduce_sum3A_441[15] : i32 from vector<16xi32>
    %add3A_443 = arith.addi %add3A_430, %reduce_sum3A_442 : i32
    %ge3A_444 = arith.cmpi sge, %add3A_443, %sub3A_334 : i32
    %eq3A_445 = arith.constant 0 : i32
    %eq3A_446 = arith.cmpi eq, %or3A_429, %eq3A_445 : i32
    %and3A_447 = arith.andi %ge3A_444, %eq3A_446 : i1
    %jit3A_448 = arith.constant 1 : i32
    %jit3A_449 = arith.constant 0 : i32
    %select_n3A_450 = arith.select %and3A_447, %jit3A_448, %jit3A_449 : i32
    %eq3A_451 = arith.constant 1 : i32
    %eq3A_452 = arith.cmpi eq, %select_n3A_450, %eq3A_451 : i32
    %mul3A_453 = arith.constant 8 : i32
    %mul3A_454 = arith.muli %scan3A_361#1, %mul3A_453 : i32
    %add3A_455 = arith.constant 5 : i32
    %add3A_456 = arith.addi %mul3A_454, %add3A_455 : i32
    %select_n3A_457 = arith.select %eq3A_452, %add3A_456, %select_n3A_425 : i32
    %eq3A_458 = arith.constant 1 : i32
    %eq3A_459 = arith.cmpi eq, %select_n3A_450, %eq3A_458 : i32
    %select_n3A_460 = arith.select %eq3A_459, %add3A_430, %select_n3A_428 : i32
    %or3A_461 = arith.ori %or3A_429, %select_n3A_450 : i32
    %add3A_462 = arith.addi %add3A_430, %reduce_sum3A_442 : i32
    %mul3A_463 = arith.constant 8 : i32
    %mul3A_464 = arith.muli %scan3A_361#1, %mul3A_463 : i32
    %add3A_465 = arith.constant 4 : i32
    %add3A_466 = arith.addi %mul3A_464, %add3A_465 : i32
    %mul3A_467 = arith.constant 16 : i32
    %mul3A_468 = arith.muli %add3A_466, %mul3A_467 : i32
    %get3A_469 = arith.index_cast %mul3A_468 : i32 to index
    %get3A_470 = tpu.vector_load %arg6[%get3A_469] {strides = array<i32>} : memref<2048xi32, #tpu.memory_space<vmem>>, vector<16xi32>,
    %reduce_sum3A_471 = arith.constant true
    %reduce_sum3A_472 = vector.broadcast %reduce_sum3A_471 : i1 to vector<16xi1>
    %reduce_sum3A_473 = tpu.scan <sum>, %get3A_470 masked %reduce_sum3A_472 : vector<16xi32>, vector<16xi1> -> vector<16xi32>
    %reduce_sum3A_474 = vector.extract %reduce_sum3A_473[15] : i32 from vector<16xi32>
    %add3A_475 = arith.addi %add3A_462, %reduce_sum3A_474 : i32
    %ge3A_476 = arith.cmpi sge, %add3A_475, %sub3A_334 : i32
    %eq3A_477 = arith.constant 0 : i32
    %eq3A_478 = arith.cmpi eq, %or3A_461, %eq3A_477 : i32
    %and3A_479 = arith.andi %ge3A_476, %eq3A_478 : i1
    %jit3A_480 = arith.constant 1 : i32
    %jit3A_481 = arith.constant 0 : i32
    %select_n3A_482 = arith.select %and3A_479, %jit3A_480, %jit3A_481 : i32
    %eq3A_483 = arith.constant 1 : i32
    %eq3A_484 = arith.cmpi eq, %select_n3A_482, %eq3A_483 : i32
    %mul3A_485 = arith.constant 8 : i32
    %mul3A_486 = arith.muli %scan3A_361#1, %mul3A_485 : i32
    %add3A_487 = arith.constant 4 : i32
    %add3A_488 = arith.addi %mul3A_486, %add3A_487 : i32
    %select_n3A_489 = arith.select %eq3A_484, %add3A_488, %select_n3A_457 : i32
    %eq3A_490 = arith.constant 1 : i32
    %eq3A_491 = arith.cmpi eq, %select_n3A_482, %eq3A_490 : i32
    %select_n3A_492 = arith.select %eq3A_491, %add3A_462, %select_n3A_460 : i32
    %or3A_493 = arith.ori %or3A_461, %select_n3A_482 : i32
    %add3A_494 = arith.addi %add3A_462, %reduce_sum3A_474 : i32
    %mul3A_495 = arith.constant 8 : i32
    %mul3A_496 = arith.muli %scan3A_361#1, %mul3A_495 : i32
    %add3A_497 = arith.constant 3 : i32
    %add3A_498 = arith.addi %mul3A_496, %add3A_497 : i32
    %mul3A_499 = arith.constant 16 : i32
    %mul3A_500 = arith.muli %add3A_498, %mul3A_499 : i32
    %get3A_501 = arith.index_cast %mul3A_500 : i32 to index
    %get3A_502 = tpu.vector_load %arg6[%get3A_501] {strides = array<i32>} : memref<2048xi32, #tpu.memory_space<vmem>>, vector<16xi32>,
    %reduce_sum3A_503 = arith.constant true
    %reduce_sum3A_504 = vector.broadcast %reduce_sum3A_503 : i1 to vector<16xi1>
    %reduce_sum3A_505 = tpu.scan <sum>, %get3A_502 masked %reduce_sum3A_504 : vector<16xi32>, vector<16xi1> -> vector<16xi32>
    %reduce_sum3A_506 = vector.extract %reduce_sum3A_505[15] : i32 from vector<16xi32>
    %add3A_507 = arith.addi %add3A_494, %reduce_sum3A_506 : i32
    %ge3A_508 = arith.cmpi sge, %add3A_507, %sub3A_334 : i32
    %eq3A_509 = arith.constant 0 : i32
    %eq3A_510 = arith.cmpi eq, %or3A_493, %eq3A_509 : i32
    %and3A_511 = arith.andi %ge3A_508, %eq3A_510 : i1
    %jit3A_512 = arith.constant 1 : i32
    %jit3A_513 = arith.constant 0 : i32
    %select_n3A_514 = arith.select %and3A_511, %jit3A_512, %jit3A_513 : i32
    %eq3A_515 = arith.constant 1 : i32
    %eq3A_516 = arith.cmpi eq, %select_n3A_514, %eq3A_515 : i32
    %mul3A_517 = arith.constant 8 : i32
    %mul3A_518 = arith.muli %scan3A_361#1, %mul3A_517 : i32
    %add3A_519 = arith.constant 3 : i32
    %add3A_520 = arith.addi %mul3A_518, %add3A_519 : i32
    %select_n3A_521 = arith.select %eq3A_516, %add3A_520, %select_n3A_489 : i32
    %eq3A_522 = arith.constant 1 : i32
    %eq3A_523 = arith.cmpi eq, %select_n3A_514, %eq3A_522 : i32
    %select_n3A_524 = arith.select %eq3A_523, %add3A_494, %select_n3A_492 : i32
    %or3A_525 = arith.ori %or3A_493, %select_n3A_514 : i32
    %add3A_526 = arith.addi %add3A_494, %reduce_sum3A_506 : i32
    %mul3A_527 = arith.constant 8 : i32
    %mul3A_528 = arith.muli %scan3A_361#1, %mul3A_527 : i32
    %add3A_529 = arith.constant 2 : i32
    %add3A_530 = arith.addi %mul3A_528, %add3A_529 : i32
    %mul3A_531 = arith.constant 16 : i32
    %mul3A_532 = arith.muli %add3A_530, %mul3A_531 : i32
    %get3A_533 = arith.index_cast %mul3A_532 : i32 to index
    %get3A_534 = tpu.vector_load %arg6[%get3A_533] {strides = array<i32>} : memref<2048xi32, #tpu.memory_space<vmem>>, vector<16xi32>,
    %reduce_sum3A_535 = arith.constant true
    %reduce_sum3A_536 = vector.broadcast %reduce_sum3A_535 : i1 to vector<16xi1>
    %reduce_sum3A_537 = tpu.scan <sum>, %get3A_534 masked %reduce_sum3A_536 : vector<16xi32>, vector<16xi1> -> vector<16xi32>
    %reduce_sum3A_538 = vector.extract %reduce_sum3A_537[15] : i32 from vector<16xi32>
    %add3A_539 = arith.addi %add3A_526, %reduce_sum3A_538 : i32
    %ge3A_540 = arith.cmpi sge, %add3A_539, %sub3A_334 : i32
    %eq3A_541 = arith.constant 0 : i32
    %eq3A_542 = arith.cmpi eq, %or3A_525, %eq3A_541 : i32
    %and3A_543 = arith.andi %ge3A_540, %eq3A_542 : i1
    %jit3A_544 = arith.constant 1 : i32
    %jit3A_545 = arith.constant 0 : i32
    %select_n3A_546 = arith.select %and3A_543, %jit3A_544, %jit3A_545 : i32
    %eq3A_547 = arith.constant 1 : i32
    %eq3A_548 = arith.cmpi eq, %select_n3A_546, %eq3A_547 : i32
    %mul3A_549 = arith.constant 8 : i32
    %mul3A_550 = arith.muli %scan3A_361#1, %mul3A_549 : i32
    %add3A_551 = arith.constant 2 : i32
    %add3A_552 = arith.addi %mul3A_550, %add3A_551 : i32
    %select_n3A_553 = arith.select %eq3A_548, %add3A_552, %select_n3A_521 : i32
    %eq3A_554 = arith.constant 1 : i32
    %eq3A_555 = arith.cmpi eq, %select_n3A_546, %eq3A_554 : i32
    %select_n3A_556 = arith.select %eq3A_555, %add3A_526, %select_n3A_524 : i32
    %or3A_557 = arith.ori %or3A_525, %select_n3A_546 : i32
    %add3A_558 = arith.addi %add3A_526, %reduce_sum3A_538 : i32
    %mul3A_559 = arith.constant 8 : i32
    %mul3A_560 = arith.muli %scan3A_361#1, %mul3A_559 : i32
    %add3A_561 = arith.constant 1 : i32
    %add3A_562 = arith.addi %mul3A_560, %add3A_561 : i32
    %mul3A_563 = arith.constant 16 : i32
    %mul3A_564 = arith.muli %add3A_562, %mul3A_563 : i32
    %get3A_565 = arith.index_cast %mul3A_564 : i32 to index
    %get3A_566 = tpu.vector_load %arg6[%get3A_565] {strides = array<i32>} : memref<2048xi32, #tpu.memory_space<vmem>>, vector<16xi32>,
    %reduce_sum3A_567 = arith.constant true
    %reduce_sum3A_568 = vector.broadcast %reduce_sum3A_567 : i1 to vector<16xi1>
    %reduce_sum3A_569 = tpu.scan <sum>, %get3A_566 masked %reduce_sum3A_568 : vector<16xi32>, vector<16xi1> -> vector<16xi32>
    %reduce_sum3A_570 = vector.extract %reduce_sum3A_569[15] : i32 from vector<16xi32>
    %add3A_571 = arith.addi %add3A_558, %reduce_sum3A_570 : i32
    %ge3A_572 = arith.cmpi sge, %add3A_571, %sub3A_334 : i32
    %eq3A_573 = arith.constant 0 : i32
    %eq3A_574 = arith.cmpi eq, %or3A_557, %eq3A_573 : i32
    %and3A_575 = arith.andi %ge3A_572, %eq3A_574 : i1
    %jit3A_576 = arith.constant 1 : i32
    %jit3A_577 = arith.constant 0 : i32
    %select_n3A_578 = arith.select %and3A_575, %jit3A_576, %jit3A_577 : i32
    %eq3A_579 = arith.constant 1 : i32
    %eq3A_580 = arith.cmpi eq, %select_n3A_578, %eq3A_579 : i32
    %mul3A_581 = arith.constant 8 : i32
    %mul3A_582 = arith.muli %scan3A_361#1, %mul3A_581 : i32
    %add3A_583 = arith.constant 1 : i32
    %add3A_584 = arith.addi %mul3A_582, %add3A_583 : i32
    %select_n3A_585 = arith.select %eq3A_580, %add3A_584, %select_n3A_553 : i32
    %eq3A_586 = arith.constant 1 : i32
    %eq3A_587 = arith.cmpi eq, %select_n3A_578, %eq3A_586 : i32
    %select_n3A_588 = arith.select %eq3A_587, %add3A_558, %select_n3A_556 : i32
    %or3A_589 = arith.ori %or3A_557, %select_n3A_578 : i32
    %add3A_590 = arith.addi %add3A_558, %reduce_sum3A_570 : i32
    %mul3A_591 = arith.constant 8 : i32
    %mul3A_592 = arith.muli %scan3A_361#1, %mul3A_591 : i32
    %add3A_593 = arith.constant 0 : i32
    %add3A_594 = arith.addi %mul3A_592, %add3A_593 : i32
    %mul3A_595 = arith.constant 16 : i32
    %mul3A_596 = arith.muli %add3A_594, %mul3A_595 : i32
    %get3A_597 = arith.index_cast %mul3A_596 : i32 to index
    %get3A_598 = tpu.vector_load %arg6[%get3A_597] {strides = array<i32>} : memref<2048xi32, #tpu.memory_space<vmem>>, vector<16xi32>,
    %reduce_sum3A_599 = arith.constant true
    %reduce_sum3A_600 = vector.broadcast %reduce_sum3A_599 : i1 to vector<16xi1>
    %reduce_sum3A_601 = tpu.scan <sum>, %get3A_598 masked %reduce_sum3A_600 : vector<16xi32>, vector<16xi1> -> vector<16xi32>
    %reduce_sum3A_602 = vector.extract %reduce_sum3A_601[15] : i32 from vector<16xi32>
    %add3A_603 = arith.addi %add3A_590, %reduce_sum3A_602 : i32
    %ge3A_604 = arith.cmpi sge, %add3A_603, %sub3A_334 : i32
    %eq3A_605 = arith.constant 0 : i32
    %eq3A_606 = arith.cmpi eq, %or3A_589, %eq3A_605 : i32
    %and3A_607 = arith.andi %ge3A_604, %eq3A_606 : i1
    %jit3A_608 = arith.constant 1 : i32
    %jit3A_609 = arith.constant 0 : i32
    %select_n3A_610 = arith.select %and3A_607, %jit3A_608, %jit3A_609 : i32
    %eq3A_611 = arith.constant 1 : i32
    %eq3A_612 = arith.cmpi eq, %select_n3A_610, %eq3A_611 : i32
    %mul3A_613 = arith.constant 8 : i32
    %mul3A_614 = arith.muli %scan3A_361#1, %mul3A_613 : i32
    %add3A_615 = arith.constant 0 : i32
    %add3A_616 = arith.addi %mul3A_614, %add3A_615 : i32
    %select_n3A_617 = arith.select %eq3A_612, %add3A_616, %select_n3A_585 : i32
    %eq3A_618 = arith.constant 1 : i32
    %eq3A_619 = arith.cmpi eq, %select_n3A_610, %eq3A_618 : i32
    %select_n3A_620 = arith.select %eq3A_619, %add3A_590, %select_n3A_588 : i32
    %or3A_621 = arith.ori %or3A_589, %select_n3A_610 : i32
    %add3A_622 = arith.addi %add3A_590, %reduce_sum3A_602 : i32
    %mul3A_623 = arith.constant 16 : i32
    %mul3A_624 = arith.muli %select_n3A_617, %mul3A_623 : i32
    %get3A_625 = arith.index_cast %mul3A_624 : i32 to index
    %get3A_626 = tpu.vector_load %arg6[%get3A_625] {strides = array<i32>} : memref<2048xi32, #tpu.memory_space<vmem>>, vector<16xi32>,
    %rev3A_627 = arith.constant 15 : i32
    %rev3A_628 = vector.broadcast %rev3A_627 : i32 to vector<16xi32>
    %rev3A_629 = tpu.iota {dimensions = array<i32: 0>} : vector<16xi32>
    %rev3A_630 = arith.subi %rev3A_628, %rev3A_629 : vector<16xi32>
    %rev3A_631 = tpu.dynamic_gather %get3A_626[%rev3A_630] in [0] : vector<16xi32>, vector<16xi32> -> vector<16xi32>
    %cumsum3A_632 = arith.constant true
    %cumsum3A_633 = vector.broadcast %cumsum3A_632 : i1 to vector<16xi1>
    %cumsum3A_634 = tpu.scan <sum>, %rev3A_631 masked %cumsum3A_633 : vector<16xi32>, vector<16xi1> -> vector<16xi32>
    %rev3A_635 = arith.constant 15 : i32
    %rev3A_636 = vector.broadcast %rev3A_635 : i32 to vector<16xi32>
    %rev3A_637 = tpu.iota {dimensions = array<i32: 0>} : vector<16xi32>
    %rev3A_638 = arith.subi %rev3A_636, %rev3A_637 : vector<16xi32>
    %rev3A_639 = tpu.dynamic_gather %cumsum3A_634[%rev3A_638] in [0] : vector<16xi32>, vector<16xi32> -> vector<16xi32>
    %broadcast_in_dim3A_640 = vector.broadcast %select_n3A_620 : i32 to vector<16xi32>
    %add3A_641 = arith.addi %rev3A_639, %broadcast_in_dim3A_640 : vector<16xi32>
    %ge3A_642 = arith.cmpi sge, %add3A_641, %broadcast_in_dim3A_349 : vector<16xi32>
    %select_n3A_643 = arith.select %ge3A_642, %add3A_346, %broadcast_in_dim3A_348 : vector<16xi1>, vector<16xi32>
    %reduce_max3A_644 = arith.constant true
    %reduce_max3A_645 = vector.broadcast %reduce_max3A_644 : i1 to vector<16xi1>
    %reduce_max3A_646 = arith.constant -2147483648 : i32
    %reduce_max3A_647 = vector.broadcast %reduce_max3A_646 : i32 to vector<16xi32>
    %reduce_max3A_648 = arith.xori %select_n3A_643, %reduce_max3A_647 : vector<16xi32>
    %reduce_max3A_649 = tpu.scan <max>, %reduce_max3A_648 masked %reduce_max3A_645 : vector<16xi32>, vector<16xi1> -> vector<16xi32>
    %reduce_max3A_650 = arith.xori %reduce_max3A_649, %reduce_max3A_647 : vector<16xi32>
    %reduce_max3A_651 = vector.extract %reduce_max3A_650[15] : i32 from vector<16xi32>
    %select_n3A_652 = arith.select %ge3A_642, %broadcast_in_dim3A_348, %rev3A_639 : vector<16xi1>, vector<16xi32>
    %reduce_max3A_653 = arith.constant true
    %reduce_max3A_654 = vector.broadcast %reduce_max3A_653 : i1 to vector<16xi1>
    %reduce_max3A_655 = arith.constant -2147483648 : i32
    %reduce_max3A_656 = vector.broadcast %reduce_max3A_655 : i32 to vector<16xi32>
    %reduce_max3A_657 = arith.xori %select_n3A_652, %reduce_max3A_656 : vector<16xi32>
    %reduce_max3A_658 = tpu.scan <max>, %reduce_max3A_657 masked %reduce_max3A_654 : vector<16xi32>, vector<16xi1> -> vector<16xi32>
    %reduce_max3A_659 = arith.xori %reduce_max3A_658, %reduce_max3A_656 : vector<16xi32>
    %reduce_max3A_660 = vector.extract %reduce_max3A_659[15] : i32 from vector<16xi32>
    %mul3A_661 = arith.constant 16 : i32
    %mul3A_662 = arith.muli %select_n3A_617, %mul3A_661 : i32
    %sub3A_663 = arith.constant 1 : i32
    %sub3A_664 = arith.subi %reduce_max3A_651, %sub3A_663 : i32
    %add3A_665 = arith.addi %mul3A_662, %sub3A_664 : i32
    %add3A_666 = arith.addi %select_n3A_620, %reduce_max3A_660 : i32
    %sub3A_667 = arith.subi %sub3A_334, %add3A_666 : i32
    %shift_left3A = arith.constant 11 : i32
    %shift_left3A_668 = arith.shli %add3A_331, %shift_left3A : i32
    %or3A_669 = arith.ori %shift_left3A_668, %add3A_665 : i32
    %broadcast_in_dim3A_670 = vector.broadcast %or3A_669 : i32 to vector<16xi32>
    %parallel_loop3A_671 = arith.constant 0 : i32
    %parallel_loop3A_672 = arith.constant 64 : i32
    %parallel_loop3A_673 = arith.constant 1 : i32
    scf.for %parallel_loop3A_1012 = %parallel_loop3A_671 to %parallel_loop3A_672 step %parallel_loop3A_673  : i32 {
      %parallel_loop3A_1013 = arith.constant 16 : i32
      %parallel_loop3A_1014 = arith.muli %parallel_loop3A_1012, %parallel_loop3A_1013 : i32
      %parallel_loop3A_1015 = arith.index_cast %parallel_loop3A_1014 : i32 to index
      %parallel_loop3A_1016 = tpu.vector_load %arg6[%parallel_loop3A_1015] {strides = array<i32>} : memref<2048xi32, #tpu.memory_space<vmem>>, vector<16xi32>,
      tpu.vector_store %arg6[%parallel_loop3A_1015], %broadcast_in_dim3A_2 {strides = array<i32>} : memref<2048xi32, #tpu.memory_space<vmem>>, vector<16xi32>,
    } {sc.loop_unroll_factor = 8 : i64, sc.parallel_access}
    %parallel_loop3A_674 = arith.constant 0 : i32
    %parallel_loop3A_675 = arith.constant 512 : i32
    %parallel_loop3A_676 = arith.constant 1 : i32
    %parallel_loop3A_677 = arith.constant 1023 : i32
    scf.for %parallel_loop3A_1012 = %parallel_loop3A_674 to %parallel_loop3A_675 step %parallel_loop3A_676  : i32 {
      %parallel_loop3A_1013 = arith.constant 16 : i32
      %parallel_loop3A_1014 = arith.muli %parallel_loop3A_1012, %parallel_loop3A_1013 : i32
      %parallel_loop3A_1015 = arith.index_cast %parallel_loop3A_1014 : i32 to index
      %parallel_loop3A_1016 = tpu.vector_load %arg5[%parallel_loop3A_1015] {strides = array<i32>} : memref<8192xi32, #tpu.memory_space<vmem>>, vector<16xi32>,
      %parallel_loop3A_1017 = arith.constant 10 : i32
      %parallel_loop3A_1018 = vector.broadcast %parallel_loop3A_1017 : i32 to vector<16xi32>
      %parallel_loop3A_1019 = arith.shrui %parallel_loop3A_1016, %parallel_loop3A_1018 : vector<16xi32>
      %parallel_loop3A_1020 = arith.cmpi eq, %parallel_loop3A_1019, %broadcast_in_dim3A_670 : vector<16xi32>
      %parallel_loop3A_1021 = vector.broadcast %parallel_loop3A_677 : i32 to vector<16xi32>
      %parallel_loop3A_1022 = arith.andi %parallel_loop3A_1016, %parallel_loop3A_1021 : vector<16xi32>
      tpu.vector_store_idx %arg6[%parallel_loop3A_1022], %broadcast_in_dim3A_0 masked %parallel_loop3A_1020 {add = true} : memref<2048xi32, #tpu.memory_space<vmem>>[vector<16xi32>], vector<16xi32>, vector<16xi1>
    } {sc.loop_unroll_factor = 16 : i64, sc.parallel_access}
    %iota3A_678 = tpu.iota {dimensions = array<i32: 0>} : vector<16xi32>
    %add3A_679 = arith.constant 1 : i32
    %add3A_680 = vector.broadcast %add3A_679 : i32 to vector<16xi32>
    %add3A_681 = arith.addi %iota3A_678, %add3A_680 : vector<16xi32>
    %broadcast_in_dim3A_682 = arith.constant 0 : i32
    %broadcast_in_dim3A_683 = vector.broadcast %broadcast_in_dim3A_682 : i32 to vector<16xi32>
    %broadcast_in_dim3A_684 = vector.broadcast %sub3A_667 : i32 to vector<16xi32>
    %parallel_loop3A_685 = arith.constant 0 : i32
    %parallel_loop3A_686 = arith.constant 8 : i32
    %parallel_loop3A_687 = arith.constant 1 : i32
    scf.for %parallel_loop3A_1012 = %parallel_loop3A_685 to %parallel_loop3A_686 step %parallel_loop3A_687  : i32 {
      %parallel_loop3A_1013 = arith.constant 128 : i32
      %parallel_loop3A_1014 = arith.muli %parallel_loop3A_1012, %parallel_loop3A_1013 : i32
      %parallel_loop3A_1015 = arith.index_cast %parallel_loop3A_1014 : i32 to index
      %parallel_loop3A_1016 = tpu.vector_load %arg6[%parallel_loop3A_1015] {strides = array<i32>} : memref<2048xi32, #tpu.memory_space<vmem>>, vector<16xi32>,
      %parallel_loop3A_1017 = arith.constant 128 : i32
      %parallel_loop3A_1018 = arith.muli %parallel_loop3A_1012, %parallel_loop3A_1017 : i32
      %parallel_loop3A_1019 = arith.constant 16 : i32
      %parallel_loop3A_1020 = arith.addi %parallel_loop3A_1018, %parallel_loop3A_1019 : i32
      %parallel_loop3A_1021 = arith.index_cast %parallel_loop3A_1020 : i32 to index
      %parallel_loop3A_1022 = tpu.vector_load %arg6[%parallel_loop3A_1021] {strides = array<i32>} : memref<2048xi32, #tpu.memory_space<vmem>>, vector<16xi32>,
      %parallel_loop3A_1023 = arith.addi %parallel_loop3A_1016, %parallel_loop3A_1022 : vector<16xi32>
      %parallel_loop3A_1024 = arith.constant 128 : i32
      %parallel_loop3A_1025 = arith.muli %parallel_loop3A_1012, %parallel_loop3A_1024 : i32
      %parallel_loop3A_1026 = arith.constant 32 : i32
      %parallel_loop3A_1027 = arith.addi %parallel_loop3A_1025, %parallel_loop3A_1026 : i32
      %parallel_loop3A_1028 = arith.index_cast %parallel_loop3A_1027 : i32 to index
      %parallel_loop3A_1029 = tpu.vector_load %arg6[%parallel_loop3A_1028] {strides = array<i32>} : memref<2048xi32, #tpu.memory_space<vmem>>, vector<16xi32>,
      %parallel_loop3A_1030 = arith.addi %parallel_loop3A_1023, %parallel_loop3A_1029 : vector<16xi32>
      %parallel_loop3A_1031 = arith.constant 128 : i32
      %parallel_loop3A_1032 = arith.muli %parallel_loop3A_1012, %parallel_loop3A_1031 : i32
      %parallel_loop3A_1033 = arith.constant 48 : i32
      %parallel_loop3A_1034 = arith.addi %parallel_loop3A_1032, %parallel_loop3A_1033 : i32
      %parallel_loop3A_1035 = arith.index_cast %parallel_loop3A_1034 : i32 to index
      %parallel_loop3A_1036 = tpu.vector_load %arg6[%parallel_loop3A_1035] {strides = array<i32>} : memref<2048xi32, #tpu.memory_space<vmem>>, vector<16xi32>,
      %parallel_loop3A_1037 = arith.addi %parallel_loop3A_1030, %parallel_loop3A_1036 : vector<16xi32>
      %parallel_loop3A_1038 = arith.constant 128 : i32
      %parallel_loop3A_1039 = arith.muli %parallel_loop3A_1012, %parallel_loop3A_1038 : i32
      %parallel_loop3A_1040 = arith.constant 64 : i32
      %parallel_loop3A_1041 = arith.addi %parallel_loop3A_1039, %parallel_loop3A_1040 : i32
      %parallel_loop3A_1042 = arith.index_cast %parallel_loop3A_1041 : i32 to index
      %parallel_loop3A_1043 = tpu.vector_load %arg6[%parallel_loop3A_1042] {strides = array<i32>} : memref<2048xi32, #tpu.memory_space<vmem>>, vector<16xi32>,
      %parallel_loop3A_1044 = arith.addi %parallel_loop3A_1037, %parallel_loop3A_1043 : vector<16xi32>
      %parallel_loop3A_1045 = arith.constant 128 : i32
      %parallel_loop3A_1046 = arith.muli %parallel_loop3A_1012, %parallel_loop3A_1045 : i32
      %parallel_loop3A_1047 = arith.constant 80 : i32
      %parallel_loop3A_1048 = arith.addi %parallel_loop3A_1046, %parallel_loop3A_1047 : i32
      %parallel_loop3A_1049 = arith.index_cast %parallel_loop3A_1048 : i32 to index
      %parallel_loop3A_1050 = tpu.vector_load %arg6[%parallel_loop3A_1049] {strides = array<i32>} : memref<2048xi32, #tpu.memory_space<vmem>>, vector<16xi32>,
      %parallel_loop3A_1051 = arith.addi %parallel_loop3A_1044, %parallel_loop3A_1050 : vector<16xi32>
      %parallel_loop3A_1052 = arith.constant 128 : i32
      %parallel_loop3A_1053 = arith.muli %parallel_loop3A_1012, %parallel_loop3A_1052 : i32
      %parallel_loop3A_1054 = arith.constant 96 : i32
      %parallel_loop3A_1055 = arith.addi %parallel_loop3A_1053, %parallel_loop3A_1054 : i32
      %parallel_loop3A_1056 = arith.index_cast %parallel_loop3A_1055 : i32 to index
      %parallel_loop3A_1057 = tpu.vector_load %arg6[%parallel_loop3A_1056] {strides = array<i32>} : memref<2048xi32, #tpu.memory_space<vmem>>, vector<16xi32>,
      %parallel_loop3A_1058 = arith.addi %parallel_loop3A_1051, %parallel_loop3A_1057 : vector<16xi32>
      %parallel_loop3A_1059 = arith.constant 128 : i32
      %parallel_loop3A_1060 = arith.muli %parallel_loop3A_1012, %parallel_loop3A_1059 : i32
      %parallel_loop3A_1061 = arith.constant 112 : i32
      %parallel_loop3A_1062 = arith.addi %parallel_loop3A_1060, %parallel_loop3A_1061 : i32
      %parallel_loop3A_1063 = arith.index_cast %parallel_loop3A_1062 : i32 to index
      %parallel_loop3A_1064 = tpu.vector_load %arg6[%parallel_loop3A_1063] {strides = array<i32>} : memref<2048xi32, #tpu.memory_space<vmem>>, vector<16xi32>,
      %parallel_loop3A_1065 = arith.addi %parallel_loop3A_1058, %parallel_loop3A_1064 : vector<16xi32>
      %parallel_loop3A_1066 = arith.constant true
      %parallel_loop3A_1067 = vector.broadcast %parallel_loop3A_1066 : i1 to vector<16xi1>
      %parallel_loop3A_1068 = tpu.scan <sum>, %parallel_loop3A_1065 masked %parallel_loop3A_1067 : vector<16xi32>, vector<16xi1> -> vector<16xi32>
      %parallel_loop3A_1069 = vector.extract %parallel_loop3A_1068[15] : i32 from vector<16xi32>
      %parallel_loop3A_1070 = arith.index_cast %parallel_loop3A_1012 : i32 to index
      %parallel_loop3A_1071 = memref.load %arg7[%parallel_loop3A_1070] : memref<128xi32, #tpu.memory_space<smem>>
      memref.store %parallel_loop3A_1069, %arg7[%parallel_loop3A_1070] : memref<128xi32, #tpu.memory_space<smem>>
    } {sc.loop_unroll_factor = 4 : i64, sc.parallel_access}
    %scan3A_688 = arith.constant 0 : i32
    %scan3A_689 = arith.constant 0 : i32
    %scan3A_690 = arith.constant 0 : i32
    %scan3A_691 = arith.constant 0 : i32
    %scan3A_692 = arith.constant 0 : i32
    %scan3A_693 = arith.constant 8 : i32
    %scan3A_694 = arith.addi %scan3A_692, %scan3A_693 : i32
    %scan3A_695 = arith.constant 4 : i32
    %scan3A_696:4 = scf.for %scan3A_1012 = %scan3A_692 to %scan3A_694 step %scan3A_695 iter_args(%scan3A_1013 = %scan3A_688, %scan3A_1014 = %scan3A_689, %scan3A_1015 = %scan3A_690, %scan3A_1016 = %scan3A_691) -> (i32, i32, i32, i32)  : i32 {
      %sub3A_1017 = arith.constant 7 : i32
      %sub3A_1018 = arith.subi %sub3A_1017, %scan3A_1012 : i32
      %get3A_1019 = arith.index_cast %sub3A_1018 : i32 to index
      %get3A_1020 = memref.load %arg7[%get3A_1019] : memref<128xi32, #tpu.memory_space<smem>>
      %add3A_1021 = arith.addi %scan3A_1016, %get3A_1020 : i32
      %ge3A_1022 = arith.cmpi sge, %add3A_1021, %sub3A_667 : i32
      %eq3A_1023 = arith.constant 0 : i32
      %eq3A_1024 = arith.cmpi eq, %scan3A_1013, %eq3A_1023 : i32
      %and3A_1025 = arith.andi %ge3A_1022, %eq3A_1024 : i1
      %jit3A_1026 = arith.constant 1 : i32
      %jit3A_1027 = arith.constant 0 : i32
      %select_n3A_1028 = arith.select %and3A_1025, %jit3A_1026, %jit3A_1027 : i32
      %eq3A_1029 = arith.constant 1 : i32
      %eq3A_1030 = arith.cmpi eq, %select_n3A_1028, %eq3A_1029 : i32
      %select_n3A_1031 = arith.select %eq3A_1030, %sub3A_1018, %scan3A_1014 : i32
      %eq3A_1032 = arith.constant 1 : i32
      %eq3A_1033 = arith.cmpi eq, %select_n3A_1028, %eq3A_1032 : i32
      %select_n3A_1034 = arith.select %eq3A_1033, %scan3A_1016, %scan3A_1015 : i32
      %or3A_1035 = arith.ori %scan3A_1013, %select_n3A_1028 : i32
      %add3A_1036 = arith.addi %scan3A_1016, %get3A_1020 : i32
      %scan3A_1037 = arith.constant 1 : i32
      %scan3A_1038 = arith.addi %scan3A_1012, %scan3A_1037 : i32
      %sub3A_1039 = arith.constant 7 : i32
      %sub3A_1040 = arith.subi %sub3A_1039, %scan3A_1038 : i32
      %get3A_1041 = arith.index_cast %sub3A_1040 : i32 to index
      %get3A_1042 = memref.load %arg7[%get3A_1041] : memref<128xi32, #tpu.memory_space<smem>>
      %add3A_1043 = arith.addi %add3A_1036, %get3A_1042 : i32
      %ge3A_1044 = arith.cmpi sge, %add3A_1043, %sub3A_667 : i32
      %eq3A_1045 = arith.constant 0 : i32
      %eq3A_1046 = arith.cmpi eq, %or3A_1035, %eq3A_1045 : i32
      %and3A_1047 = arith.andi %ge3A_1044, %eq3A_1046 : i1
      %jit3A_1048 = arith.constant 1 : i32
      %jit3A_1049 = arith.constant 0 : i32
      %select_n3A_1050 = arith.select %and3A_1047, %jit3A_1048, %jit3A_1049 : i32
      %eq3A_1051 = arith.constant 1 : i32
      %eq3A_1052 = arith.cmpi eq, %select_n3A_1050, %eq3A_1051 : i32
      %select_n3A_1053 = arith.select %eq3A_1052, %sub3A_1040, %select_n3A_1031 : i32
      %eq3A_1054 = arith.constant 1 : i32
      %eq3A_1055 = arith.cmpi eq, %select_n3A_1050, %eq3A_1054 : i32
      %select_n3A_1056 = arith.select %eq3A_1055, %add3A_1036, %select_n3A_1034 : i32
      %or3A_1057 = arith.ori %or3A_1035, %select_n3A_1050 : i32
      %add3A_1058 = arith.addi %add3A_1036, %get3A_1042 : i32
      %scan3A_1059 = arith.constant 2 : i32
      %scan3A_1060 = arith.addi %scan3A_1012, %scan3A_1059 : i32
      %sub3A_1061 = arith.constant 7 : i32
      %sub3A_1062 = arith.subi %sub3A_1061, %scan3A_1060 : i32
      %get3A_1063 = arith.index_cast %sub3A_1062 : i32 to index
      %get3A_1064 = memref.load %arg7[%get3A_1063] : memref<128xi32, #tpu.memory_space<smem>>
      %add3A_1065 = arith.addi %add3A_1058, %get3A_1064 : i32
      %ge3A_1066 = arith.cmpi sge, %add3A_1065, %sub3A_667 : i32
      %eq3A_1067 = arith.constant 0 : i32
      %eq3A_1068 = arith.cmpi eq, %or3A_1057, %eq3A_1067 : i32
      %and3A_1069 = arith.andi %ge3A_1066, %eq3A_1068 : i1
      %jit3A_1070 = arith.constant 1 : i32
      %jit3A_1071 = arith.constant 0 : i32
      %select_n3A_1072 = arith.select %and3A_1069, %jit3A_1070, %jit3A_1071 : i32
      %eq3A_1073 = arith.constant 1 : i32
      %eq3A_1074 = arith.cmpi eq, %select_n3A_1072, %eq3A_1073 : i32
      %select_n3A_1075 = arith.select %eq3A_1074, %sub3A_1062, %select_n3A_1053 : i32
      %eq3A_1076 = arith.constant 1 : i32
      %eq3A_1077 = arith.cmpi eq, %select_n3A_1072, %eq3A_1076 : i32
      %select_n3A_1078 = arith.select %eq3A_1077, %add3A_1058, %select_n3A_1056 : i32
      %or3A_1079 = arith.ori %or3A_1057, %select_n3A_1072 : i32
      %add3A_1080 = arith.addi %add3A_1058, %get3A_1064 : i32
      %scan3A_1081 = arith.constant 3 : i32
      %scan3A_1082 = arith.addi %scan3A_1012, %scan3A_1081 : i32
      %sub3A_1083 = arith.constant 7 : i32
      %sub3A_1084 = arith.subi %sub3A_1083, %scan3A_1082 : i32
      %get3A_1085 = arith.index_cast %sub3A_1084 : i32 to index
      %get3A_1086 = memref.load %arg7[%get3A_1085] : memref<128xi32, #tpu.memory_space<smem>>
      %add3A_1087 = arith.addi %add3A_1080, %get3A_1086 : i32
      %ge3A_1088 = arith.cmpi sge, %add3A_1087, %sub3A_667 : i32
      %eq3A_1089 = arith.constant 0 : i32
      %eq3A_1090 = arith.cmpi eq, %or3A_1079, %eq3A_1089 : i32
      %and3A_1091 = arith.andi %ge3A_1088, %eq3A_1090 : i1
      %jit3A_1092 = arith.constant 1 : i32
      %jit3A_1093 = arith.constant 0 : i32
      %select_n3A_1094 = arith.select %and3A_1091, %jit3A_1092, %jit3A_1093 : i32
      %eq3A_1095 = arith.constant 1 : i32
      %eq3A_1096 = arith.cmpi eq, %select_n3A_1094, %eq3A_1095 : i32
      %select_n3A_1097 = arith.select %eq3A_1096, %sub3A_1084, %select_n3A_1075 : i32
      %eq3A_1098 = arith.constant 1 : i32
      %eq3A_1099 = arith.cmpi eq, %select_n3A_1094, %eq3A_1098 : i32
      %select_n3A_1100 = arith.select %eq3A_1099, %add3A_1080, %select_n3A_1078 : i32
      %or3A_1101 = arith.ori %or3A_1079, %select_n3A_1094 : i32
      %add3A_1102 = arith.addi %add3A_1080, %get3A_1086 : i32
      scf.yield %or3A_1101, %select_n3A_1097, %select_n3A_1100, %add3A_1102 : i32, i32, i32, i32
    }
    %scan3A_697 = arith.constant 8 : i32
    %mul3A_698 = arith.constant 8 : i32
    %mul3A_699 = arith.muli %scan3A_696#1, %mul3A_698 : i32
    %add3A_700 = arith.constant 7 : i32
    %add3A_701 = arith.addi %mul3A_699, %add3A_700 : i32
    %mul3A_702 = arith.constant 16 : i32
    %mul3A_703 = arith.muli %add3A_701, %mul3A_702 : i32
    %get3A_704 = arith.index_cast %mul3A_703 : i32 to index
    %get3A_705 = tpu.vector_load %arg6[%get3A_704] {strides = array<i32>} : memref<2048xi32, #tpu.memory_space<vmem>>, vector<16xi32>,
    %reduce_sum3A_706 = arith.constant true
    %reduce_sum3A_707 = vector.broadcast %reduce_sum3A_706 : i1 to vector<16xi1>
    %reduce_sum3A_708 = tpu.scan <sum>, %get3A_705 masked %reduce_sum3A_707 : vector<16xi32>, vector<16xi1> -> vector<16xi32>
    %reduce_sum3A_709 = vector.extract %reduce_sum3A_708[15] : i32 from vector<16xi32>
    %add3A_710 = arith.addi %scan3A_696#2, %reduce_sum3A_709 : i32
    %ge3A_711 = arith.cmpi sge, %add3A_710, %sub3A_667 : i32
    %eq3A_712 = arith.constant 0 : i32
    %eq3A_713 = arith.constant 0 : i32
    %eq3A_714 = arith.cmpi eq, %eq3A_712, %eq3A_713 : i32
    %and3A_715 = arith.andi %ge3A_711, %eq3A_714 : i1
    %jit3A_716 = arith.constant 1 : i32
    %jit3A_717 = arith.constant 0 : i32
    %select_n3A_718 = arith.select %and3A_715, %jit3A_716, %jit3A_717 : i32
    %eq3A_719 = arith.constant 1 : i32
    %eq3A_720 = arith.cmpi eq, %select_n3A_718, %eq3A_719 : i32
    %mul3A_721 = arith.constant 8 : i32
    %mul3A_722 = arith.muli %scan3A_696#1, %mul3A_721 : i32
    %add3A_723 = arith.constant 7 : i32
    %add3A_724 = arith.addi %mul3A_722, %add3A_723 : i32
    %jit3A_725 = arith.constant 0 : i32
    %select_n3A_726 = arith.select %eq3A_720, %add3A_724, %jit3A_725 : i32
    %eq3A_727 = arith.constant 1 : i32
    %eq3A_728 = arith.cmpi eq, %select_n3A_718, %eq3A_727 : i32
    %jit3A_729 = arith.constant 0 : i32
    %select_n3A_730 = arith.select %eq3A_728, %scan3A_696#2, %jit3A_729 : i32
    %or3A_731 = arith.constant 0 : i32
    %or3A_732 = arith.ori %or3A_731, %select_n3A_718 : i32
    %add3A_733 = arith.addi %scan3A_696#2, %reduce_sum3A_709 : i32
    %mul3A_734 = arith.constant 8 : i32
    %mul3A_735 = arith.muli %scan3A_696#1, %mul3A_734 : i32
    %add3A_736 = arith.constant 6 : i32
    %add3A_737 = arith.addi %mul3A_735, %add3A_736 : i32
    %mul3A_738 = arith.constant 16 : i32
    %mul3A_739 = arith.muli %add3A_737, %mul3A_738 : i32
    %get3A_740 = arith.index_cast %mul3A_739 : i32 to index
    %get3A_741 = tpu.vector_load %arg6[%get3A_740] {strides = array<i32>} : memref<2048xi32, #tpu.memory_space<vmem>>, vector<16xi32>,
    %reduce_sum3A_742 = arith.constant true
    %reduce_sum3A_743 = vector.broadcast %reduce_sum3A_742 : i1 to vector<16xi1>
    %reduce_sum3A_744 = tpu.scan <sum>, %get3A_741 masked %reduce_sum3A_743 : vector<16xi32>, vector<16xi1> -> vector<16xi32>
    %reduce_sum3A_745 = vector.extract %reduce_sum3A_744[15] : i32 from vector<16xi32>
    %add3A_746 = arith.addi %add3A_733, %reduce_sum3A_745 : i32
    %ge3A_747 = arith.cmpi sge, %add3A_746, %sub3A_667 : i32
    %eq3A_748 = arith.constant 0 : i32
    %eq3A_749 = arith.cmpi eq, %or3A_732, %eq3A_748 : i32
    %and3A_750 = arith.andi %ge3A_747, %eq3A_749 : i1
    %jit3A_751 = arith.constant 1 : i32
    %jit3A_752 = arith.constant 0 : i32
    %select_n3A_753 = arith.select %and3A_750, %jit3A_751, %jit3A_752 : i32
    %eq3A_754 = arith.constant 1 : i32
    %eq3A_755 = arith.cmpi eq, %select_n3A_753, %eq3A_754 : i32
    %mul3A_756 = arith.constant 8 : i32
    %mul3A_757 = arith.muli %scan3A_696#1, %mul3A_756 : i32
    %add3A_758 = arith.constant 6 : i32
    %add3A_759 = arith.addi %mul3A_757, %add3A_758 : i32
    %select_n3A_760 = arith.select %eq3A_755, %add3A_759, %select_n3A_726 : i32
    %eq3A_761 = arith.constant 1 : i32
    %eq3A_762 = arith.cmpi eq, %select_n3A_753, %eq3A_761 : i32
    %select_n3A_763 = arith.select %eq3A_762, %add3A_733, %select_n3A_730 : i32
    %or3A_764 = arith.ori %or3A_732, %select_n3A_753 : i32
    %add3A_765 = arith.addi %add3A_733, %reduce_sum3A_745 : i32
    %mul3A_766 = arith.constant 8 : i32
    %mul3A_767 = arith.muli %scan3A_696#1, %mul3A_766 : i32
    %add3A_768 = arith.constant 5 : i32
    %add3A_769 = arith.addi %mul3A_767, %add3A_768 : i32
    %mul3A_770 = arith.constant 16 : i32
    %mul3A_771 = arith.muli %add3A_769, %mul3A_770 : i32
    %get3A_772 = arith.index_cast %mul3A_771 : i32 to index
    %get3A_773 = tpu.vector_load %arg6[%get3A_772] {strides = array<i32>} : memref<2048xi32, #tpu.memory_space<vmem>>, vector<16xi32>,
    %reduce_sum3A_774 = arith.constant true
    %reduce_sum3A_775 = vector.broadcast %reduce_sum3A_774 : i1 to vector<16xi1>
    %reduce_sum3A_776 = tpu.scan <sum>, %get3A_773 masked %reduce_sum3A_775 : vector<16xi32>, vector<16xi1> -> vector<16xi32>
    %reduce_sum3A_777 = vector.extract %reduce_sum3A_776[15] : i32 from vector<16xi32>
    %add3A_778 = arith.addi %add3A_765, %reduce_sum3A_777 : i32
    %ge3A_779 = arith.cmpi sge, %add3A_778, %sub3A_667 : i32
    %eq3A_780 = arith.constant 0 : i32
    %eq3A_781 = arith.cmpi eq, %or3A_764, %eq3A_780 : i32
    %and3A_782 = arith.andi %ge3A_779, %eq3A_781 : i1
    %jit3A_783 = arith.constant 1 : i32
    %jit3A_784 = arith.constant 0 : i32
    %select_n3A_785 = arith.select %and3A_782, %jit3A_783, %jit3A_784 : i32
    %eq3A_786 = arith.constant 1 : i32
    %eq3A_787 = arith.cmpi eq, %select_n3A_785, %eq3A_786 : i32
    %mul3A_788 = arith.constant 8 : i32
    %mul3A_789 = arith.muli %scan3A_696#1, %mul3A_788 : i32
    %add3A_790 = arith.constant 5 : i32
    %add3A_791 = arith.addi %mul3A_789, %add3A_790 : i32
    %select_n3A_792 = arith.select %eq3A_787, %add3A_791, %select_n3A_760 : i32
    %eq3A_793 = arith.constant 1 : i32
    %eq3A_794 = arith.cmpi eq, %select_n3A_785, %eq3A_793 : i32
    %select_n3A_795 = arith.select %eq3A_794, %add3A_765, %select_n3A_763 : i32
    %or3A_796 = arith.ori %or3A_764, %select_n3A_785 : i32
    %add3A_797 = arith.addi %add3A_765, %reduce_sum3A_777 : i32
    %mul3A_798 = arith.constant 8 : i32
    %mul3A_799 = arith.muli %scan3A_696#1, %mul3A_798 : i32
    %add3A_800 = arith.constant 4 : i32
    %add3A_801 = arith.addi %mul3A_799, %add3A_800 : i32
    %mul3A_802 = arith.constant 16 : i32
    %mul3A_803 = arith.muli %add3A_801, %mul3A_802 : i32
    %get3A_804 = arith.index_cast %mul3A_803 : i32 to index
    %get3A_805 = tpu.vector_load %arg6[%get3A_804] {strides = array<i32>} : memref<2048xi32, #tpu.memory_space<vmem>>, vector<16xi32>,
    %reduce_sum3A_806 = arith.constant true
    %reduce_sum3A_807 = vector.broadcast %reduce_sum3A_806 : i1 to vector<16xi1>
    %reduce_sum3A_808 = tpu.scan <sum>, %get3A_805 masked %reduce_sum3A_807 : vector<16xi32>, vector<16xi1> -> vector<16xi32>
    %reduce_sum3A_809 = vector.extract %reduce_sum3A_808[15] : i32 from vector<16xi32>
    %add3A_810 = arith.addi %add3A_797, %reduce_sum3A_809 : i32
    %ge3A_811 = arith.cmpi sge, %add3A_810, %sub3A_667 : i32
    %eq3A_812 = arith.constant 0 : i32
    %eq3A_813 = arith.cmpi eq, %or3A_796, %eq3A_812 : i32
    %and3A_814 = arith.andi %ge3A_811, %eq3A_813 : i1
    %jit3A_815 = arith.constant 1 : i32
    %jit3A_816 = arith.constant 0 : i32
    %select_n3A_817 = arith.select %and3A_814, %jit3A_815, %jit3A_816 : i32
    %eq3A_818 = arith.constant 1 : i32
    %eq3A_819 = arith.cmpi eq, %select_n3A_817, %eq3A_818 : i32
    %mul3A_820 = arith.constant 8 : i32
    %mul3A_821 = arith.muli %scan3A_696#1, %mul3A_820 : i32
    %add3A_822 = arith.constant 4 : i32
    %add3A_823 = arith.addi %mul3A_821, %add3A_822 : i32
    %select_n3A_824 = arith.select %eq3A_819, %add3A_823, %select_n3A_792 : i32
    %eq3A_825 = arith.constant 1 : i32
    %eq3A_826 = arith.cmpi eq, %select_n3A_817, %eq3A_825 : i32
    %select_n3A_827 = arith.select %eq3A_826, %add3A_797, %select_n3A_795 : i32
    %or3A_828 = arith.ori %or3A_796, %select_n3A_817 : i32
    %add3A_829 = arith.addi %add3A_797, %reduce_sum3A_809 : i32
    %mul3A_830 = arith.constant 8 : i32
    %mul3A_831 = arith.muli %scan3A_696#1, %mul3A_830 : i32
    %add3A_832 = arith.constant 3 : i32
    %add3A_833 = arith.addi %mul3A_831, %add3A_832 : i32
    %mul3A_834 = arith.constant 16 : i32
    %mul3A_835 = arith.muli %add3A_833, %mul3A_834 : i32
    %get3A_836 = arith.index_cast %mul3A_835 : i32 to index
    %get3A_837 = tpu.vector_load %arg6[%get3A_836] {strides = array<i32>} : memref<2048xi32, #tpu.memory_space<vmem>>, vector<16xi32>,
    %reduce_sum3A_838 = arith.constant true
    %reduce_sum3A_839 = vector.broadcast %reduce_sum3A_838 : i1 to vector<16xi1>
    %reduce_sum3A_840 = tpu.scan <sum>, %get3A_837 masked %reduce_sum3A_839 : vector<16xi32>, vector<16xi1> -> vector<16xi32>
    %reduce_sum3A_841 = vector.extract %reduce_sum3A_840[15] : i32 from vector<16xi32>
    %add3A_842 = arith.addi %add3A_829, %reduce_sum3A_841 : i32
    %ge3A_843 = arith.cmpi sge, %add3A_842, %sub3A_667 : i32
    %eq3A_844 = arith.constant 0 : i32
    %eq3A_845 = arith.cmpi eq, %or3A_828, %eq3A_844 : i32
    %and3A_846 = arith.andi %ge3A_843, %eq3A_845 : i1
    %jit3A_847 = arith.constant 1 : i32
    %jit3A_848 = arith.constant 0 : i32
    %select_n3A_849 = arith.select %and3A_846, %jit3A_847, %jit3A_848 : i32
    %eq3A_850 = arith.constant 1 : i32
    %eq3A_851 = arith.cmpi eq, %select_n3A_849, %eq3A_850 : i32
    %mul3A_852 = arith.constant 8 : i32
    %mul3A_853 = arith.muli %scan3A_696#1, %mul3A_852 : i32
    %add3A_854 = arith.constant 3 : i32
    %add3A_855 = arith.addi %mul3A_853, %add3A_854 : i32
    %select_n3A_856 = arith.select %eq3A_851, %add3A_855, %select_n3A_824 : i32
    %eq3A_857 = arith.constant 1 : i32
    %eq3A_858 = arith.cmpi eq, %select_n3A_849, %eq3A_857 : i32
    %select_n3A_859 = arith.select %eq3A_858, %add3A_829, %select_n3A_827 : i32
    %or3A_860 = arith.ori %or3A_828, %select_n3A_849 : i32
    %add3A_861 = arith.addi %add3A_829, %reduce_sum3A_841 : i32
    %mul3A_862 = arith.constant 8 : i32
    %mul3A_863 = arith.muli %scan3A_696#1, %mul3A_862 : i32
    %add3A_864 = arith.constant 2 : i32
    %add3A_865 = arith.addi %mul3A_863, %add3A_864 : i32
    %mul3A_866 = arith.constant 16 : i32
    %mul3A_867 = arith.muli %add3A_865, %mul3A_866 : i32
    %get3A_868 = arith.index_cast %mul3A_867 : i32 to index
    %get3A_869 = tpu.vector_load %arg6[%get3A_868] {strides = array<i32>} : memref<2048xi32, #tpu.memory_space<vmem>>, vector<16xi32>,
    %reduce_sum3A_870 = arith.constant true
    %reduce_sum3A_871 = vector.broadcast %reduce_sum3A_870 : i1 to vector<16xi1>
    %reduce_sum3A_872 = tpu.scan <sum>, %get3A_869 masked %reduce_sum3A_871 : vector<16xi32>, vector<16xi1> -> vector<16xi32>
    %reduce_sum3A_873 = vector.extract %reduce_sum3A_872[15] : i32 from vector<16xi32>
    %add3A_874 = arith.addi %add3A_861, %reduce_sum3A_873 : i32
    %ge3A_875 = arith.cmpi sge, %add3A_874, %sub3A_667 : i32
    %eq3A_876 = arith.constant 0 : i32
    %eq3A_877 = arith.cmpi eq, %or3A_860, %eq3A_876 : i32
    %and3A_878 = arith.andi %ge3A_875, %eq3A_877 : i1
    %jit3A_879 = arith.constant 1 : i32
    %jit3A_880 = arith.constant 0 : i32
    %select_n3A_881 = arith.select %and3A_878, %jit3A_879, %jit3A_880 : i32
    %eq3A_882 = arith.constant 1 : i32
    %eq3A_883 = arith.cmpi eq, %select_n3A_881, %eq3A_882 : i32
    %mul3A_884 = arith.constant 8 : i32
    %mul3A_885 = arith.muli %scan3A_696#1, %mul3A_884 : i32
    %add3A_886 = arith.constant 2 : i32
    %add3A_887 = arith.addi %mul3A_885, %add3A_886 : i32
    %select_n3A_888 = arith.select %eq3A_883, %add3A_887, %select_n3A_856 : i32
    %eq3A_889 = arith.constant 1 : i32
    %eq3A_890 = arith.cmpi eq, %select_n3A_881, %eq3A_889 : i32
    %select_n3A_891 = arith.select %eq3A_890, %add3A_861, %select_n3A_859 : i32
    %or3A_892 = arith.ori %or3A_860, %select_n3A_881 : i32
    %add3A_893 = arith.addi %add3A_861, %reduce_sum3A_873 : i32
    %mul3A_894 = arith.constant 8 : i32
    %mul3A_895 = arith.muli %scan3A_696#1, %mul3A_894 : i32
    %add3A_896 = arith.constant 1 : i32
    %add3A_897 = arith.addi %mul3A_895, %add3A_896 : i32
    %mul3A_898 = arith.constant 16 : i32
    %mul3A_899 = arith.muli %add3A_897, %mul3A_898 : i32
    %get3A_900 = arith.index_cast %mul3A_899 : i32 to index
    %get3A_901 = tpu.vector_load %arg6[%get3A_900] {strides = array<i32>} : memref<2048xi32, #tpu.memory_space<vmem>>, vector<16xi32>,
    %reduce_sum3A_902 = arith.constant true
    %reduce_sum3A_903 = vector.broadcast %reduce_sum3A_902 : i1 to vector<16xi1>
    %reduce_sum3A_904 = tpu.scan <sum>, %get3A_901 masked %reduce_sum3A_903 : vector<16xi32>, vector<16xi1> -> vector<16xi32>
    %reduce_sum3A_905 = vector.extract %reduce_sum3A_904[15] : i32 from vector<16xi32>
    %add3A_906 = arith.addi %add3A_893, %reduce_sum3A_905 : i32
    %ge3A_907 = arith.cmpi sge, %add3A_906, %sub3A_667 : i32
    %eq3A_908 = arith.constant 0 : i32
    %eq3A_909 = arith.cmpi eq, %or3A_892, %eq3A_908 : i32
    %and3A_910 = arith.andi %ge3A_907, %eq3A_909 : i1
    %jit3A_911 = arith.constant 1 : i32
    %jit3A_912 = arith.constant 0 : i32
    %select_n3A_913 = arith.select %and3A_910, %jit3A_911, %jit3A_912 : i32
    %eq3A_914 = arith.constant 1 : i32
    %eq3A_915 = arith.cmpi eq, %select_n3A_913, %eq3A_914 : i32
    %mul3A_916 = arith.constant 8 : i32
    %mul3A_917 = arith.muli %scan3A_696#1, %mul3A_916 : i32
    %add3A_918 = arith.constant 1 : i32
    %add3A_919 = arith.addi %mul3A_917, %add3A_918 : i32
    %select_n3A_920 = arith.select %eq3A_915, %add3A_919, %select_n3A_888 : i32
    %eq3A_921 = arith.constant 1 : i32
    %eq3A_922 = arith.cmpi eq, %select_n3A_913, %eq3A_921 : i32
    %select_n3A_923 = arith.select %eq3A_922, %add3A_893, %select_n3A_891 : i32
    %or3A_924 = arith.ori %or3A_892, %select_n3A_913 : i32
    %add3A_925 = arith.addi %add3A_893, %reduce_sum3A_905 : i32
    %mul3A_926 = arith.constant 8 : i32
    %mul3A_927 = arith.muli %scan3A_696#1, %mul3A_926 : i32
    %add3A_928 = arith.constant 0 : i32
    %add3A_929 = arith.addi %mul3A_927, %add3A_928 : i32
    %mul3A_930 = arith.constant 16 : i32
    %mul3A_931 = arith.muli %add3A_929, %mul3A_930 : i32
    %get3A_932 = arith.index_cast %mul3A_931 : i32 to index
    %get3A_933 = tpu.vector_load %arg6[%get3A_932] {strides = array<i32>} : memref<2048xi32, #tpu.memory_space<vmem>>, vector<16xi32>,
    %reduce_sum3A_934 = arith.constant true
    %reduce_sum3A_935 = vector.broadcast %reduce_sum3A_934 : i1 to vector<16xi1>
    %reduce_sum3A_936 = tpu.scan <sum>, %get3A_933 masked %reduce_sum3A_935 : vector<16xi32>, vector<16xi1> -> vector<16xi32>
    %reduce_sum3A_937 = vector.extract %reduce_sum3A_936[15] : i32 from vector<16xi32>
    %add3A_938 = arith.addi %add3A_925, %reduce_sum3A_937 : i32
    %ge3A_939 = arith.cmpi sge, %add3A_938, %sub3A_667 : i32
    %eq3A_940 = arith.constant 0 : i32
    %eq3A_941 = arith.cmpi eq, %or3A_924, %eq3A_940 : i32
    %and3A_942 = arith.andi %ge3A_939, %eq3A_941 : i1
    %jit3A_943 = arith.constant 1 : i32
    %jit3A_944 = arith.constant 0 : i32
    %select_n3A_945 = arith.select %and3A_942, %jit3A_943, %jit3A_944 : i32
    %eq3A_946 = arith.constant 1 : i32
    %eq3A_947 = arith.cmpi eq, %select_n3A_945, %eq3A_946 : i32
    %mul3A_948 = arith.constant 8 : i32
    %mul3A_949 = arith.muli %scan3A_696#1, %mul3A_948 : i32
    %add3A_950 = arith.constant 0 : i32
    %add3A_951 = arith.addi %mul3A_949, %add3A_950 : i32
    %select_n3A_952 = arith.select %eq3A_947, %add3A_951, %select_n3A_920 : i32
    %eq3A_953 = arith.constant 1 : i32
    %eq3A_954 = arith.cmpi eq, %select_n3A_945, %eq3A_953 : i32
    %select_n3A_955 = arith.select %eq3A_954, %add3A_925, %select_n3A_923 : i32
    %or3A_956 = arith.ori %or3A_924, %select_n3A_945 : i32
    %add3A_957 = arith.addi %add3A_925, %reduce_sum3A_937 : i32
    %mul3A_958 = arith.constant 16 : i32
    %mul3A_959 = arith.muli %select_n3A_952, %mul3A_958 : i32
    %get3A_960 = arith.index_cast %mul3A_959 : i32 to index
    %get3A_961 = tpu.vector_load %arg6[%get3A_960] {strides = array<i32>} : memref<2048xi32, #tpu.memory_space<vmem>>, vector<16xi32>,
    %rev3A_962 = arith.constant 15 : i32
    %rev3A_963 = vector.broadcast %rev3A_962 : i32 to vector<16xi32>
    %rev3A_964 = tpu.iota {dimensions = array<i32: 0>} : vector<16xi32>
    %rev3A_965 = arith.subi %rev3A_963, %rev3A_964 : vector<16xi32>
    %rev3A_966 = tpu.dynamic_gather %get3A_961[%rev3A_965] in [0] : vector<16xi32>, vector<16xi32> -> vector<16xi32>
    %cumsum3A_967 = arith.constant true
    %cumsum3A_968 = vector.broadcast %cumsum3A_967 : i1 to vector<16xi1>
    %cumsum3A_969 = tpu.scan <sum>, %rev3A_966 masked %cumsum3A_968 : vector<16xi32>, vector<16xi1> -> vector<16xi32>
    %rev3A_970 = arith.constant 15 : i32
    %rev3A_971 = vector.broadcast %rev3A_970 : i32 to vector<16xi32>
    %rev3A_972 = tpu.iota {dimensions = array<i32: 0>} : vector<16xi32>
    %rev3A_973 = arith.subi %rev3A_971, %rev3A_972 : vector<16xi32>
    %rev3A_974 = tpu.dynamic_gather %cumsum3A_969[%rev3A_973] in [0] : vector<16xi32>, vector<16xi32> -> vector<16xi32>
    %broadcast_in_dim3A_975 = vector.broadcast %select_n3A_955 : i32 to vector<16xi32>
    %add3A_976 = arith.addi %rev3A_974, %broadcast_in_dim3A_975 : vector<16xi32>
    %ge3A_977 = arith.cmpi sge, %add3A_976, %broadcast_in_dim3A_684 : vector<16xi32>
    %select_n3A_978 = arith.select %ge3A_977, %add3A_681, %broadcast_in_dim3A_683 : vector<16xi1>, vector<16xi32>
    %reduce_max3A_979 = arith.constant true
    %reduce_max3A_980 = vector.broadcast %reduce_max3A_979 : i1 to vector<16xi1>
    %reduce_max3A_981 = arith.constant -2147483648 : i32
    %reduce_max3A_982 = vector.broadcast %reduce_max3A_981 : i32 to vector<16xi32>
    %reduce_max3A_983 = arith.xori %select_n3A_978, %reduce_max3A_982 : vector<16xi32>
    %reduce_max3A_984 = tpu.scan <max>, %reduce_max3A_983 masked %reduce_max3A_980 : vector<16xi32>, vector<16xi1> -> vector<16xi32>
    %reduce_max3A_985 = arith.xori %reduce_max3A_984, %reduce_max3A_982 : vector<16xi32>
    %reduce_max3A_986 = vector.extract %reduce_max3A_985[15] : i32 from vector<16xi32>
    %select_n3A_987 = arith.select %ge3A_977, %broadcast_in_dim3A_683, %rev3A_974 : vector<16xi1>, vector<16xi32>
    %reduce_max3A_988 = arith.constant true
    %reduce_max3A_989 = vector.broadcast %reduce_max3A_988 : i1 to vector<16xi1>
    %reduce_max3A_990 = arith.constant -2147483648 : i32
    %reduce_max3A_991 = vector.broadcast %reduce_max3A_990 : i32 to vector<16xi32>
    %reduce_max3A_992 = arith.xori %select_n3A_987, %reduce_max3A_991 : vector<16xi32>
    %reduce_max3A_993 = tpu.scan <max>, %reduce_max3A_992 masked %reduce_max3A_989 : vector<16xi32>, vector<16xi1> -> vector<16xi32>
    %reduce_max3A_994 = arith.xori %reduce_max3A_993, %reduce_max3A_991 : vector<16xi32>
    %reduce_max3A_995 = vector.extract %reduce_max3A_994[15] : i32 from vector<16xi32>
    %mul3A_996 = arith.constant 16 : i32
    %mul3A_997 = arith.muli %select_n3A_952, %mul3A_996 : i32
    %sub3A_998 = arith.constant 1 : i32
    %sub3A_999 = arith.subi %reduce_max3A_986, %sub3A_998 : i32
    %add3A_1000 = arith.addi %mul3A_997, %sub3A_999 : i32
    %add3A_1001 = arith.addi %select_n3A_955, %reduce_max3A_995 : i32
    %shift_left3A_1002 = arith.constant 21 : i32
    %shift_left3A_1003 = arith.shli %add3A_331, %shift_left3A_1002 : i32
    %shift_left3A_1004 = arith.constant 10 : i32
    %shift_left3A_1005 = arith.shli %add3A_665, %shift_left3A_1004 : i32
    %or3A_1006 = arith.ori %shift_left3A_1003, %shift_left3A_1005 : i32
    %or3A_1007 = arith.ori %or3A_1006, %add3A_1000 : i32
    %broadcast_in_dim3A_1008 = vector.broadcast %or3A_1007 : i32 to vector<16xi32>
    %parallel_loop3A_1009 = arith.constant 0 : i32
    %parallel_loop3A_1010 = arith.constant 512 : i32
    %parallel_loop3A_1011 = arith.constant 1 : i32
    scf.for %parallel_loop3A_1012 = %parallel_loop3A_1009 to %parallel_loop3A_1010 step %parallel_loop3A_1011  : i32 {
      %parallel_loop3A_1013 = arith.constant 16 : i32
      %parallel_loop3A_1014 = arith.muli %parallel_loop3A_1012, %parallel_loop3A_1013 : i32
      %parallel_loop3A_1015 = arith.index_cast %parallel_loop3A_1014 : i32 to index
      %parallel_loop3A_1016 = tpu.vector_load %arg5[%parallel_loop3A_1015] {strides = array<i32>} : memref<8192xi32, #tpu.memory_space<vmem>>, vector<16xi32>,
      %parallel_loop3A_1017 = arith.constant 16 : i32
      %parallel_loop3A_1018 = arith.muli %parallel_loop3A_1012, %parallel_loop3A_1017 : i32
      %parallel_loop3A_1019 = arith.index_cast %parallel_loop3A_1018 : i32 to index
      %parallel_loop3A_1020 = tpu.vector_load %arg4[%parallel_loop3A_1019] {strides = array<i32>} : memref<8192xi32, #tpu.memory_space<vmem>>, vector<16xi32>,
      %parallel_loop3A_1021 = arith.cmpi uge, %parallel_loop3A_1016, %broadcast_in_dim3A_1008 : vector<16xi32>
      %parallel_loop3A_1022 = arith.select %parallel_loop3A_1021, %parallel_loop3A_1020, %broadcast_in_dim3A_4 : vector<16xi1>, vector<16xi32>
      %parallel_loop3A_1023 = arith.constant 16 : i32
      %parallel_loop3A_1024 = arith.muli %parallel_loop3A_1012, %parallel_loop3A_1023 : i32
      %parallel_loop3A_1025 = arith.index_cast %parallel_loop3A_1024 : i32 to index
      %parallel_loop3A_1026 = tpu.vector_load %arg4[%parallel_loop3A_1025] {strides = array<i32>} : memref<8192xi32, #tpu.memory_space<vmem>>, vector<16xi32>,
      tpu.vector_store %arg4[%parallel_loop3A_1025], %parallel_loop3A_1022 {strides = array<i32>} : memref<8192xi32, #tpu.memory_space<vmem>>, vector<16xi32>,
    } {sc.loop_unroll_factor = 16 : i64, sc.parallel_access}
    "tpu.region"() ({
      %run_scoped3A = tpu.sem_alloc : memref<!tpu.dma_semaphore, #tpu.memory_space<semaphore_mem>>
      %dma_start3A = arith.constant 0 : i32
      %dma_start3A_1012 = tpu.memref_slice %arg3[%add3A, %dma_start3A] : memref<32x8192xi32, #tpu.memory_space<hbm>> -> memref<1x8192xi32, #tpu.memory_space<hbm>>
      %dma_start3A_1013 = tpu.memref_squeeze %dma_start3A_1012 : memref<1x8192xi32, #tpu.memory_space<hbm>> -> memref<8192xi32, #tpu.memory_space<hbm>>
      %dma_start3A_1014 = arith.constant 0 : i32
      %dma_start3A_1015 = tpu.memref_slice %arg3[%add3A, %dma_start3A_1014] : memref<32x8192xi32, #tpu.memory_space<hbm>> -> memref<1x8192xi32, #tpu.memory_space<hbm>>
      %dma_start3A_1016 = tpu.memref_squeeze %dma_start3A_1015 : memref<1x8192xi32, #tpu.memory_space<hbm>> -> memref<8192xi32, #tpu.memory_space<hbm>>
      tpu.enqueue_dma source(%arg4 : memref<8192xi32, #tpu.memory_space<vmem>>) target(%dma_start3A_1016 : memref<8192xi32, #tpu.memory_space<hbm>>) target_semaphore(%run_scoped3A : memref<!tpu.dma_semaphore, #tpu.memory_space<semaphore_mem>>)
      %dma_wait3A = arith.constant 0 : i32
      %dma_wait3A_1017 = tpu.memref_slice %arg3[%add3A, %dma_wait3A] : memref<32x8192xi32, #tpu.memory_space<hbm>> -> memref<1x8192xi32, #tpu.memory_space<hbm>>
      %dma_wait3A_1018 = tpu.memref_squeeze %dma_wait3A_1017 : memref<1x8192xi32, #tpu.memory_space<hbm>> -> memref<8192xi32, #tpu.memory_space<hbm>>
      %dma_wait3A_1019 = arith.constant 0 : i32
      %dma_wait3A_1020 = tpu.memref_slice %arg3[%add3A, %dma_wait3A_1019] : memref<32x8192xi32, #tpu.memory_space<hbm>> -> memref<1x8192xi32, #tpu.memory_space<hbm>>
      %dma_wait3A_1021 = tpu.memref_squeeze %dma_wait3A_1020 : memref<1x8192xi32, #tpu.memory_space<hbm>> -> memref<8192xi32, #tpu.memory_space<hbm>>
      tpu.wait_dma2 semaphore(%run_scoped3A : memref<!tpu.dma_semaphore, #tpu.memory_space<semaphore_mem>>) src(%arg4 : memref<8192xi32, #tpu.memory_space<vmem>>) dst(%dma_wait3A_1021 : memref<8192xi32, #tpu.memory_space<hbm>>)
      tpu.yield
    }) : () -> ()
    return
  }
}

module attributes {stable_mosaic.version = 14 : i64} {
  func.func @_tc_body(%arg0: i32, %arg1: memref<32x8192xi32, #tpu.memory_space<vmem>>, %arg2: memref<32x8192xi32, #tpu.memory_space<vmem>>) attributes {dimension_semantics = [#tpu.dimension_semantics<arbitrary>], iteration_bounds = array<i64: 1>, scalar_prefetch = 0 : i64, scratch_operands = 0 : i64, tpu.core_type = #tpu.core_type<tc>, window_params = [{transform_indices = @transform_0, window_bounds = array<i64: 32, 8192>}, {pipeline_mode = #tpu.pipeline_mode<synchronous>, transform_indices = @transform_1, window_bounds = array<i64: 32, 8192>}]} {
    %get3A = arith.constant 0 : index
    %get3A_0 = arith.constant 0 : index
    %get3A_1 = vector.load %arg1[%get3A, %get3A_0] : memref<32x8192xi32, #tpu.memory_space<vmem>>, vector<32x8192xi32>
    %shift_right_logical3A = arith.constant 31 : i32
    %shift_right_logical3A_2 = vector.broadcast %shift_right_logical3A : i32 to vector<32x8192xi32>
    %shift_right_logical3A_3 = arith.shrui %get3A_1, %shift_right_logical3A_2 : vector<32x8192xi32>
    %mul3A = arith.constant 2147483647 : i32
    %mul3A_4 = vector.broadcast %mul3A : i32 to vector<32x8192xi32>
    %mul3A_5 = arith.muli %shift_right_logical3A_3, %mul3A_4 : vector<32x8192xi32>
    %xor3A = arith.constant -2147483648 : i32
    %xor3A_6 = vector.broadcast %xor3A : i32 to vector<32x8192xi32>
    %xor3A_7 = arith.xori %xor3A_6, %mul3A_5 : vector<32x8192xi32>
    %xor3A_8 = arith.xori %get3A_1, %xor3A_7 : vector<32x8192xi32>
    %broadcast_in_dim3A = arith.constant 0 : i32
    %broadcast_in_dim3A_9 = vector.broadcast %broadcast_in_dim3A : i32 to vector<32xi32>
    %broadcast_in_dim3A_10 = arith.constant -2147483648 : i32
    %broadcast_in_dim3A_11 = vector.broadcast %broadcast_in_dim3A_10 : i32 to vector<32xi32>
    %scan3A = arith.constant 0 : i32
    %scan3A_12 = arith.constant 32 : i32
    %scan3A_13 = arith.addi %scan3A, %scan3A_12 : i32
    %scan3A_14 = arith.constant 1 : i32
    %scan3A_15:2 = scf.for %scan3A_21 = %scan3A to %scan3A_13 step %scan3A_14 iter_args(%scan3A_22 = %broadcast_in_dim3A_9, %scan3A_23 = %broadcast_in_dim3A_11) -> (vector<32xi32>, vector<32xi32>)  : i32 {
      %or3A = arith.ori %scan3A_22, %scan3A_23 : vector<32xi32>
      %broadcast_in_dim3A_24 = vector.shape_cast %or3A : vector<32xi32> to vector<32x1xi32>
      %ge3A_25 = vector.broadcast %broadcast_in_dim3A_24 : vector<32x1xi32> to vector<32x8192xi32>
      %ge3A_26 = arith.cmpi uge, %xor3A_8, %ge3A_25 : vector<32x8192xi32>
      %convert_element_type3A = arith.extui %ge3A_26 : vector<32x8192xi1> to vector<32x8192xi32>
      %reduce_sum3A = arith.constant dense<0> : vector<32xi32>
      %reduce_sum3A_27 = vector.multi_reduction <add>, %convert_element_type3A, %reduce_sum3A [1] : vector<32x8192xi32> to vector<32xi32>
      %ge3A_28 = arith.constant 256 : i32
      %ge3A_29 = vector.broadcast %ge3A_28 : i32 to vector<32xi32>
      %ge3A_30 = arith.cmpi sge, %reduce_sum3A_27, %ge3A_29 : vector<32xi32>
      %select_n3A_31 = arith.select %ge3A_30, %or3A, %scan3A_22 : vector<32xi1>, vector<32xi32>
      %shift_right_logical3A_32 = arith.constant 1 : i32
      %shift_right_logical3A_33 = vector.broadcast %shift_right_logical3A_32 : i32 to vector<32xi32>
      %shift_right_logical3A_34 = arith.shrui %scan3A_23, %shift_right_logical3A_33 : vector<32xi32>
      scf.yield %select_n3A_31, %shift_right_logical3A_34 : vector<32xi32>, vector<32xi32>
    }
    %broadcast_in_dim3A_16 = vector.shape_cast %scan3A_15#0 : vector<32xi32> to vector<32x1xi32>
    %ge3A = vector.broadcast %broadcast_in_dim3A_16 : vector<32x1xi32> to vector<32x8192xi32>
    %ge3A_17 = arith.cmpi uge, %xor3A_8, %ge3A : vector<32x8192xi32>
    %jit3A = arith.constant 0 : i32
    %broadcast_in_dim3A_18 = vector.broadcast %jit3A : i32 to vector<32x8192xi32>
    %select_n3A = arith.select %ge3A_17, %get3A_1, %broadcast_in_dim3A_18 : vector<32x8192xi1>, vector<32x8192xi32>
    %swap3A = arith.constant 0 : index
    %swap3A_19 = arith.constant 0 : index
    %swap3A_20 = vector.load %arg2[%swap3A, %swap3A_19] : memref<32x8192xi32, #tpu.memory_space<vmem>>, vector<32x8192xi32>
    tpu.vector_store %arg2[%swap3A, %swap3A_19], %select_n3A {strides = array<i32>} : memref<32x8192xi32, #tpu.memory_space<vmem>>, vector<32x8192xi32>,
    return
  }
  func.func @transform_0(%arg0: i32) -> (i32, i32) {
    %c1_i32 = arith.constant 1 : i32
    %c0_i32 = arith.constant 0 : i32
    %c0_i32_0 = arith.constant 0 : i32
    return %c1_i32, %c0_i32 : i32, i32
  }
  func.func @transform_1(%arg0: i32) -> (i32, i32) {
    %c0_i32 = arith.constant 0 : i32
    %c0_i32_0 = arith.constant 0 : i32
    %c0_i32_1 = arith.constant 0 : i32
    return %c0_i32, %c0_i32_0 : i32, i32
  }
}

</mosaic_0001>

<sc_bundles>
// kernel: kernel.4.cloned.1.call-start
scs
__scs_entry_jumppad:
0x0: {  	(pc) =	sbr.rel $0x88, $3  }
0x1: {  	(tag) =	ssettag $0x0;
	lr =	simm.s32 $0x1  }
0x2: {  	[smem:$0x3FA0] =	sst lr;
	_ =	strace $0xD0000000  }
0x3: {  	_ = 	snop  }
0x4: {  	_ = 	snop  }
0x5: {  	_ = 	snop  }
0x6: {  	_ = 	snop  }
0x7: {  	_ = 	snop  }
__scs_overlays_trampoline_lowered:
0x8: {  	[smem:$0x3FAF] =	sst s0  }
0x9: {  	[smem:$0x3FB0] =	sst s1  }
0xa: {  	[smem:$0x3FB1] =	sst s2  }
0xb: {  	[smem:$0x3FB2] =	sst s3  }
0xc: {  	[smem:$0x3FB3] =	sst s4  }
0xd: {  	[smem:$0x3FB4] =	sst s5  }
0xe: {  	[smem:$0x3FB5] =	sst s6  }
0xf: {  	[smem:$0x3FB6] =	sst s7  }
0x10: {  	[smem:$0x3FB7] =	sst s8  }
0x11: {  	[smem:$0x3FB8] =	sst s9;
	s0 =	simm.s32 @!p0 $0x0  }
0x12: {  	s1 =	sld [smem:$0x3F9E];
	s0 =	simm.s32 @p0 $0x1  }
0x13: {  	[smem:$0x3FB9] =	sst s0;
	s0 =	simm.s32 @!p1 $0x0  }
0x14: {  	s2 =	sld [smem:$0x3F9D];
	s0 =	simm.s32 @p1 $0x1  }
0x15: {  	[smem:$0x3FBA] =	sst s0;
	s0 =	simm.s32 @!p2 $0x0  }
0x16: {  	s3 =	sld [smem:$0x3FDB];
	s0 =	simm.s32 @p2 $0x1  }
0x17: {  	s4 =	simm.s32 $0x1BF5;
	[smem:$0x3FBC] =	sst s0  }
0x18: {  	s0 =	sld [smem:$0x3F9F];
	_ =	swait.ge [sflag:s4], $0x0  }
0x19: {  	s7 =	sld [smem:$0x3FA0]  }
0x1a: {  	s8 =	sadd.s32 $0xFFFFE003, lr  }
0x1b: {  	s9 =	sadd.s32 $0xFFFFFEF7, lr;
	s5 =	simm.s32 $0xFFFFFFFF;
	p2 =	slt.u32 s8, $0xFFFFF086  }
0x1c: {  	p1 =	slt.u32 s9, $0xF7A;
	s5 =	simm.s32 @!p2 $0x0  }
0x1d: {  	s5 =	simm.s32 @p1 $0x1;
	p0 =	seq.s32 s7, s2  }
0x1e: {  	s7 =	smul.u32 @!p0 $0xF7A, s2;
	p2 =	seq.s32 @!p0 s5, $0x0  }
0x1f: {  	s9 =	smul.u32 $0xF7A, s1;
	s8 =	simm.s32 @!p0 $0x1BF5;
	p2 =	por !p2, p0  }
0x20: {  	[sflag:s8] =	ssyncset.s32 @!p0 $0xFFFFF086;
	s6 =	sadd.s32 @!p0 s3, s7;
	s7 =	simm.s32 @!p0 $0x108  }
0x21: {  	s3 =	sadd.s32 s3, s9;
	s6 =	sadd.s32 @!p0 $0x88, s6;
	s7 =	simm.s32 @p2 $0x1082  }
0x22: {  	[simem:s7], [sflag:s8] =	dma.local @!p0 [hbm:s6], $0xF7A  }
0x23: {  	s9 =	sor.u32 $0xD0000000, s2;
	s6 =	simm.s32 $0x108;
	_ =	swait.ge @!p0 [sflag:s8], $0x0  }
0x24: {  	s3 =	sadd.s32 $0x88, s3;
	s6 =	simm.s32 @!p1 $0x1082;
	[sflag:s4] =	ssyncset.s32 $0xFFFFF086  }
0x25: {  	[simem:s6], [sflag:s4] =	dma.local [hbm:s3], $0xF7A  }
0x26: {  	[smem:$0x3FA0] =	sst s1;
	(tag) =	ssettag s2;
	_ =	strace s9  }
0x27: {  	s1 =	sld [smem:$0x3FB0]  }
0x28: {  	s2 =	sld [smem:$0x3FB1]  }
0x29: {  	s4 =	sld [smem:$0x3FB3]  }
0x2a: {  	p0 =	seq.s32 s5, $0x0;
	s5 =	sld [smem:$0x3FB4]  }
0x2b: {  	s6 =	sld [smem:$0x3FB5]  }
0x2c: {  	s7 =	sld [smem:$0x3FB6]  }
0x2d: {  	s3 =	simm.s32 $0x108;
	s8 =	sld [smem:$0x3FB7]  }
0x2e: {  	s3 =	simm.s32 @!p0 $0x1082;
	s9 =	sld [smem:$0x3FB8]  }
0x2f: {  	lr =	sadd.s32 s0, s3;
	s0 =	sld [smem:$0x3FAF]  }
0x30: {  	s3 =	sld [smem:$0x3FB2]  }
0x31: {  	[smem:$0x3FBB] =	sst s10  }
0x32: {  	s10 =	sld [smem:$0x3FB9];
	_ =	sdelay $0x3  }
0x33: {  	p0 =	seq.s32 s10, $0x1;
	s10 =	sld [smem:$0x3FBB];
	_ =	sdelay $0x3  }
0x34: {  	[smem:$0x3FBB] =	sst s10  }
0x35: {  	s10 =	sld [smem:$0x3FBA];
	_ =	sdelay $0x3  }
0x36: {  	p1 =	seq.s32 s10, $0x1;
	s10 =	sld [smem:$0x3FBB];
	_ =	sdelay $0x3  }
0x37: {  	[smem:$0x3FBB] =	sst s10  }
0x38: {  	s10 =	sld [smem:$0x3FBC]  }
0x39: {  	_ = 	snop;
	(pc) =	sbr.ind lr, $3  }
0x3a: {  	_ = 	snop  }
0x3b: {  	_ = 	snop  }
0x3c: {  	p2 =	seq.s32 s10, $0x1;
	s10 =	sld [smem:$0x3FBB]  }
0x3d: {  	_ =	shalt  }
0x3e: {  	_ =	shalt  }
0x3f: {  	_ =	shalt  }
0x40: {  	_ =	shalt  }
0x41: {  	_ =	shalt  }
0x42: {  	_ =	shalt  }
0x43: {  	_ =	shalt  }
0x44: {  	_ =	shalt  }
0x45: {  	_ =	shalt  }
0x46: {  	_ =	shalt  }
0x47: {  	_ =	shalt  }
0x48: {  	_ =	shalt  }
0x49: {  	_ =	shalt  }
0x4a: {  	_ =	shalt  }
0x4b: {  	_ =	shalt  }
0x4c: {  	_ =	shalt  }
0x4d: {  	_ =	shalt  }
0x4e: {  	_ =	shalt  }
0x4f: {  	_ =	shalt  }
0x50: {  	_ =	shalt  }
0x51: {  	_ =	shalt  }
0x52: {  	_ =	shalt  }
0x53: {  	_ =	shalt  }
0x54: {  	_ =	shalt  }
0x55: {  	_ =	shalt  }
0x56: {  	_ =	shalt  }
0x57: {  	_ =	shalt  }
0x58: {  	_ =	shalt  }
0x59: {  	_ =	shalt  }
0x5a: {  	_ =	shalt  }
0x5b: {  	_ =	shalt  }
0x5c: {  	_ =	shalt  }
0x5d: {  	_ =	shalt  }
0x5e: {  	_ =	shalt  }
0x5f: {  	_ =	shalt  }
0x60: {  	_ =	shalt  }
0x61: {  	_ =	shalt  }
0x62: {  	_ =	shalt  }
0x63: {  	_ =	shalt  }
0x64: {  	_ =	shalt  }
0x65: {  	_ =	shalt  }
0x66: {  	_ =	shalt  }
0x67: {  	_ =	shalt  }
0x68: {  	_ =	shalt  }
0x69: {  	_ =	shalt  }
0x6a: {  	_ =	shalt  }
0x6b: {  	_ =	shalt  }
0x6c: {  	_ =	shalt  }
0x6d: {  	_ =	shalt  }
0x6e: {  	_ =	shalt  }
0x6f: {  	_ =	shalt  }
0x70: {  	_ =	shalt  }
0x71: {  	_ =	shalt  }
0x72: {  	_ =	shalt  }
0x73: {  	_ =	shalt  }
0x74: {  	_ =	shalt  }
0x75: {  	_ =	shalt  }
0x76: {  	_ =	shalt  }
0x77: {  	_ =	shalt  }
0x78: {  	_ =	shalt  }
0x79: {  	_ =	shalt  }
0x7a: {  	_ =	shalt  }
0x7b: {  	_ =	shalt  }
0x7c: {  	_ =	shalt  }
0x7d: {  	_ =	shalt  }
0x7e: {  	_ =	shalt  }
0x7f: {  	_ =	shalt  }
0x80: {  	_ =	shalt  }
0x81: {  	_ =	shalt  }
0x82: {  	_ =	shalt  }
0x83: {  	_ =	shalt  }
0x84: {  	_ =	shalt  }
0x85: {  	_ =	shalt  }
0x86: {  	_ =	shalt  }
0x87: {  	_ =	shalt  }
.Lfunc_end0:
.L_simem_size_0:
called_computation_lowered:
.L_overlay_start_0:
0x88: {  	s2 =	sld [smem:$0x3FD9]  }
0x89: {  	s3 =	sld [smem:$0x3FFE];
	_ =	sdelay $0x1  }
0x8a: {  	s1 =	srdreg.scid  }
0x8b: {  	s0 =	sand.u32 $0x1, s1  }
0x8c: {  	s17 =	sshll.u32 s0, $0xA;
	s2 =	sadd.s32 s3, s2  }
0x8d: {  	s2 =	sadd.s32 s2, s17  }
0x8e: {  	[smem:$0x3FC7] =	sst s2  }
0x8f: {  	_ = 	snop  }
0x90: {  	s2 =	sld [smem:$0x3FD0];
	(tm) =	ssettm $0x1  }
0x91: {  	s18 =	sld [smem:$0x3FFB];
	_ =	sdelay $0x3  }
0x92: {  	_ =	strace s18  }
0x93: {  	s3 =	sld [smem:$0x3FFC];
	_ =	sdelay $0x3  }
0x94: {  	_ =	strace s3  }
0x95: {  	s3 =	sld [smem:$0x3FFD];
	_ =	sdelay $0x3  }
0x96: {  	_ =	strace s3  }
0x97: {  	_ =	strace $0x8FFFFFFF  }
0x98: {  	s19 =	sld [smem:$0x3FDB];
	_ =	sdelay $0x1  }
0x99: {  	s4 =	simm.s32 $_scs_section_size  }
0x9a: {  	s5 =	simm.s32 $_size__tile_overlayer_lowered;
	s6 =	simm.s32 $_tile_overlayer_lowered  }
0x9b: {  	s22 =	simm.s32 $0x1BFF;
	s21 =	sshll.u32 s6, $0x1;
	s3 =	sadd.s32 s4, s19  }
0x9c: {  	s7 =	simm.s32 $0x0;
	s20 =	sshll.u32 s5, $0x1;
	s5 =	sadd.s32 s21, s3  }
0x9d: {  	[timem:s7], [sflag:s22] =	dma.local [hbm:s5], s20  }
0x9e: {  	_ =	swait.ge [sflag:s22], s20  }
0x9f: {  	s4 =	ssub.s32 $0x0, s20;
	[sflag:s22] =	ssyncset.done $0x0  }
0xa0: {  	[sflag:s22] =	ssyncadd.s32 s4;
	_ =	sdelay $0x1  }
0xa1: {  	s23 =	simm.s32 $0x1B8B  }
0xa2: {  	_ =	swait.ge [sflag:s23], $0x1  }
0xa3: {  	[sflag:s23] =	ssyncset.done $0x0  }
0xa4: {  	s25 =	simm.s32 $0x1B8E;
	s24 =	sld [smem:$0x3FFE];
	[sflag:s23] =	ssyncadd.s32 $0xFFFFFFFF  }
0xa5: {  	s26 =	simm.s32 $execute0_lowered;
	[smem:$0x3FD2] =	sst s25  }
0xa6: {  	s5 =	sshll.u32 s26, $0x1;
	_ =	strace $0x80000046;
	[dreg:$0x1] =	wrdreg $0xFFFFFFFF  }
0xa7: {  	s28 =	simm.s32 $_size_execute0_lowered;
	s3 =	sadd.s32 s3, s5;
	[dreg:$0x0] =	wrdreg $0x0  }
0xa8: {  	s5 =	sshll.u32 s28, $0x1;
	[dreg:$0x2] =	wrdreg s3  }
0xa9: {  	[dreg:$0x3] =	wrdreg s5  }
0xaa: {  	[dreg:$0x4] =	wrdreg $0xC0  }
0xab: {  	_ =	task [dreg:s7], $0x5FFFF  }
0xac: {  	[dreg:$0x1] =	wrdreg $0xFFFFFFFF  }
0xad: {  	[dreg:$0x0] =	wrdreg $0x60  }
0xae: {  	[dreg:$0x2] =	wrdreg s2  }
0xaf: {  	[dreg:$0x3] =	wrdreg s24  }
0xb0: {  	[dreg:$0x4] =	wrdreg $0x9  }
0xb1: {  	_ =	task.clear_ibuf [dreg:s7], $0x5FFFF;
	_ =	strace $0x90000046  }
0xb2: {  	s29 =	simm.s32 $0x9;
	_ =	strace $0x80000048  }
0xb3: {  	_ =	swait.ge [sflag:s29], $0x1  }
0xb4: {  	[sflag:s29] =	ssyncadd.s32 $0xFFFFFFFF  }
0xb5: {  	_ =	strace $0x90000048  }
0xb6: {  	_ =	sfence  }
0xb7: {  	s30 =	sld [smem:$0x0];
	_ =	sdelay $0x2  }
0xb8: {  	s31 =	sshll.u32 s1, $0xD;
	s1 =	sshrl.u32 s1, $0x2  }
0xb9: {  	s3 =	sand.u32 $0x4000, s31;
	s1 =	sadd.s32 s1, s30  }
0xba: {  	s0 =	sor.u32 s3, s0;
	s1 =	sshll.u32 s1, $0x11  }
0xbb: {  	s0 =	sor.u32 s1, s0  }
0xbc: {  	s0 =	sadd.s32 $0x8F2B, s0  }
0xbd: {  	[sflag:s0] =	ssyncadd.remote.s32 $0x1  }
0xbe: {  	_ =	sfence.sel $0xFFFF  }
0xbf: {  	[dreg:$0x0] =	wrdreg $0xFFFFFFFF;
	(pc) =	sbr.abs _section_cstart, $3  }
0xc0: {  	[dreg:$0x1] =	wrdreg $0xFFFFFFFF  }
0xc1: {  	_ =	task.clear_ibuf [dreg:s7], $0x2FFFF;
	_ =	strace $0x9FFFFFFF  }
0xc2: {  	(tm) =	ssettm $0x7FFFFFFF  }
0xc3: {  	_ =	shalt  }
tec
execute0_lowered:
.L_overlay_start_1:
0x0: {  	(tag) =	ssettag $0x1  }
0x1: {  	s3 =	rddreg [dreg:$0x0]  }
0x2: {  	s4 =	rddreg [dreg:$0x1]  }
0x3: {  	s2 =	srdreg.scid;
	s1 =	stileid.u32  }
0x4: {  	s0 =	rddreg [dreg:$0x2];
	s9 =	simm.s32 $0x4000;
	s10 =	simm.s32 $0x0  }
0x5: {  	s5 =	sand.u32 $0x1, s2;
	s30 =	sshll.u32 s1, $0x5;
	s6 =	sshll.u32 s1, $0xB  }
0x6: {  	s2 =	simm.s32 $0x0;
	s7 =	sshll.u32 s5, $0x4;
	s8 =	sand.u32 $0x60, s30  }
0x7: {  	s6 =	sand.u32 $0x6000, s6;
	[smem:$0x7FF] =	sst s2;
	s5 =	ssub.s32 $0x2, s5  }
0x8: {  	v3 =	vlaneseq.u32;
	s7 =	sor.u32 s7, s8;
	_ =	strace $0x80000047;
	s31 =	sshrl.u32 s5, $0x1  }
0x9: {  	v2 =	vmul.u32 $0xFFFFFFFF, v3;
	s8 =	simm.s32 $0x1;
	s6 =	sor.u32 s6, s7;
	s5 =	ssub.s32 s5, s31  }
0xa: {  	v0 =	vimm.s32 $0x0;
	s7 =	simm.s32 $0x400;
	s4 =	sadd.s32 s6, s4;
	s3 =	sadd.s32 s3, s6  }
0xb: {  	v1 =	vimm.s32 $0x1;
	v3 =	vadd.s32 $0x80000001, v3;
	v2 =	vadd.s32 $0xF, v2;
	s5 =	smax.u32 s5, $0x1;
	s6 =	simm.s32 $0x80;
	s4 =	sadd.s32 $0x600, s4  }
.LBB2_1:
0xc: {  	[tilespmem:s2], [sflag:$0x1] =	stream.strided.gather [hbm4b:s3+s6], $0x2000, s7, s6, $0x38;
	[tilespmem:$0x4800] =	vst v63  }
0xd: {  	_ =	swait.ge [sflag:s8], $0x2000  }
0xe: {  	[sflag:s8] =	ssyncset.done $0x0  }
0xf: {  	s13 =	simm.s32 $0x4040;
	[sflag:s8] =	ssyncadd.s32 $0xFFFFE000  }
0x10: {  	[tilespmem:s13+$0xFFFFFFC0] =	vst v0  }
0x11: {  	[tilespmem:s13+$0x30] =	vst v0  }
0x12: {  	[tilespmem:s13+$0x20] =	vst v0  }
0x13: {  	[tilespmem:s13+$0x10] =	vst v0  }
0x14: {  	[tilespmem:s13+$0x0] =	vst v0  }
0x15: {  	[tilespmem:s13+$0xFFFFFFF0] =	vst v0  }
0x16: {  	s14 =	simm.s32 $0x0;
	s12 =	simm.s32 $0x2080;
	[tilespmem:s13+$0xFFFFFFE0] =	vst v0  }
.LBB2_2:
0x17: {  	s14 =	sadd.s32 $0x8, s14;
	[tilespmem:s13+$0xFFFFFFD0] =	vst v0;
	s13 =	sadd.s32 $0x80, s13  }
0x18: {  	[tilespmem:s13+$0xFFFFFFC0] =	vst v0;
	p0 =	slt.u32 s14, $0x78  }
0x19: {  	[tilespmem:s13+$0x30] =	vst v0  }
.Ltmp0:
0x1a: {  	[tilespmem:s13+$0x20] =	vst v0;
	(pc) =	sbr.rel @p0 .LBB2_2-.Ltmp0, $4  }
0x1b: {  	[tilespmem:s13+$0x10] =	vst v0  }
0x1c: {  	[tilespmem:s13+$0x0] =	vst v0  }
0x1d: {  	[tilespmem:s13+$0xFFFFFFF0] =	vst v0  }
0x1e: {  	s11 =	simm.s32 $0x80;
	[tilespmem:s13+$0xFFFFFFE0] =	vst v0  }
0x1f: {  	[tilespmem:s13+$0xFFFFFFD0] =	vst v0  }
0x20: {  	v4 =	vld [tilespmem:s11+$0x40]  }
0x21: {  	v5 =	vld [tilespmem:s11+$0x20]  }
0x22: {  	v9 =	vld [tilespmem:s11+$0xFFFFFFF0]  }
0x23: {  	v6 =	vld [tilespmem:s11+$0x0]  }
0x24: {  	v7 =	vld [tilespmem:s11+$0x10]  }
0x25: {  	v10 =	vld [tilespmem:s11+$0xFFFFFFE0];
	_ =	sdelay $0x1  }
0x26: {  	v11 =	vld [tilespmem:s11+$0xFFFFFFD0]  }
0x27: {  	v12 =	vld [tilespmem:s11+$0xFFFFFFC0];
	v8 =	vshra.s32 v4, $0x1F;
	v14 =	vshra.s32 v6, $0x1F  }
0x28: {  	v16 =	vshra.s32 v7, $0x1F;
	v17 =	vshra.s32 v5, $0x1F;
	v18 =	vshra.s32 v9, $0x1F  }
0x29: {  	v15 =	vld [tilespmem:s11+$0xFFFFFFB0];
	v20 =	vshra.s32 v10, $0x1F;
	v8 =	vor.u32 $0x80000000, v8;
	v16 =	vor.u32 $0x80000000, v16  }
0x2a: {  	v19 =	vld [tilespmem:s11+$0xFFFFFFA0];
	v17 =	vor.u32 $0x80000000, v17;
	v21 =	vor.u32 $0x80000000, v18;
	v4 =	vxor.u32 v4, v8  }
0x2b: {  	v18 =	vor.u32 $0x80000000, v20;
	v14 =	vor.u32 $0x80000000, v14;
	v8 =	vld [tilespmem:s11+$0xFFFFFF90];
	v13 =	vshrl.u32 v4, $0x15  }
0x2c: {  	v20 =	vshra.s32 v12, $0x1F;
	v7 =	vxor.u32 v7, v16;
	v16 =	vshra.s32 v11, $0x1F  }
0x2d: {  	v24 =	vld [tilespmem:s11+$0x30];
	v5 =	vxor.u32 v5, v17;
	v20 =	vor.u32 $0x80000000, v20;
	v26 =	vxor.u32 v6, v14  }
0x2e: {  	v22 =	vor.u32 $0x80000000, v16;
	[tilespmem:s12+$0x40] =	vst v4;
	v4 =	vshra.s32 v15, $0x1F;
	v25 =	vshrl.u32 v5, $0x15  }
0x2f: {  	v23 =	vshrl.u32 v7, $0x15;
	[tilespmem:s12+$0x10] =	vst v7;
	v7 =	vshra.s32 v19, $0x1F;
	v4 =	vor.u32 $0x80000000, v4  }
0x30: {  	v11 =	vxor.u32 v11, v22;
	v16 =	vshra.s32 v8, $0x1F;
	[tilespmem:v13+s9+$0x0] =	vst.idx.add.s32.msk $0xffff, v1;
	v13 =	vor.u32 $0x80000000, v7  }
0x31: {  	[tilespmem:s12+$0x20] =	vst v5;
	v6 =	vor.u32 $0x80000000, v16;
	v16 =	vxor.u32 v15, v4;
	v7 =	vxor.u32 v10, v18;
	v18 =	vld [tilespmem:s11+$0x70]  }
0x32: {  	v14 =	vld [tilespmem:s11+$0x50];
	[tilespmem:s12+$0x0] =	vst v26;
	v10 =	vshra.s32 v24, $0x1F;
	v27 =	vxor.u32 v8, v6;
	v17 =	vxor.u32 v19, v13  }
0x33: {  	[tilespmem:v25+s9+$0x0] =	vst.idx.add.s32.msk $0xffff, v1;
	v8 =	vshrl.u32 v26, $0x15;
	v5 =	vshrl.u32 v16, $0x15;
	v13 =	vxor.u32 v12, v20  }
0x34: {  	[tilespmem:v23+s9+$0x0] =	vst.idx.add.s32.msk $0xffff, v1;
	v19 =	vor.u32 $0x80000000, v10;
	v10 =	vshrl.u32 v11, $0x15;
	v12 =	vxor.u32 v9, v21  }
0x35: {  	s14 =	simm.s32 $0x0;
	s15 =	simm.s32 $0x180;
	v15 =	vld [tilespmem:s11+$0xFFFFFF80];
	[tilespmem:s12+$0xFFFFFFE0] =	vst v7;
	v4 =	vshrl.u32 v27, $0x15;
	v6 =	vshrl.u32 v17, $0x15;
	v20 =	vxor.u32 v24, v19  }
0x36: {  	s13 =	simm.s32 $0x4100;
	s16 =	simm.s32 $0x2080;
	v9 =	vshrl.u32 v13, $0x15;
	[tilespmem:s12+$0xFFFFFF90] =	vst v27;
	v19 =	vld [tilespmem:s11+$0x60];
	s11 =	simm.s32 $0x2;
	v21 =	vshrl.u32 v20, $0x15;
	v22 =	vshra.s32 v18, $0x1F  }
.LBB2_4:
0x37: {  	v23 =	vld [tilespmem:s15+$0x40];
	s14 =	sadd.s32 $0x10, s14;
	[tilespmem:s12+$0xFFFFFFB0] =	vst v16;
	v16 =	vor.u32 $0x80000000, v22;
	s16 =	sadd.s32 $0x100, s16  }
0x38: {  	v22 =	vld [tilespmem:s15+$0xFFFFFF90];
	p0 =	slt.u32 s14, $0x1F0;
	[tilespmem:s12+$0xFFFFFFA0] =	vst v17;
	v16 =	vxor.u32 v18, v16  }
0x39: {  	v17 =	vshra.s32 v14, $0x1F;
	v24 =	vld [tilespmem:s15+$0xFFFFFFD0];
	[tilespmem:s12+$0x70] =	vst v16;
	v16 =	vshrl.u32 v16, $0x15  }
0x3a: {  	v25 =	vshra.s32 v15, $0x1F;
	v17 =	vor.u32 $0x80000000, v17;
	v18 =	vld [tilespmem:s15+$0x20];
	[tilespmem:s12+$0x30] =	vst v20  }
0x3b: {  	v20 =	vor.u32 $0x80000000, v25;
	v14 =	vxor.u32 v14, v17;
	[tilespmem:v21+s9+$0x0] =	vst.idx.add.s32.msk $0xffff, v1;
	v17 =	vshra.s32 v19, $0x1F  }
0x3c: {  	v15 =	vxor.u32 v15, v20;
	v21 =	vld [tilespmem:s15+$0xFFFFFFA0];
	v25 =	vshra.s32 v23, $0x1F;
	[tilespmem:s12+$0x50] =	vst v14;
	v17 =	vor.u32 $0x80000000, v17  }
0x3d: {  	v20 =	vld [tilespmem:s15+$0xFFFFFFC0];
	v25 =	vor.u32 $0x80000000, v25;
	[tilespmem:s12+$0xFFFFFF80] =	vst v15;
	v15 =	vshrl.u32 v15, $0x15;
	v17 =	vxor.u32 v19, v17  }
0x3e: {  	v14 =	vshrl.u32 v14, $0x15;
	v19 =	vld [tilespmem:s15+$0xFFFFFFB0];
	v23 =	vxor.u32 v23, v25;
	[tilespmem:s12+$0x60] =	vst v17;
	v17 =	vshrl.u32 v17, $0x15  }
0x3f: {  	v25 =	vld [tilespmem:s15+$0xFFFFFFE0];
	[tilespmem:s12+$0xFFFFFFC0] =	vst v13  }
0x40: {  	[tilespmem:v16+s9+$0x0] =	vst.idx.add.s32.msk $0xffff, v1  }
0x41: {  	v26 =	vld [tilespmem:s15+$0xFFFFFFF0];
	[tilespmem:s12+$0xFFFFFFD0] =	vst v11  }
0x42: {  	v13 =	vshrl.u32 v12, $0x15;
	v11 =	vld [tilespmem:s15+$0x0];
	[tilespmem:s16+$0x40] =	vst v23  }
0x43: {  	v16 =	vld [tilespmem:s15+$0x10];
	[tilespmem:s12+$0xFFFFFFF0] =	vst v12;
	s12 =	smov.u32 s16  }
0x44: {  	[tilespmem:v14+s9+$0x0] =	vst.idx.add.s32.msk $0xffff, v1  }
0x45: {  	v7 =	vshrl.u32 v7, $0x15;
	[tilespmem:v8+s9+$0x0] =	vst.idx.add.s32.msk $0xffff, v1  }
0x46: {  	v8 =	vshrl.u32 v23, $0x15;
	[tilespmem:v15+s9+$0x0] =	vst.idx.add.s32.msk $0xffff, v1  }
0x47: {  	[tilespmem:v13+s9+$0x0] =	vst.idx.add.s32.msk $0xffff, v1  }
0x48: {  	v14 =	vshra.s32 v18, $0x1F;
	v12 =	vshra.s32 v11, $0x1F;
	v13 =	vshra.s32 v16, $0x1F;
	[tilespmem:v17+s9+$0x0] =	vst.idx.add.s32.msk $0xffff, v1  }
0x49: {  	v14 =	vor.u32 $0x80000000, v14;
	v15 =	vshra.s32 v26, $0x1F;
	v13 =	vor.u32 $0x80000000, v13;
	[tilespmem:v10+s9+$0x0] =	vst.idx.add.s32.msk $0xffff, v1  }
0x4a: {  	v23 =	vor.u32 $0x80000000, v15;
	v10 =	vshra.s32 v25, $0x1F;
	v13 =	vxor.u32 v16, v13;
	[tilespmem:v7+s9+$0x0] =	vst.idx.add.s32.msk $0xffff, v1  }
0x4b: {  	v12 =	vor.u32 $0x80000000, v12;
	v7 =	vshra.s32 v24, $0x1F;
	v10 =	vor.u32 $0x80000000, v10;
	[tilespmem:s16+$0x10] =	vst v13;
	v27 =	vld [tilespmem:s15+$0x30]  }
0x4c: {  	v15 =	vshra.s32 v20, $0x1F;
	v28 =	vor.u32 $0x80000000, v7;
	v29 =	vshrl.u32 v13, $0x15;
	[tilespmem:v9+s9+$0x0] =	vst.idx.add.s32.msk $0xffff, v1  }
0x4d: {  	v7 =	vshra.s32 v19, $0x1F;
	v13 =	vxor.u32 v18, v14;
	v9 =	vor.u32 $0x80000000, v15;
	[tilespmem:v6+s9+$0x0] =	vst.idx.add.s32.msk $0xffff, v1  }
0x4e: {  	v7 =	vor.u32 $0x80000000, v7;
	v15 =	vshrl.u32 v13, $0x15;
	v6 =	vshra.s32 v21, $0x1F;
	[tilespmem:v8+s9+$0x0] =	vst.idx.add.s32.msk $0xffff, v1  }
0x4f: {  	v30 =	vxor.u32 v11, v12;
	v8 =	vshra.s32 v22, $0x1F;
	v6 =	vor.u32 $0x80000000, v6;
	[tilespmem:v4+s9+$0x0] =	vst.idx.add.s32.msk $0xffff, v1  }
0x50: {  	v16 =	vxor.u32 v19, v7;
	v7 =	vxor.u32 v25, v10;
	v4 =	vor.u32 $0x80000000, v8;
	[tilespmem:v5+s9+$0x0] =	vst.idx.add.s32.msk $0xffff, v1  }
0x51: {  	v17 =	vxor.u32 v21, v6;
	v8 =	vshrl.u32 v30, $0x15;
	v19 =	vxor.u32 v22, v4;
	[tilespmem:s16+$0x20] =	vst v13;
	v18 =	vld [tilespmem:s15+$0x70]  }
.Ltmp1:
0x52: {  	v11 =	vxor.u32 v24, v28;
	v6 =	vshrl.u32 v17, $0x15;
	v4 =	vshrl.u32 v19, $0x15;
	[tilespmem:s16+$0xFFFFFFE0] =	vst v7;
	v14 =	vld [tilespmem:s15+$0x50];
	(pc) =	sbr.rel @p0 .LBB2_4-.Ltmp1, $4  }
0x53: {  	v5 =	vshrl.u32 v16, $0x15;
	v13 =	vxor.u32 v20, v9;
	v9 =	vshra.s32 v27, $0x1F;
	[tilespmem:v15+s9+$0x0] =	vst.idx.add.s32.msk $0xffff, v1  }
0x54: {  	v12 =	vxor.u32 v26, v23;
	v10 =	vshrl.u32 v11, $0x15;
	v20 =	vor.u32 $0x80000000, v9;
	v15 =	vld [tilespmem:s15+$0xFFFFFF80];
	[tilespmem:s16+$0x0] =	vst v30  }
0x55: {  	v9 =	vshrl.u32 v13, $0x15;
	v20 =	vxor.u32 v27, v20;
	[tilespmem:v29+s9+$0x0] =	vst.idx.add.s32.msk $0xffff, v1  }
0x56: {  	v21 =	vshrl.u32 v20, $0x15;
	[tilespmem:s16+$0xFFFFFF90] =	vst v19;
	v19 =	vld [tilespmem:s15+$0x60];
	v22 =	vshra.s32 v18, $0x1F;
	s15 =	sadd.s32 $0x100, s15  }
0x57: {  	[tilespmem:s12+$0xFFFFFFB0] =	vst v16  }
0x58: {  	[tilespmem:s12+$0xFFFFFFA0] =	vst v17  }
0x59: {  	[tilespmem:s12+$0x30] =	vst v20  }
0x5a: {  	[tilespmem:s12+$0xFFFFFFC0] =	vst v13  }
0x5b: {  	[tilespmem:s12+$0xFFFFFFD0] =	vst v11  }
0x5c: {  	[tilespmem:s12+$0xFFFFFFF0] =	vst v12  }
0x5d: {  	[tilespmem:v8+s9+$0x0] =	vst.idx.add.s32.msk $0xffff, v1  }
0x5e: {  	[tilespmem:v4+s9+$0x0] =	vst.idx.add.s32.msk $0xffff, v1  }
0x5f: {  	[tilespmem:v21+s9+$0x0] =	vst.idx.add.s32.msk $0xffff, v1  }
0x60: {  	[tilespmem:v10+s9+$0x0] =	vst.idx.add.s32.msk $0xffff, v1  }
0x61: {  	v16 =	vor.u32 $0x80000000, v22;
	[tilespmem:v9+s9+$0x0] =	vst.idx.add.s32.msk $0xffff, v1  }
0x62: {  	v17 =	vshra.s32 v14, $0x1F;
	v11 =	vshrl.u32 v12, $0x15;
	v7 =	vshrl.u32 v7, $0x15;
	[tilespmem:v6+s9+$0x0] =	vst.idx.add.s32.msk $0xffff, v1  }
0x63: {  	v16 =	vxor.u32 v18, v16;
	v17 =	vor.u32 $0x80000000, v17;
	[tilespmem:v5+s9+$0x0] =	vst.idx.add.s32.msk $0xffff, v1;
	v18 =	vshra.s32 v15, $0x1F  }
0x64: {  	[tilespmem:s12+$0x70] =	vst v16;
	v14 =	vxor.u32 v14, v17;
	v18 =	vor.u32 $0x80000000, v18  }
0x65: {  	v16 =	vshrl.u32 v16, $0x15;
	[tilespmem:s12+$0x50] =	vst v14;
	v17 =	vshra.s32 v19, $0x1F;
	v15 =	vxor.u32 v15, v18  }
0x66: {  	v14 =	vshrl.u32 v14, $0x15;
	v17 =	vor.u32 $0x80000000, v17;
	[tilespmem:s12+$0xFFFFFF80] =	vst v15  }
0x67: {  	v13 =	vshrl.u32 v15, $0x15;
	[tilespmem:v11+s9+$0x0] =	vst.idx.add.s32.msk $0xffff, v1;
	v17 =	vxor.u32 v19, v17  }
0x68: {  	[tilespmem:v7+s9+$0x0] =	vst.idx.add.s32.msk $0xffff, v1;
	v15 =	vshrl.u32 v17, $0x15  }
0x69: {  	[tilespmem:s12+$0x60] =	vst v17  }
0x6a: {  	[tilespmem:v16+s9+$0x0] =	vst.idx.add.s32.msk $0xffff, v1  }
0x6b: {  	[tilespmem:v14+s9+$0x0] =	vst.idx.add.s32.msk $0xffff, v1  }
0x6c: {  	[tilespmem:v13+s9+$0x0] =	vst.idx.add.s32.msk $0xffff, v1  }
0x6d: {  	[tilespmem:v15+s9+$0x0] =	vst.idx.add.s32.msk $0xffff, v1  }
0x6e: {  	v4 =	vld [tilespmem:s13+$0xFFFFFF70]  }
0x6f: {  	v7 =	vld [tilespmem:s13+$0xFFFFFFF0]  }
0x70: {  	v10 =	vld [tilespmem:s13+$0x70]  }
0x71: {  	v5 =	vld [tilespmem:s13+$0xFFFFFF60]  }
0x72: {  	v8 =	vld [tilespmem:s13+$0xFFFFFFE0]  }
0x73: {  	v11 =	vld [tilespmem:s13+$0x60]  }
0x74: {  	v6 =	vld [tilespmem:s13+$0xFFFFFF50]  }
0x75: {  	v9 =	vld [tilespmem:s13+$0xFFFFFFD0]  }
0x76: {  	v12 =	vld [tilespmem:s13+$0xFFFFFF40]  }
0x77: {  	v13 =	vld [tilespmem:s13+$0xFFFFFFC0]  }
0x78: {  	v14 =	vld [tilespmem:s13+$0xFFFFFF30]  }
0x79: {  	v15 =	vld [tilespmem:s13+$0xFFFFFFB0]  }
0x7a: {  	v16 =	vld [tilespmem:s13+$0x30]  }
0x7b: {  	v17 =	vld [tilespmem:s13+$0xFFFFFF20]  }
0x7c: {  	v18 =	vld [tilespmem:s13+$0xFFFFFFA0]  }
0x7d: {  	v19 =	vld [tilespmem:s13+$0xFFFFFF00]  }
0x7e: {  	v20 =	vld [tilespmem:s13+$0xFFFFFF10]  }
0x7f: {  	v21 =	vld [tilespmem:s13+$0xFFFFFF80]  }
0x80: {  	v46 =	vld [tilespmem:s13+$0xFFFFFF90]  }
0x81: {  	v23 =	vld [tilespmem:s13+$0x0]  }
0x82: {  	v24 =	vld [tilespmem:s13+$0x10]  }
0x83: {  	v25 =	vld [tilespmem:s13+$0x80]  }
0x84: {  	v26 =	vld [tilespmem:s13+$0x90]  }
0x85: {  	v27 =	vld [tilespmem:s13+$0x20]  }
0x86: {  	v28 =	vld [tilespmem:s13+$0xA0]  }
0x87: {  	v29 =	vld [tilespmem:s13+$0xB0]  }
0x88: {  	v30 =	vld [tilespmem:s13+$0x40]  }
0x89: {  	s29 =	simm.s32 $0x4300;
	v31 =	vld [tilespmem:s13+$0xC0];
	v19 =	vadd.s32 v19, v20  }
0x8a: {  	v50 =	vld [tilespmem:s29+$0xFFFFFF80];
	v21 =	vadd.s32 v21, v46;
	v47 =	vadd.s32 v23, v24;
	v17 =	vadd.s32 v17, v19  }
0x8b: {  	v20 =	vld [tilespmem:s13+$0x50];
	v48 =	vadd.s32 v25, v26;
	v18 =	vadd.s32 v18, v21;
	v14 =	vadd.s32 v14, v17  }
0x8c: {  	v19 =	vld [tilespmem:s13+$0xD0];
	v49 =	vadd.s32 v27, v47;
	v15 =	vadd.s32 v15, v18;
	v12 =	vadd.s32 v12, v14  }
0x8d: {  	v17 =	vld [tilespmem:s13+$0xE0];
	v18 =	vadd.s32 v28, v48;
	v13 =	vadd.s32 v13, v15;
	v12 =	vadd.s32 v6, v12  }
0x8e: {  	v14 =	vld [tilespmem:s13+$0xF0];
	v15 =	vadd.s32 v16, v49;
	v9 =	vadd.s32 v9, v13;
	v12 =	vadd.s32 v5, v12  }
0x8f: {  	v51 =	vld [tilespmem:s29+$0xFFFFFF90];
	v13 =	vadd.s32 v29, v18;
	v15 =	vadd.s32 v30, v15;
	v12 =	vadd.s32 v4, v12  }
0x90: {  	v52 =	vld [tilespmem:s29+$0x0];
	v8 =	vadd.s32 v8, v9;
	(xrf0) =	vadd.scan.msk.s32 $0xffff, v12;
	v12 =	vadd.s32 v31, v13;
	v13 =	vadd.s32 v20, v15  }
0x91: {  	v53 =	vld [tilespmem:s29+$0x10];
	v8 =	vadd.s32 v7, v8;
	v11 =	vadd.s32 v11, v13;
	v12 =	vadd.s32 v19, v12  }
0x92: {  	v54 =	vld [tilespmem:s29+$0x80];
	(xrf0) =	vadd.scan.msk.s32 $0xffff, v8;
	v10 =	vadd.s32 v10, v11;
	v11 =	vadd.s32 v17, v12  }
0x93: {  	v55 =	vld [tilespmem:s29+$0x90];
	v11 =	vadd.s32 v14, v11  }
0x94: {  	v56 =	vld [tilespmem:s29+$0x20];
	(xrf0) =	vadd.scan.msk.s32 $0xffff, v10  }
0x95: {  	v57 =	vld [tilespmem:s29+$0xA0];
	(xrf0) =	vadd.scan.msk.s32 $0xffff, v11  }
0x96: {  	v58 =	vld [tilespmem:s29+$0xB0];
	v11, _, _ =	vpop (xrf0)  }
0x97: {  	v16 =	vld [tilespmem:s29+$0xFFFFFFB0];
	(v2sf) =	vpush v11, $0xF  }
0x98: {  	v6 =	vld [tilespmem:s29+$0xFFFFFF70];
	v11, _, _ =	vpop (xrf0)  }
0x99: {  	v18 =	vld [tilespmem:s29+$0x30];
	(v2sf) =	vpush v11, $0xF  }
0x9a: {  	v5 =	vld [tilespmem:s29+$0xFFFFFFF0];
	v11, _, _ =	vpop (xrf0)  }
0x9b: {  	v9 =	vld [tilespmem:s29+$0xFFFFFF60];
	(v2sf) =	vpush v11, $0xF;
	v11, _, _ =	vpop (xrf0)  }
0x9c: {  	v4 =	vld [tilespmem:s29+$0x70];
	(v2sf) =	vpush v11, $0xF  }
0x9d: {  	v7 =	vld [tilespmem:s29+$0xFFFFFFE0]  }
0x9e: {  	v15 =	vld [tilespmem:s29+$0xFFFFFF50]  }
0x9f: {  	v20 =	vld [tilespmem:s29+$0xFFFFFFA0]  }
0xa0: {  	v8 =	vld [tilespmem:s29+$0x60]  }
0xa1: {  	v13 =	vld [tilespmem:s29+$0xFFFFFF30]  }
0xa2: {  	v19 =	vld [tilespmem:s29+$0xFFFFFF20]  }
0xa3: {  	v17 =	vld [tilespmem:s29+$0xFFFFFFC0]  }
0xa4: {  	v12 =	vld [tilespmem:s29+$0xFFFFFF10]  }
0xa5: {  	v10 =	vld [tilespmem:s29+$0xFFFFFFD0]  }
0xa6: {  	v11 =	vld [tilespmem:s29+$0xFFFFFF00];
	s30 =	spop (v2sf)  }
0xa7: {  	v14 =	vld [tilespmem:s29+$0xFFFFFF40];
	[smem:$0x0] =	sst s30  }
0xa8: {  	s12 =	spop (v2sf)  }
0xa9: {  	v59 =	vld [tilespmem:s29+$0x40];
	[smem:$0x1] =	sst s12  }
0xaa: {  	v61 =	vadd.s32 v52, v53;
	s12 =	spop (v2sf)  }
0xab: {  	v62 =	vadd.s32 v54, v55;
	v21 =	vadd.s32 v50, v51;
	v60 =	vadd.s32 v11, v12;
	v11 =	vld [tilespmem:s29+$0xC0];
	[smem:s11] =	sst s12;
	s31 =	spop (v2sf)  }
0xac: {  	v63 =	vadd.s32 v56, v61;
	v20 =	vadd.s32 v20, v21;
	v19 =	vadd.s32 v19, v60;
	v12 =	vld [tilespmem:s29+$0x50];
	[smem:$0x3] =	sst s31  }
0xad: {  	v20 =	vadd.s32 v16, v20;
	v16 =	vadd.s32 v57, v62;
	v19 =	vadd.s32 v13, v19;
	v13 =	vld [tilespmem:s29+$0xD0]  }
0xae: {  	v21 =	vadd.s32 v18, v63;
	v16 =	vadd.s32 v58, v16;
	v19 =	vadd.s32 v14, v19;
	v14 =	vld [tilespmem:s29+$0xE0]  }
0xaf: {  	s13 =	simm.s32 $0x4500;
	v18 =	vadd.s32 v15, v19;
	v19 =	vadd.s32 v17, v20;
	s12 =	simm.s32 $0x4;
	v17 =	vadd.s32 v59, v21;
	v15 =	vld [tilespmem:s29+$0xF0]  }
.LBB2_6:
0xb0: {  	v20 =	vld [tilespmem:s13+$0xFFFFFF70];
	v9 =	vadd.s32 v9, v18;
	v10 =	vadd.s32 v10, v19;
	v11 =	vadd.s32 v11, v16  }
0xb1: {  	v16 =	vld [tilespmem:s13+$0xFFFFFFF0];
	v6 =	vadd.s32 v6, v9;
	v7 =	vadd.s32 v7, v10;
	v9 =	vadd.s32 v12, v17  }
0xb2: {  	v12 =	vld [tilespmem:s13+$0x70];
	v5 =	vadd.s32 v5, v7;
	v7 =	vadd.s32 v8, v9;
	v8 =	vadd.s32 v13, v11;
	(xrf0) =	vadd.scan.msk.s32 $0xffff, v6  }
0xb3: {  	v9 =	vld [tilespmem:s13+$0xFFFFFF60];
	v4 =	vadd.s32 v4, v7;
	v10 =	vadd.s32 v14, v8;
	(xrf0) =	vadd.scan.msk.s32 $0xffff, v5  }
0xb4: {  	v7 =	vld [tilespmem:s13+$0xFFFFFFE0];
	v10 =	vadd.s32 v15, v10;
	(xrf0) =	vadd.scan.msk.s32 $0xffff, v4  }
0xb5: {  	v8 =	vld [tilespmem:s13+$0x60];
	(xrf0) =	vadd.scan.msk.s32 $0xffff, v10;
	v6 =	vmov v20  }
0xb6: {  	v15 =	vld [tilespmem:s13+$0xFFFFFF50];
	v5 =	vmov v16  }
0xb7: {  	v10 =	vld [tilespmem:s13+$0xFFFFFFD0];
	v4 =	vmov v12  }
0xb8: {  	v14 =	vld [tilespmem:s13+$0xFFFFFF40];
	v11, _, _ =	vpop (xrf0)  }
0xb9: {  	v17 =	vld [tilespmem:s13+$0xFFFFFFC0];
	(v2sf) =	vpush v11, $0xF;
	v11, _, _ =	vpop (xrf0)  }
0xba: {  	v13 =	vld [tilespmem:s13+$0xFFFFFF30];
	(v2sf) =	vpush v11, $0xF;
	v11, _, _ =	vpop (xrf0)  }
0xbb: {  	v16 =	vld [tilespmem:s13+$0xFFFFFFB0];
	(v2sf) =	vpush v11, $0xF;
	v11, _, _ =	vpop (xrf0)  }
0xbc: {  	v18 =	vld [tilespmem:s13+$0x30];
	(v2sf) =	vpush v11, $0xF  }
0xbd: {  	v12 =	vld [tilespmem:s13+$0xFFFFFF20]  }
0xbe: {  	v19 =	vld [tilespmem:s13+$0xFFFFFFA0]  }
0xbf: {  	v11 =	vld [tilespmem:s13+$0xFFFFFF00]  }
0xc0: {  	v20 =	vld [tilespmem:s13+$0xFFFFFF10]  }
0xc1: {  	v21 =	vld [tilespmem:s13+$0xFFFFFF80]  }
0xc2: {  	v22 =	vld [tilespmem:s13+$0xFFFFFF90]  }
0xc3: {  	v23 =	vld [tilespmem:s13+$0x0]  }
0xc4: {  	v24 =	vld [tilespmem:s13+$0x10]  }
0xc5: {  	v25 =	vld [tilespmem:s13+$0x80]  }
0xc6: {  	v26 =	vld [tilespmem:s13+$0x90]  }
0xc7: {  	v27 =	vld [tilespmem:s13+$0x20]  }
0xc8: {  	s11 =	sadd.s32 $0x4, s11;
	v28 =	vld [tilespmem:s13+$0xA0];
	s14 =	spop (v2sf)  }
0xc9: {  	s12 =	sadd.s32 $0x4, s12;
	v29 =	vld [tilespmem:s13+$0xB0];
	[smem:s11+$0xFFFFFFFE] =	sst s14;
	s14 =	spop (v2sf)  }
0xca: {  	p0 =	slt.u32 s12, $0xC;
	v20 =	vadd.s32 v11, v20;
	v30 =	vld [tilespmem:s13+$0x40];
	[smem:s11+$0xFFFFFFFF] =	sst s14;
	s14 =	spop (v2sf)  }
0xcb: {  	[smem:s11] =	sst s14  }
.Ltmp2:
0xcc: {  	v21 =	vadd.s32 v21, v22;
	v22 =	vadd.s32 v23, v24;
	v23 =	vadd.s32 v25, v26;
	v11 =	vld [tilespmem:s13+$0xC0];
	s14 =	spop (v2sf);
	(pc) =	sbr.rel @p0 .LBB2_6-.Ltmp2, $4  }
0xcd: {  	v20 =	vadd.s32 v12, v20;
	v19 =	vadd.s32 v19, v21;
	v21 =	vadd.s32 v27, v22;
	v12 =	vld [tilespmem:s13+$0x50];
	[smem:s11+$0x1] =	sst s14  }
0xce: {  	v20 =	vadd.s32 v13, v20;
	v19 =	vadd.s32 v16, v19;
	v16 =	vadd.s32 v28, v23;
	v13 =	vld [tilespmem:s13+$0xD0]  }
0xcf: {  	v20 =	vadd.s32 v14, v20;
	v21 =	vadd.s32 v18, v21;
	v16 =	vadd.s32 v29, v16;
	v14 =	vld [tilespmem:s13+$0xE0]  }
0xd0: {  	v19 =	vadd.s32 v17, v19;
	v18 =	vadd.s32 v15, v20;
	v17 =	vadd.s32 v30, v21;
	v15 =	vld [tilespmem:s13+$0xF0];
	s13 =	sadd.s32 $0x200, s13  }
0xd1: {  	v9 =	vadd.s32 v9, v18;
	v10 =	vadd.s32 v10, v19;
	v11 =	vadd.s32 v11, v16  }
0xd2: {  	v6 =	vadd.s32 v6, v9;
	v7 =	vadd.s32 v7, v10;
	v62 =	vadd.s32 v12, v17  }
0xd3: {  	v5 =	vadd.s32 v5, v7;
	v7 =	vadd.s32 v8, v62;
	v63 =	vadd.s32 v13, v11;
	(xrf0) =	vadd.scan.msk.s32 $0xffff, v6  }
0xd4: {  	v4 =	vadd.s32 v4, v7;
	v6 =	vadd.s32 v14, v63;
	(xrf0) =	vadd.scan.msk.s32 $0xffff, v5  }
0xd5: {  	v5 =	vadd.s32 v15, v6;
	(xrf0) =	vadd.scan.msk.s32 $0xffff, v4  }
0xd6: {  	(xrf0) =	vadd.scan.msk.s32 $0xffff, v5;
	_ =	sdelay $0x2  }
0xd7: {  	v4, _, _ =	vpop (xrf0)  }
0xd8: {  	(v2sf) =	vpush v4, $0xF;
	v4, _, _ =	vpop (xrf0)  }
0xd9: {  	(v2sf) =	vpush v4, $0xF;
	v4, _, _ =	vpop (xrf0)  }
0xda: {  	(v2sf) =	vpush v4, $0xF;
	v4, _, _ =	vpop (xrf0)  }
0xdb: {  	(v2sf) =	vpush v4, $0xF;
	_ =	sdelay $0xb  }
0xdc: {  	s11 =	sadd.s32 $0x4, s11;
	s12 =	spop (v2sf)  }
0xdd: {  	[smem:s11+$0xFFFFFFFE] =	sst s12;
	s21 =	spop (v2sf)  }
0xde: {  	[smem:s11+$0xFFFFFFFF] =	sst s21;
	s22 =	spop (v2sf)  }
0xdf: {  	[smem:s11] =	sst s22;
	s23 =	spop (v2sf)  }
0xe0: {  	[smem:s11+$0x1] =	sst s23  }
0xe1: {  	s11 =	sld [smem:$0xF]  }
0xe2: {  	s12 =	sld [smem:$0xE]  }
0xe3: {  	s13 =	sld [smem:$0xD]  }
0xe4: {  	s14 =	sld [smem:$0xC]  }
0xe5: {  	s24 =	sld [smem:$0xB]  }
0xe6: {  	s25 =	sld [smem:$0xA]  }
0xe7: {  	s26 =	sld [smem:$0x9];
	p1 =	sgt.s32 s11, $0xFF  }
0xe8: {  	s28 =	sld [smem:$0x8];
	s12 =	sadd.s32 s12, s11;
	s15 =	simm.s32 @!p1 $0x0  }
0xe9: {  	s29 =	sld [smem:$0x7];
	p0 =	sgt.s32 s12, $0xFF;
	s15 =	simm.s32 @p1 $0x1  }
0xea: {  	[smem:$0x7EF] =	sst s15;
	s15 =	simm.s32 @!p0 $0x0  }
0xeb: {  	s30 =	sld [smem:$0x6];
	s15 =	simm.s32 @p0 $0x1  }
0xec: {  	p0 =	por p1, p0;
	[smem:$0x7F0] =	sst s15;
	s15 =	sadd.s32 s13, s12  }
0xed: {  	s31 =	sld [smem:$0x5];
	p2 =	por !p0, !p0;
	p6 =	sgt.s32 s15, $0xFF  }
0xee: {  	s23 =	sld [smem:$0x7EF];
	p3 =	por p0, p6;
	p0 =	por !p6, !p2  }
0xef: {  	s16 =	sadd.s32 s14, s15;
	s22 =	sld [smem:$0x7F0];
	s17 =	simm.s32 @!p0 $0x0  }
0xf0: {  	p4 =	sgt.s32 s16, $0xFF;
	p2 =	por !p3, !p3;
	s17 =	simm.s32 @p0 $0x1  }
0xf1: {  	p0 =	por p3, p4;
	[smem:$0x7EB] =	sst s17;
	s17 =	sadd.s32 s16, s24  }
0xf2: {  	p4 =	por !p4, !p2;
	p5 =	por !p0, !p0;
	p3 =	sgt.s32 s17, $0xFF  }
0xf3: {  	s18 =	sadd.s32 s25, s17;
	p6 =	por p0, p3;
	p2 =	por !p3, !p5  }
0xf4: {  	p0 =	sgt.s32 s18, $0xFF;
	p1 =	por !p6, !p6;
	s19 =	simm.s32 @!p2 $0x0  }
0xf5: {  	s24 =	sld [smem:$0x7EB];
	s19 =	simm.s32 @p2 $0x1;
	p1 =	por !p0, !p1  }
0xf6: {  	[smem:$0x7EC] =	sst s19;
	s19 =	simm.s32 @!p1 $0x0  }
0xf7: {  	s19 =	simm.s32 @p1 $0x1;
	s25 =	sld [smem:$0x7EC]  }
0xf8: {  	p0 =	por p6, p0;
	[smem:$0x7ED] =	sst s19;
	s19 =	sadd.s32 s26, s18  }
0xf9: {  	p3 =	por !p0, !p0;
	s26 =	sld [smem:$0x4];
	p6 =	sgt.s32 s19, $0xFF  }
0xfa: {  	s20 =	sadd.s32 s28, s19;
	p1 =	por !p6, !p3;
	p0 =	por p0, p6  }
0xfb: {  	p6 =	sgt.s32 s20, $0xFF;
	s21 =	sadd.s32 s20, s29;
	s14 =	simm.s32 @!p1 $0x0  }
0xfc: {  	s29 =	sld [smem:$0x3];
	p2 =	por !p0, !p0;
	s14 =	simm.s32 @p1 $0x1  }
0xfd: {  	p1 =	por p0, p6;
	p0 =	sgt.s32 s21, $0xFF;
	p6 =	por !p6, !p2  }
0xfe: {  	[smem:$0x7EE] =	sst s14;
	p3 =	por !p1, !p1;
	s14 =	simm.s32 $0xE  }
0xff: {  	p1 =	por p1, p0;
	p6 =	por !p6, !p6;
	p5 =	por !p0, !p3  }
0x100: {  	p0 =	seq.s32 s22, $0x1;
	s22 =	sadd.s32 s30, s21;
	s28 =	sld [smem:$0x7EE]  }
0x101: {  	p3 =	seq.s32 s23, $0x1;
	s30 =	sld [smem:$0x2];
	s14 =	simm.s32 @!p0 $0x0  }
0x102: {  	p2 =	sgt.s32 s22, $0xFF;
	p0 =	por !p1, !p1;
	p5 =	por !p5, !p5  }
0x103: {  	s14 =	simm.s32 @p3 $0xF;
	p3 =	seq.s32 s24, $0x1;
	p0 =	por !p2, !p0  }
0x104: {  	p2 =	por p1, p2;
	p1 =	por !p4, !p4;
	p3 =	por !p3, !p3  }
0x105: {  	s24 =	sld [smem:$0x7ED];
	s23 =	simm.s32 @!p3 $0x0;
	s14 =	simm.s32 @p3 $0xD  }
0x106: {  	p0 =	por !p0, !p0;
	s23 =	simm.s32 @p3 $0x1;
	s14 =	simm.s32 @p1 $0xC  }
0x107: {  	p3 =	seq.s32 s25, $0x1;
	s25 =	simm.s32 @!p5 $0x0;
	[smem:$0x7F1] =	sst s23  }
0x108: {  	s23 =	simm.s32 @!p1 $0x0;
	p4 =	por !p3, !p3;
	s25 =	simm.s32 @p5 $0x1  }
0x109: {  	s23 =	simm.s32 @p1 $0x1;
	[smem:$0x7F7] =	sst s25;
	s25 =	simm.s32 @!p0 $0x0  }
0x10a: {  	[smem:$0x7F2] =	sst s23;
	s23 =	simm.s32 @!p4 $0x0;
	s25 =	simm.s32 @p0 $0x1  }
0x10b: {  	p1 =	por !p2, !p2;
	s23 =	simm.s32 @p4 $0x1;
	[smem:$0x7F8] =	sst s25  }
0x10c: {  	s14 =	simm.s32 @p4 $0xB;
	p4 =	seq.s32 s24, $0x1;
	[smem:$0x7F3] =	sst s23  }
0x10d: {  	s23 =	sadd.s32 s31, s22;
	p4 =	por !p4, !p4;
	s31 =	sld [smem:$0x1]  }
0x10e: {  	p3 =	sgt.s32 s23, $0xFF;
	s24 =	simm.s32 @!p4 $0x0;
	s14 =	simm.s32 @p4 $0xA  }
0x10f: {  	s24 =	simm.s32 @p4 $0x1;
	p1 =	por !p3, !p1;
	p4 =	seq.s32 s28, $0x1  }
0x110: {  	p2 =	por p2, p3;
	s28 =	sld [smem:$0x0];
	p3 =	por !p4, !p4  }
0x111: {  	[smem:$0x7F4] =	sst s24;
	s24 =	simm.s32 @!p3 $0x0;
	s14 =	simm.s32 @p3 $0x9  }
0x112: {  	p4 =	por !p2, !p2;
	s24 =	simm.s32 @p3 $0x1;
	s14 =	simm.s32 @p6 $0x8  }
0x113: {  	[smem:$0x7F5] =	sst s24;
	s24 =	simm.s32 @!p6 $0x0;
	s14 =	simm.s32 @p5 $0x7  }
0x114: {  	p5 =	por !p1, !p1;
	s24 =	simm.s32 @p6 $0x1;
	s14 =	simm.s32 @p0 $0x6  }
0x115: {  	[smem:$0x7F6] =	sst s24;
	s24 =	sadd.s32 s26, s23;
	s26 =	simm.s32 @!p5 $0x0  }
0x116: {  	s14 =	simm.s32 @p5 $0x5;
	p3 =	sgt.s32 s24, $0xFF;
	s25 =	sadd.s32 s24, s29  }
0x117: {  	s26 =	simm.s32 @p5 $0x1;
	p4 =	por !p3, !p4;
	p2 =	por p2, p3  }
0x118: {  	[smem:$0x7F9] =	sst s26;
	p3 =	sgt.s32 s25, $0xFF;
	s26 =	sadd.s32 s30, s25  }
0x119: {  	p6 =	por !p2, !p2;
	p0 =	por p2, p3;
	p5 =	por !p4, !p4  }
0x11a: {  	p2 =	sgt.s32 s26, $0xFF;
	s13 =	sadd.s32 s31, s26;
	p1 =	por !p3, !p6  }
0x11b: {  	p6 =	por !p0, !p0;
	s14 =	simm.s32 @p5 $0x4;
	s28 =	sadd.s32 s28, s13  }
0x11c: {  	p4 =	por !p1, !p1;
	p6 =	por !p2, !p6;
	p1 =	por p0, p2  }
0x11d: {  	p0 =	sgt.s32 s13, $0xFF;
	s14 =	simm.s32 @p4 $0x3;
	p2 =	por !p1, !p1  }
0x11e: {  	p3 =	por !p6, !p6;
	p6 =	slt.s32 s28, $0x100;
	p2 =	por !p0, !p2  }
0x11f: {  	p6 =	por p0, p6;
	s14 =	simm.s32 @p3 $0x2;
	p0 =	por !p2, !p2  }
0x120: {  	p1 =	por p6, p1;
	s14 =	simm.s32 @p0 $0x1  }
0x121: {  	s14 =	simm.s32 @!p1 $0x0  }
0x122: {  	s29 =	sshll.u32 s14, $0x7  }
0x123: {  	s28 =	sand.u32 $0x3FFFFF80, s29  }
0x124: {  	v4 =	vld [tilespmem:s28+$0x4070]  }
0x125: {  	v5 =	vld [tilespmem:s28+$0x4060];
	_ =	sdelay $0x1  }
0x126: {  	v6 =	vld [tilespmem:s28+$0x4050]  }
0x127: {  	v7 =	vld [tilespmem:s28+$0x4040]  }
0x128: {  	(xrf0) =	vadd.scan.msk.s32 $0xffff, v4  }
0x129: {  	s29 =	sld [smem:$0x7EF];
	(xrf0) =	vadd.scan.msk.s32 $0xffff, v5  }
0x12a: {  	s30 =	sld [smem:$0x7F0];
	v4 =	vld [tilespmem:s28+$0x4030]  }
0x12b: {  	s31 =	sld [smem:$0x7F1];
	(xrf0) =	vadd.scan.msk.s32 $0xffff, v6  }
0x12c: {  	p2 =	seq.s32 s29, $0x1;
	s29 =	sld [smem:$0x7F2];
	(xrf0) =	vadd.scan.msk.s32 $0xffff, v7  }
0x12d: {  	s11 =	simm.s32 @p2 $0x0;
	p2 =	seq.s32 s30, $0x1;
	s30 =	sld [smem:$0x7F3];
	v5 =	vld [tilespmem:s28+$0x4020]  }
0x12e: {  	s11 =	simm.s32 @!p2 $0x0;
	p2 =	seq.s32 s31, $0x1;
	v6, _, _ =	vpop (xrf0)  }
0x12f: {  	s31 =	sld [smem:$0x7F4];
	s11 =	smov.u32 @p2 s12;
	p2 =	seq.s32 s29, $0x1;
	(xrf0) =	vadd.scan.msk.s32 $0xffff, v4;
	v4 =	vld [tilespmem:s28+$0x4010];
	(v2sf) =	vpush v6, $0xF;
	v6, _, _ =	vpop (xrf0)  }
0x130: {  	s11 =	smov.u32 @p2 s15;
	p2 =	seq.s32 s30, $0x1;
	s15 =	sld [smem:$0x7F5];
	v7 =	vld [tilespmem:s28+$0x4000];
	(v2sf) =	vpush v6, $0xF  }
0x131: {  	s11 =	smov.u32 @p2 s16;
	s16 =	sld [smem:$0x7F6];
	v6, _, _ =	vpop (xrf0)  }
0x132: {  	p2 =	seq.s32 s31, $0x1;
	(xrf0) =	vadd.scan.msk.s32 $0xffff, v5;
	(v2sf) =	vpush v6, $0xF;
	v5, _, _ =	vpop (xrf0)  }
0x133: {  	s11 =	smov.u32 @p2 s17;
	s17 =	sld [smem:$0x7F7];
	p2 =	seq.s32 s15, $0x1;
	(v2sf) =	vpush v5, $0xF  }
0x134: {  	s11 =	smov.u32 @p2 s18;
	p2 =	seq.s32 s16, $0x1;
	s18 =	sld [smem:$0x7F8];
	(xrf0) =	vadd.scan.msk.s32 $0xffff, v4  }
0x135: {  	s11 =	smov.u32 @p2 s19;
	s19 =	sld [smem:$0x7F9];
	v4, _, _ =	vpop (xrf0);
	(xrf0) =	vadd.scan.msk.s32 $0xffff, v7  }
0x136: {  	p2 =	seq.s32 s17, $0x1;
	(v2sf) =	vpush v4, $0xF  }
0x137: {  	s11 =	smov.u32 @p2 s20;
	p2 =	seq.s32 s18, $0x1  }
0x138: {  	s11 =	smov.u32 @p2 s21;
	p2 =	seq.s32 s19, $0x1  }
0x139: {  	s11 =	smov.u32 @p2 s22;
	v4, _, _ =	vpop (xrf0)  }
0x13a: {  	s11 =	smov.u32 @p5 s23;
	(v2sf) =	vpush v4, $0xF;
	v4, _, _ =	vpop (xrf0)  }
0x13b: {  	s11 =	smov.u32 @p4 s24;
	(v2sf) =	vpush v4, $0xF;
	v4, _, _ =	vpop (xrf0)  }
0x13c: {  	s11 =	smov.u32 @p3 s25;
	(v2sf) =	vpush v4, $0xF  }
0x13d: {  	s11 =	smov.u32 @p0 s26  }
0x13e: {  	s13 =	smov.u32 @p1 s11;
	s20 =	spop (v2sf)  }
0x13f: {  	s21 =	spop (v2sf);
	s11 =	sadd.s32 s13, s20;
	s20 =	sshll.u32 s14, $0x3  }
0x140: {  	s14 =	sshllo.u32 s14, $0x3;
	s15 =	sadd.s32 s21, s11;
	p0 =	sgt.s32 s11, $0xFF  }
0x141: {  	s22 =	spop (v2sf);
	s16 =	simm.s32 @!p0 $0x0;
	p2 =	sgt.s32 s15, $0xFF  }
0x142: {  	s23 =	spop (v2sf);
	s16 =	simm.s32 @p0 $0x1;
	p0 =	por p0, p2  }
0x143: {  	[smem:$0x7FB] =	sst s16;
	s16 =	sadd.s32 s22, s15;
	p3 =	por !p0, !p0  }
0x144: {  	s22 =	sor.u32 $0x6, s20;
	p5 =	sgt.s32 s16, $0xFF;
	s17 =	sadd.s32 s23, s16  }
0x145: {  	s24 =	spop (v2sf);
	p0 =	por p0, p5;
	p1 =	por !p5, !p3  }
0x146: {  	p4 =	sgt.s32 s17, $0xFF;
	p6 =	por !p0, !p0;
	s18 =	simm.s32 @!p1 $0x0  }
0x147: {  	s29 =	sld [smem:$0x7FB];
	s18 =	simm.s32 @p1 $0x1;
	p1 =	por !p4, !p6  }
0x148: {  	p0 =	por p0, p4;
	[smem:$0x7FC] =	sst s18;
	s18 =	simm.s32 @!p1 $0x0  }
0x149: {  	s25 =	spop (v2sf);
	p4 =	por !p0, !p0;
	s18 =	simm.s32 @p1 $0x1  }
0x14a: {  	s26 =	spop (v2sf);
	[smem:$0x7FD] =	sst s18;
	s18 =	sadd.s32 s24, s17  }
0x14b: {  	s30 =	sld [smem:$0x7FC];
	s28 =	spop (v2sf);
	p6 =	sgt.s32 s18, $0xFF  }
0x14c: {  	s19 =	sadd.s32 s25, s18;
	s31 =	sld [smem:$0x7FD];
	p0 =	por p0, p6  }
0x14d: {  	p4 =	por !p6, !p4;
	p3 =	sgt.s32 s19, $0xFF;
	s12 =	sadd.s32 s26, s19  }
0x14e: {  	p6 =	por !p0, !p0;
	p1 =	por p0, p3;
	s21 =	sadd.s32 s28, s12  }
0x14f: {  	p0 =	sgt.s32 s12, $0xFF;
	p5 =	por !p3, !p6;
	p3 =	por !p1, !p1  }
0x150: {  	p6 =	por !p0, !p3;
	p3 =	slt.s32 s21, $0x100;
	s21 =	simm.s32 @!p2 $0x0  }
0x151: {  	s22 =	simm.s32 @!p2 $0x0;
	s21 =	simm.s32 @p2 $0x1;
	p2 =	seq.s32 s29, $0x1  }
0x152: {  	p0 =	por p0, p3;
	p3 =	seq.s32 s30, $0x1;
	s22 =	smov.u32 @p2 s14  }
0x153: {  	s14 =	sor.u32 $0x5, s20;
	p2 =	por !p3, !p3;
	p3 =	seq.s32 s31, $0x1  }
0x154: {  	s22 =	smov.u32 @p2 s14;
	s14 =	sor.u32 $0x4, s20;
	p3 =	por !p3, !p3  }
0x155: {  	p4 =	por !p4, !p4;
	s22 =	smov.u32 @p3 s14;
	s14 =	sor.u32 $0x3, s20  }
0x156: {  	p5 =	por !p5, !p5;
	s22 =	smov.u32 @p4 s14;
	s14 =	sor.u32 $0x2, s20  }
0x157: {  	p6 =	por !p6, !p6;
	s22 =	smov.u32 @p5 s14;
	s14 =	sor.u32 $0x1, s20  }
0x158: {  	p0 =	por p1, p0;
	s22 =	smov.u32 @p6 s14  }
0x159: {  	s20 =	smov.u32 @p0 s22  }
0x15a: {  	s14 =	sshll.u32 s20, $0x4  }
0x15b: {  	v4 =	vld [tilespmem:s14+$0x4000];
	_ =	sdelay $0x4  }
0x15c: {  	v4 =	vperm.xlane v4, v2;
	_ =	sdelay $0x1  }
0x15d: {  	[smem:$0x7FA] =	sst s21;
	s20 =	simm.s32 $0x4040;
	(xrf0) =	vadd.scan.msk.s32 $0xffff, v4  }
0x15e: {  	[tilespmem:s20+$0xFFFFFFC0] =	vst v0  }
0x15f: {  	[tilespmem:s20+$0x30] =	vst v0  }
0x160: {  	[tilespmem:s20+$0x20] =	vst v0  }
0x161: {  	[tilespmem:s20+$0x10] =	vst v0  }
0x162: {  	[tilespmem:s20+$0x0] =	vst v0  }
0x163: {  	[tilespmem:s20+$0xFFFFFFF0] =	vst v0;
	v4, _, _ =	vpop (xrf0)  }
0x164: {  	s21 =	simm.s32 $0x0;
	[tilespmem:s20+$0xFFFFFFE0] =	vst v0;
	v4 =	vperm.xlane v4, v2  }
.LBB2_8:
0x165: {  	s21 =	sadd.s32 $0x8, s21;
	[tilespmem:s20+$0xFFFFFFD0] =	vst v0;
	s20 =	sadd.s32 $0x80, s20  }
0x166: {  	[tilespmem:s20+$0xFFFFFFC0] =	vst v0;
	p1 =	slt.u32 s21, $0x78  }
0x167: {  	[tilespmem:s20+$0x30] =	vst v0  }
.Ltmp3:
0x168: {  	[tilespmem:s20+$0x20] =	vst v0;
	(pc) =	sbr.rel @p1 .LBB2_8-.Ltmp3, $4  }
0x169: {  	[tilespmem:s20+$0x10] =	vst v0  }
0x16a: {  	[tilespmem:s20+$0x0] =	vst v0  }
0x16b: {  	[tilespmem:s20+$0xFFFFFFF0] =	vst v0  }
0x16c: {  	[tilespmem:s20+$0xFFFFFFE0] =	vst v0  }
0x16d: {  	s21 =	sld [smem:$0x7FA]  }
0x16e: {  	s29 =	sld [smem:$0x7FB];
	_ =	sdelay $0x1  }
0x16f: {  	p1 =	seq.s32 s21, $0x1  }
0x170: {  	s11 =	simm.s32 @!p1 $0x0;
	p1 =	seq.s32 s29, $0x1  }
0x171: {  	s11 =	smov.u32 @p1 s13  }
0x172: {  	s11 =	smov.u32 @p2 s15  }
0x173: {  	s11 =	smov.u32 @p3 s16  }
0x174: {  	s11 =	smov.u32 @p4 s17  }
0x175: {  	s11 =	smov.u32 @p5 s18  }
0x176: {  	s11 =	smov.u32 @p6 s19  }
0x177: {  	s12 =	smov.u32 @p0 s11  }
0x178: {  	v5 =	vadd.s32 s12, v4  }
0x179: {  	vm0 =	vgt.s32 v5, $0xFF  }
0x17a: {  	v5 =	vnsel vm0, $0x80000000, v3  }
0x17b: {  	(xrf0) =	vmax.scan.msk.u32 $0xffff, v5;
	_ =	sdelay $0x5  }
0x17c: {  	v5, _, _ =	vpop (xrf0)  }
0x17d: {  	(v2sf) =	vpush v5, $0xF;
	_ =	sdelay $0x6  }
0x17e: {  	[tilespmem:s20+$0xFFFFFFD0] =	vst v0;
	s30 =	simm.s32 $0x2080  }
0x17f: {  	v6 =	vld [tilespmem:s30+$0xFFFFFFD0]  }
0x180: {  	v7 =	vld [tilespmem:s30+$0xFFFFFFE0]  }
0x181: {  	v8 =	vld [tilespmem:s30+$0xFFFFFF80]  }
0x182: {  	v9 =	vld [tilespmem:s30+$0x0]  }
0x183: {  	v10 =	vld [tilespmem:s30+$0x50];
	_ =	sdelay $0x1  }
0x184: {  	v11 =	vld [tilespmem:s30+$0x10]  }
0x185: {  	v12 =	vld [tilespmem:s30+$0xFFFFFFF0];
	s31 =	spop (v2sf)  }
0x186: {  	v24 =	vld [tilespmem:s30+$0xFFFFFF90];
	v13 =	vshrl.u32 v8, $0x15;
	v8 =	vshrl.u32 v8, $0xA;
	v15 =	vshrl.u32 v6, $0xA;
	s11 =	sadd.s32 s31, s14  }
0x187: {  	v18 =	vshrl.u32 v7, $0x15;
	v16 =	vshrl.u32 v9, $0x15;
	v17 =	vshrl.u32 v10, $0x15;
	s11 =	sadd.s32 $0x7FFFFFFF, s11  }
0x188: {  	v14 =	vld [tilespmem:s30+$0xFFFFFFB0];
	v10 =	vshrl.u32 v10, $0xA;
	v9 =	vshrl.u32 v9, $0xA;
	v5 =	vmov s11  }
0x189: {  	v19 =	vld [tilespmem:s30+$0x20];
	v20 =	vshrl.u32 v11, $0x15;
	v22 =	vshrl.u32 v11, $0xA;
	vm1 =	veq.s32 v13, v5  }
0x18a: {  	v21 =	vld [tilespmem:s30+$0xFFFFFFA0];
	v11 =	vshrl.u32 v12, $0x15;
	v12 =	vshrl.u32 v12, $0xA;
	v8 =	vand.u32 $0x7FF, v8  }
0x18b: {  	v61 =	vshrl.u32 v24, $0xA;
	v23 =	vand.u32 $0x7FF, v10;
	v12 =	vand.u32 $0x7FF, v12  }
0x18c: {  	v10 =	vshrl.u32 v6, $0x15;
	v6 =	vshrl.u32 v7, $0xA;
	v13 =	vld [tilespmem:s30+$0xFFFFFFC0];
	vm3 =	veq.s32 v11, v5  }
0x18d: {  	v7 =	vand.u32 $0x7FF, v6;
	v6 =	vshrl.u32 v14, $0xA;
	vm5 =	veq.s32 v17, v5  }
0x18e: {  	v60 =	vld [tilespmem:s30+$0x60];
	v63 =	vshrl.u32 v14, $0x15;
	v6 =	vand.u32 $0x7FF, v6;
	vm4 =	veq.s32 v20, v5  }
0x18f: {  	v17 =	vshrl.u32 v19, $0xA;
	[tilespmem:v8+s9+$0x0] =	vst.idx.add.s32.msk vm1, v1;
	v8 =	vshrl.u32 v19, $0x15;
	v19 =	vshrl.u32 v21, $0x15  }
0x190: {  	v14 =	vld [tilespmem:s30+$0x40];
	vm7 =	veq.s32 v8, v5;
	vm2 =	veq.s32 v19, v5;
	v19 =	vand.u32 $0x7FF, v22  }
0x191: {  	vm6 =	veq.s32 v16, v5;
	v62 =	vand.u32 $0x7FF, v17;
	v17 =	vld [tilespmem:s30+$0x30];
	v11 =	vshrl.u32 v13, $0x15  }
0x192: {  	v16 =	vand.u32 $0x7FF, v9;
	v13 =	vshrl.u32 v13, $0xA;
	vm1 =	veq.s32 v11, v5;
	[tilespmem:v12+s9+$0x0] =	vst.idx.add.s32.msk vm3, v1  }
0x193: {  	v12 =	vshrl.u32 v21, $0xA;
	[tilespmem:v23+s9+$0x0] =	vst.idx.add.s32.msk vm5, v1;
	vm5 =	veq.s32 v18, v5;
	v18 =	vshrl.u32 v60, $0xA  }
0x194: {  	v11 =	vld [tilespmem:s30+$0x70];
	v8 =	vshrl.u32 v24, $0x15;
	v9 =	vand.u32 $0x7FF, v12;
	v12 =	vand.u32 $0x7FF, v15  }
0x195: {  	v15 =	vshrl.u32 v60, $0x15;
	vm3 =	veq.s32 v8, v5;
	v8 =	vand.u32 $0x7FF, v61;
	[tilespmem:v19+s9+$0x0] =	vst.idx.add.s32.msk vm4, v1  }
0x196: {  	s13 =	simm.s32 $0x0;
	s14 =	simm.s32 $0x2180;
	vm4 =	veq.s32 v63, v5;
	[tilespmem:v62+s9+$0x0] =	vst.idx.add.s32.msk vm7, v1;
	vm7 =	veq.s32 v15, v5;
	v15 =	vand.u32 $0x7FF, v18  }
.LBB2_10:
0x197: {  	v18 =	vld [tilespmem:s14+$0xFFFFFF90];
	s13 =	sadd.s32 $0x10, s13  }
0x198: {  	p0 =	slt.u32 s13, $0x1F0;
	[tilespmem:v16+s9+$0x0] =	vst.idx.add.s32.msk vm6, v1;
	v16 =	vshrl.u32 v17, $0x15;
	v17 =	vshrl.u32 v17, $0xA  }
0x199: {  	v19 =	vld [tilespmem:s14+$0xFFFFFFA0];
	vm6 =	veq.s32 v16, v5;
	v16 =	vshrl.u32 v14, $0x15;
	v14 =	vshrl.u32 v14, $0xA  }
0x19a: {  	v17 =	vand.u32 $0x7FF, v17;
	v20 =	vld [tilespmem:s14+$0xFFFFFFB0];
	vm10 =	veq.s32 v16, v5;
	v14 =	vand.u32 $0x7FF, v14  }
0x19b: {  	vm8 =	veq.s32 v10, v5;
	v10 =	vshrl.u32 v11, $0x15;
	v11 =	vshrl.u32 v11, $0xA;
	v16 =	vld [tilespmem:s14+$0xFFFFFFC0]  }
0x19c: {  	vm9 =	veq.s32 v10, v5;
	v21 =	vld [tilespmem:s14+$0xFFFFFFD0]  }
0x19d: {  	v10 =	vand.u32 $0x7FF, v11;
	v22 =	vld [tilespmem:s14+$0xFFFFFFE0]  }
0x19e: {  	v11 =	vand.u32 $0x7FF, v13;
	[tilespmem:v15+s9+$0x0] =	vst.idx.add.s32.msk vm7, v1  }
0x19f: {  	[tilespmem:v17+s9+$0x0] =	vst.idx.add.s32.msk vm6, v1  }
0x1a0: {  	v13 =	vld [tilespmem:s14+$0xFFFFFF80]  }
0x1a1: {  	v15 =	vld [tilespmem:s14+$0xFFFFFFF0]  }
0x1a2: {  	v17 =	vld [tilespmem:s14+$0x0]  }
0x1a3: {  	v23 =	vld [tilespmem:s14+$0x50]  }
0x1a4: {  	v24 =	vld [tilespmem:s14+$0x10]  }
0x1a5: {  	v25 =	vshrl.u32 v13, $0x15;
	v13 =	vshrl.u32 v13, $0xA;
	v26 =	vld [tilespmem:s14+$0x20]  }
0x1a6: {  	vm6 =	veq.s32 v25, v5;
	[tilespmem:v14+s9+$0x0] =	vst.idx.add.s32.msk vm10, v1  }
0x1a7: {  	v27 =	vshrl.u32 v22, $0x15;
	v13 =	vand.u32 $0x7FF, v13;
	v25 =	vshrl.u32 v21, $0xA;
	[tilespmem:v12+s9+$0x0] =	vst.idx.add.s32.msk vm8, v1  }
0x1a8: {  	v12 =	vshrl.u32 v17, $0x15;
	v14 =	vshrl.u32 v23, $0x15;
	v23 =	vshrl.u32 v23, $0xA;
	[tilespmem:v10+s9+$0x0] =	vst.idx.add.s32.msk vm9, v1  }
0x1a9: {  	v17 =	vshrl.u32 v17, $0xA;
	v10 =	vshrl.u32 v24, $0x15;
	v24 =	vshrl.u32 v24, $0xA;
	[tilespmem:v7+s9+$0x0] =	vst.idx.add.s32.msk vm5, v1  }
0x1aa: {  	v7 =	vshrl.u32 v15, $0x15;
	v15 =	vshrl.u32 v15, $0xA;
	v23 =	vand.u32 $0x7FF, v23;
	[tilespmem:v8+s9+$0x0] =	vst.idx.add.s32.msk vm3, v1  }
0x1ab: {  	vm5 =	veq.s32 v7, v5;
	v8 =	vand.u32 $0x7FF, v15;
	vm7 =	veq.s32 v10, v5;
	[tilespmem:v11+s9+$0x0] =	vst.idx.add.s32.msk vm1, v1  }
0x1ac: {  	vm8 =	veq.s32 v14, v5;
	v10 =	vshrl.u32 v21, $0x15;
	v7 =	vshrl.u32 v22, $0xA;
	[tilespmem:v9+s9+$0x0] =	vst.idx.add.s32.msk vm2, v1  }
0x1ad: {  	v14 =	vshrl.u32 v26, $0xA;
	v7 =	vand.u32 $0x7FF, v7;
	v9 =	vshrl.u32 v16, $0x15;
	[tilespmem:v6+s9+$0x0] =	vst.idx.add.s32.msk vm4, v1  }
0x1ae: {  	v6 =	vshrl.u32 v20, $0xA;
	vm1 =	veq.s32 v9, v5;
	v9 =	vshrl.u32 v26, $0x15;
	[tilespmem:v13+s9+$0x0] =	vst.idx.add.s32.msk vm6, v1  }
0x1af: {  	v13 =	vshrl.u32 v19, $0x15;
	v6 =	vand.u32 $0x7FF, v6;
	vm9 =	veq.s32 v9, v5;
	v11 =	vld [tilespmem:s14+$0x70]  }
0x1b0: {  	v15 =	vand.u32 $0x7FF, v24;
	v9 =	vshrl.u32 v18, $0x15;
	vm2 =	veq.s32 v13, v5;
	v21 =	vld [tilespmem:s14+$0x60]  }
0x1b1: {  	vm3 =	veq.s32 v9, v5;
	v9 =	vshrl.u32 v18, $0xA;
	v18 =	vand.u32 $0x7FF, v14;
	[tilespmem:v8+s9+$0x0] =	vst.idx.add.s32.msk vm5, v1  }
.Ltmp4:
0x1b2: {  	v20 =	vshrl.u32 v20, $0x15;
	vm6 =	veq.s32 v12, v5;
	v8 =	vand.u32 $0x7FF, v9;
	v14 =	vld [tilespmem:s14+$0x40];
	(pc) =	sbr.rel @p0 .LBB2_10-.Ltmp4, $4  }
0x1b3: {  	v13 =	vshrl.u32 v16, $0xA;
	v16 =	vand.u32 $0x7FF, v17;
	v9 =	vshrl.u32 v19, $0xA;
	v17 =	vld [tilespmem:s14+$0x30]  }
0x1b4: {  	v12 =	vand.u32 $0x7FF, v25;
	vm5 =	veq.s32 v27, v5;
	v9 =	vand.u32 $0x7FF, v9;
	[tilespmem:v23+s9+$0x0] =	vst.idx.add.s32.msk vm8, v1  }
0x1b5: {  	vm4 =	veq.s32 v20, v5;
	[tilespmem:v15+s9+$0x0] =	vst.idx.add.s32.msk vm7, v1;
	v15 =	vshrl.u32 v21, $0x15;
	v19 =	vshrl.u32 v21, $0xA  }
0x1b6: {  	s15 =	simm.s32 $0x4100;
	s14 =	sadd.s32 $0x100, s14;
	[tilespmem:v18+s9+$0x0] =	vst.idx.add.s32.msk vm9, v1;
	vm7 =	veq.s32 v15, v5;
	v15 =	vand.u32 $0x7FF, v19  }
0x1b7: {  	_ =	sdelay $0x4  }
0x1b8: {  	vm10 =	veq.s32 v10, v5;
	[tilespmem:v16+s9+$0x0] =	vst.idx.add.s32.msk vm6, v1  }
0x1b9: {  	v10 =	vshrl.u32 v11, $0x15;
	[tilespmem:v15+s9+$0x0] =	vst.idx.add.s32.msk vm7, v1;
	v18 =	vshrl.u32 v17, $0x15;
	v17 =	vshrl.u32 v17, $0xA  }
0x1ba: {  	[tilespmem:v7+s9+$0x0] =	vst.idx.add.s32.msk vm5, v1;
	vm11 =	veq.s32 v10, v5;
	v10 =	vand.u32 $0x7FF, v13;
	vm8 =	veq.s32 v18, v5  }
0x1bb: {  	v11 =	vshrl.u32 v11, $0xA;
	[tilespmem:v8+s9+$0x0] =	vst.idx.add.s32.msk vm3, v1;
	v18 =	vshrl.u32 v14, $0x15;
	v17 =	vand.u32 $0x7FF, v17  }
0x1bc: {  	[tilespmem:v9+s9+$0x0] =	vst.idx.add.s32.msk vm2, v1;
	v14 =	vshrl.u32 v14, $0xA;
	vm9 =	veq.s32 v18, v5;
	v5 =	vand.u32 $0x7FF, v11  }
0x1bd: {  	[tilespmem:v6+s9+$0x0] =	vst.idx.add.s32.msk vm4, v1;
	v14 =	vand.u32 $0x7FF, v14  }
0x1be: {  	[tilespmem:v12+s9+$0x0] =	vst.idx.add.s32.msk vm10, v1  }
0x1bf: {  	[tilespmem:v10+s9+$0x0] =	vst.idx.add.s32.msk vm1, v1  }
0x1c0: {  	[tilespmem:v17+s9+$0x0] =	vst.idx.add.s32.msk vm8, v1  }
0x1c1: {  	[tilespmem:v5+s9+$0x0] =	vst.idx.add.s32.msk vm11, v1  }
0x1c2: {  	[tilespmem:v14+s9+$0x0] =	vst.idx.add.s32.msk vm9, v1  }
0x1c3: {  	v5 =	vld [tilespmem:s15+$0xFFFFFF70]  }
0x1c4: {  	v8 =	vld [tilespmem:s15+$0xFFFFFFF0]  }
0x1c5: {  	v11 =	vld [tilespmem:s15+$0x70]  }
0x1c6: {  	v6 =	vld [tilespmem:s15+$0xFFFFFF60]  }
0x1c7: {  	v9 =	vld [tilespmem:s15+$0xFFFFFFE0]  }
0x1c8: {  	v12 =	vld [tilespmem:s15+$0x60]  }
0x1c9: {  	v7 =	vld [tilespmem:s15+$0xFFFFFF50]  }
0x1ca: {  	v10 =	vld [tilespmem:s15+$0xFFFFFFD0]  }
0x1cb: {  	v13 =	vld [tilespmem:s15+$0xFFFFFF40]  }
0x1cc: {  	v14 =	vld [tilespmem:s15+$0xFFFFFFC0]  }
0x1cd: {  	v15 =	vld [tilespmem:s15+$0xFFFFFF30]  }
0x1ce: {  	v16 =	vld [tilespmem:s15+$0xFFFFFFB0]  }
0x1cf: {  	v17 =	vld [tilespmem:s15+$0x30]  }
0x1d0: {  	v18 =	vld [tilespmem:s15+$0xFFFFFF20]  }
0x1d1: {  	v19 =	vld [tilespmem:s15+$0xFFFFFFA0]  }
0x1d2: {  	v20 =	vld [tilespmem:s15+$0xFFFFFF00]  }
0x1d3: {  	v21 =	vld [tilespmem:s15+$0xFFFFFF10]  }
0x1d4: {  	v22 =	vld [tilespmem:s15+$0xFFFFFF80]  }
0x1d5: {  	v23 =	vld [tilespmem:s15+$0xFFFFFF90]  }
0x1d6: {  	v24 =	vld [tilespmem:s15+$0x0]  }
0x1d7: {  	v25 =	vld [tilespmem:s15+$0x10]  }
0x1d8: {  	v26 =	vld [tilespmem:s15+$0x80]  }
0x1d9: {  	v27 =	vld [tilespmem:s15+$0x90]  }
0x1da: {  	v28 =	vld [tilespmem:s15+$0x20]  }
0x1db: {  	v29 =	vld [tilespmem:s15+$0xA0]  }
0x1dc: {  	v30 =	vld [tilespmem:s15+$0xB0]  }
0x1dd: {  	v31 =	vld [tilespmem:s15+$0x40]  }
0x1de: {  	s30 =	simm.s32 $0x4300;
	v32 =	vld [tilespmem:s15+$0xC0];
	v20 =	vadd.s32 v20, v21  }
0x1df: {  	v54 =	vld [tilespmem:s30+$0x0];
	v22 =	vadd.s32 v22, v23;
	v23 =	vadd.s32 v24, v25;
	v18 =	vadd.s32 v18, v20  }
0x1e0: {  	v21 =	vld [tilespmem:s15+$0x50];
	v53 =	vadd.s32 v26, v27;
	v19 =	vadd.s32 v19, v22;
	v15 =	vadd.s32 v15, v18  }
0x1e1: {  	v20 =	vld [tilespmem:s15+$0xD0];
	v22 =	vadd.s32 v28, v23;
	v16 =	vadd.s32 v16, v19;
	v13 =	vadd.s32 v13, v15  }
0x1e2: {  	v18 =	vld [tilespmem:s15+$0xE0];
	v19 =	vadd.s32 v29, v53;
	v14 =	vadd.s32 v14, v16;
	v13 =	vadd.s32 v7, v13  }
0x1e3: {  	v15 =	vld [tilespmem:s15+$0xF0];
	v16 =	vadd.s32 v17, v22;
	v10 =	vadd.s32 v10, v14;
	v13 =	vadd.s32 v6, v13  }
0x1e4: {  	v55 =	vld [tilespmem:s30+$0x10];
	v14 =	vadd.s32 v30, v19;
	v16 =	vadd.s32 v31, v16;
	v13 =	vadd.s32 v5, v13  }
0x1e5: {  	v56 =	vld [tilespmem:s30+$0x80];
	v9 =	vadd.s32 v9, v10;
	(xrf0) =	vadd.scan.msk.s32 $0xffff, v13;
	v13 =	vadd.s32 v32, v14;
	v14 =	vadd.s32 v21, v16  }
0x1e6: {  	v57 =	vld [tilespmem:s30+$0x90];
	v9 =	vadd.s32 v8, v9;
	v12 =	vadd.s32 v12, v14;
	v13 =	vadd.s32 v20, v13  }
0x1e7: {  	v58 =	vld [tilespmem:s30+$0x20];
	(xrf0) =	vadd.scan.msk.s32 $0xffff, v9;
	v11 =	vadd.s32 v11, v12;
	v12 =	vadd.s32 v18, v13  }
0x1e8: {  	v59 =	vld [tilespmem:s30+$0xA0];
	v12 =	vadd.s32 v15, v12  }
0x1e9: {  	v60 =	vld [tilespmem:s30+$0xB0];
	(xrf0) =	vadd.scan.msk.s32 $0xffff, v11  }
0x1ea: {  	v23 =	vld [tilespmem:s30+$0xFFFFFF90];
	(xrf0) =	vadd.scan.msk.s32 $0xffff, v12  }
0x1eb: {  	v17 =	vld [tilespmem:s30+$0xFFFFFFB0];
	v12, _, _ =	vpop (xrf0)  }
0x1ec: {  	v22 =	vld [tilespmem:s30+$0xFFFFFF80];
	(v2sf) =	vpush v12, $0xF  }
0x1ed: {  	v7 =	vld [tilespmem:s30+$0xFFFFFF70];
	v12, _, _ =	vpop (xrf0)  }
0x1ee: {  	v19 =	vld [tilespmem:s30+$0x30];
	(v2sf) =	vpush v12, $0xF  }
0x1ef: {  	v6 =	vld [tilespmem:s30+$0xFFFFFFF0];
	v12, _, _ =	vpop (xrf0)  }
0x1f0: {  	v10 =	vld [tilespmem:s30+$0xFFFFFF60];
	(v2sf) =	vpush v12, $0xF;
	v12, _, _ =	vpop (xrf0)  }
0x1f1: {  	v5 =	vld [tilespmem:s30+$0x70];
	(v2sf) =	vpush v12, $0xF  }
0x1f2: {  	v8 =	vld [tilespmem:s30+$0xFFFFFFE0]  }
0x1f3: {  	v16 =	vld [tilespmem:s30+$0xFFFFFF50]  }
0x1f4: {  	v21 =	vld [tilespmem:s30+$0xFFFFFFA0]  }
0x1f5: {  	v9 =	vld [tilespmem:s30+$0x60]  }
0x1f6: {  	v14 =	vld [tilespmem:s30+$0xFFFFFF30]  }
0x1f7: {  	v20 =	vld [tilespmem:s30+$0xFFFFFF20]  }
0x1f8: {  	v18 =	vld [tilespmem:s30+$0xFFFFFFC0]  }
0x1f9: {  	v13 =	vld [tilespmem:s30+$0xFFFFFF10]  }
0x1fa: {  	v11 =	vld [tilespmem:s30+$0xFFFFFFD0]  }
0x1fb: {  	v12 =	vld [tilespmem:s30+$0xFFFFFF00];
	s13 =	spop (v2sf)  }
0x1fc: {  	v15 =	vld [tilespmem:s30+$0xFFFFFF40];
	[smem:$0x0] =	sst s13  }
0x1fd: {  	s13 =	spop (v2sf)  }
0x1fe: {  	v61 =	vld [tilespmem:s30+$0x40];
	[smem:$0x1] =	sst s13  }
0x1ff: {  	v63 =	vadd.s32 v56, v57;
	s13 =	simm.s32 $0x2;
	s14 =	spop (v2sf)  }
0x200: {  	v22 =	vadd.s32 v22, v23;
	v23 =	vadd.s32 v54, v55;
	v62 =	vadd.s32 v12, v13;
	v12 =	vld [tilespmem:s30+$0xC0];
	[smem:s13] =	sst s14;
	s31 =	spop (v2sf)  }
0x201: {  	v21 =	vadd.s32 v21, v22;
	v22 =	vadd.s32 v58, v23;
	v20 =	vadd.s32 v20, v62;
	v13 =	vld [tilespmem:s30+$0x50];
	[smem:$0x3] =	sst s31  }
0x202: {  	v21 =	vadd.s32 v17, v21;
	v17 =	vadd.s32 v59, v63;
	v20 =	vadd.s32 v14, v20;
	v14 =	vld [tilespmem:s30+$0xD0]  }
0x203: {  	v22 =	vadd.s32 v19, v22;
	v17 =	vadd.s32 v60, v17;
	v20 =	vadd.s32 v15, v20;
	v15 =	vld [tilespmem:s30+$0xE0]  }
0x204: {  	s15 =	simm.s32 $0x4500;
	v19 =	vadd.s32 v16, v20;
	v20 =	vadd.s32 v18, v21;
	s14 =	simm.s32 $0x4;
	v18 =	vadd.s32 v61, v22;
	v16 =	vld [tilespmem:s30+$0xF0]  }
.LBB2_12:
0x205: {  	v21 =	vld [tilespmem:s15+$0xFFFFFF70];
	v10 =	vadd.s32 v10, v19;
	v11 =	vadd.s32 v11, v20;
	v12 =	vadd.s32 v12, v17  }
0x206: {  	v17 =	vld [tilespmem:s15+$0xFFFFFFF0];
	v7 =	vadd.s32 v7, v10;
	v8 =	vadd.s32 v8, v11;
	v10 =	vadd.s32 v13, v18  }
0x207: {  	v13 =	vld [tilespmem:s15+$0x70];
	v6 =	vadd.s32 v6, v8;
	v8 =	vadd.s32 v9, v10;
	v9 =	vadd.s32 v14, v12;
	(xrf0) =	vadd.scan.msk.s32 $0xffff, v7  }
0x208: {  	v10 =	vld [tilespmem:s15+$0xFFFFFF60];
	v5 =	vadd.s32 v5, v8;
	v11 =	vadd.s32 v15, v9;
	(xrf0) =	vadd.scan.msk.s32 $0xffff, v6  }
0x209: {  	v8 =	vld [tilespmem:s15+$0xFFFFFFE0];
	v11 =	vadd.s32 v16, v11;
	(xrf0) =	vadd.scan.msk.s32 $0xffff, v5  }
0x20a: {  	v9 =	vld [tilespmem:s15+$0x60];
	(xrf0) =	vadd.scan.msk.s32 $0xffff, v11;
	v7 =	vmov v21  }
0x20b: {  	v16 =	vld [tilespmem:s15+$0xFFFFFF50];
	v6 =	vmov v17  }
0x20c: {  	v11 =	vld [tilespmem:s15+$0xFFFFFFD0];
	v5 =	vmov v13  }
0x20d: {  	v15 =	vld [tilespmem:s15+$0xFFFFFF40];
	v12, _, _ =	vpop (xrf0)  }
0x20e: {  	v18 =	vld [tilespmem:s15+$0xFFFFFFC0];
	(v2sf) =	vpush v12, $0xF;
	v12, _, _ =	vpop (xrf0)  }
0x20f: {  	v14 =	vld [tilespmem:s15+$0xFFFFFF30];
	(v2sf) =	vpush v12, $0xF;
	v12, _, _ =	vpop (xrf0)  }
0x210: {  	v17 =	vld [tilespmem:s15+$0xFFFFFFB0];
	(v2sf) =	vpush v12, $0xF;
	v12, _, _ =	vpop (xrf0)  }
0x211: {  	v19 =	vld [tilespmem:s15+$0x30];
	(v2sf) =	vpush v12, $0xF  }
0x212: {  	v13 =	vld [tilespmem:s15+$0xFFFFFF20]  }
0x213: {  	v20 =	vld [tilespmem:s15+$0xFFFFFFA0]  }
0x214: {  	v12 =	vld [tilespmem:s15+$0xFFFFFF00]  }
0x215: {  	v21 =	vld [tilespmem:s15+$0xFFFFFF10]  }
0x216: {  	v22 =	vld [tilespmem:s15+$0xFFFFFF80]  }
0x217: {  	v23 =	vld [tilespmem:s15+$0xFFFFFF90]  }
0x218: {  	v24 =	vld [tilespmem:s15+$0x0]  }
0x219: {  	v25 =	vld [tilespmem:s15+$0x10]  }
0x21a: {  	v26 =	vld [tilespmem:s15+$0x80]  }
0x21b: {  	v27 =	vld [tilespmem:s15+$0x90]  }
0x21c: {  	v28 =	vld [tilespmem:s15+$0x20]  }
0x21d: {  	s13 =	sadd.s32 $0x4, s13;
	v29 =	vld [tilespmem:s15+$0xA0];
	s16 =	spop (v2sf)  }
0x21e: {  	s14 =	sadd.s32 $0x4, s14;
	v30 =	vld [tilespmem:s15+$0xB0];
	[smem:s13+$0xFFFFFFFE] =	sst s16;
	s16 =	spop (v2sf)  }
0x21f: {  	p0 =	slt.u32 s14, $0xC;
	v21 =	vadd.s32 v12, v21;
	v31 =	vld [tilespmem:s15+$0x40];
	[smem:s13+$0xFFFFFFFF] =	sst s16;
	s16 =	spop (v2sf)  }
0x220: {  	[smem:s13] =	sst s16  }
.Ltmp5:
0x221: {  	v22 =	vadd.s32 v22, v23;
	v23 =	vadd.s32 v24, v25;
	v24 =	vadd.s32 v26, v27;
	v12 =	vld [tilespmem:s15+$0xC0];
	s16 =	spop (v2sf);
	(pc) =	sbr.rel @p0 .LBB2_12-.Ltmp5, $4  }
0x222: {  	v21 =	vadd.s32 v13, v21;
	v20 =	vadd.s32 v20, v22;
	v22 =	vadd.s32 v28, v23;
	v13 =	vld [tilespmem:s15+$0x50];
	[smem:s13+$0x1] =	sst s16  }
0x223: {  	v21 =	vadd.s32 v14, v21;
	v20 =	vadd.s32 v17, v20;
	v17 =	vadd.s32 v29, v24;
	v14 =	vld [tilespmem:s15+$0xD0]  }
0x224: {  	v21 =	vadd.s32 v15, v21;
	v22 =	vadd.s32 v19, v22;
	v17 =	vadd.s32 v30, v17;
	v15 =	vld [tilespmem:s15+$0xE0]  }
0x225: {  	v20 =	vadd.s32 v18, v20;
	v19 =	vadd.s32 v16, v21;
	v18 =	vadd.s32 v31, v22;
	v16 =	vld [tilespmem:s15+$0xF0];
	s15 =	sadd.s32 $0x200, s15  }
0x226: {  	v10 =	vadd.s32 v10, v19;
	v11 =	vadd.s32 v11, v20;
	v12 =	vadd.s32 v12, v17  }
0x227: {  	v7 =	vadd.s32 v7, v10;
	v8 =	vadd.s32 v8, v11;
	v61 =	vadd.s32 v13, v18  }
0x228: {  	v6 =	vadd.s32 v6, v8;
	v62 =	vadd.s32 v9, v61;
	v63 =	vadd.s32 v14, v12;
	(xrf0) =	vadd.scan.msk.s32 $0xffff, v7  }
0x229: {  	v5 =	vadd.s32 v5, v62;
	v7 =	vadd.s32 v15, v63;
	(xrf0) =	vadd.scan.msk.s32 $0xffff, v6  }
0x22a: {  	v6 =	vadd.s32 v16, v7;
	(xrf0) =	vadd.scan.msk.s32 $0xffff, v5  }
0x22b: {  	v4 =	vxor.u32 $0x80000000, v4;
	(xrf0) =	vadd.scan.msk.s32 $0xffff, v6  }
0x22c: {  	v4 =	vsel vm0, $0x80000000, v4;
	_ =	sdelay $0x1  }
0x22d: {  	v5, _, _ =	vpop (xrf0);
	(xrf0) =	vmax.scan.msk.u32 $0xffff, v4  }
0x22e: {  	(v2sf) =	vpush v5, $0xF;
	v4, _, _ =	vpop (xrf0)  }
0x22f: {  	(v2sf) =	vpush v4, $0xF;
	v4, _, _ =	vpop (xrf0)  }
0x230: {  	(v2sf) =	vpush v4, $0xF;
	v4, _, _ =	vpop (xrf0)  }
0x231: {  	(v2sf) =	vpush v4, $0xF;
	_ =	sdelay $0x1  }
0x232: {  	v4, _, _ =	vpop (xrf0)  }
0x233: {  	(v2sf) =	vpush v4, $0xF;
	_ =	sdelay $0x8  }
0x234: {  	s13 =	sadd.s32 $0x4, s13;
	s14 =	spop (v2sf)  }
0x235: {  	[smem:s13+$0xFFFFFFFE] =	sst s14;
	s16 =	spop (v2sf)  }
0x236: {  	[smem:s13+$0xFFFFFFFF] =	sst s16;
	s17 =	spop (v2sf)  }
0x237: {  	[smem:s13] =	sst s17;
	s18 =	spop (v2sf)  }
0x238: {  	[smem:s13+$0x1] =	sst s18  }
0x239: {  	s13 =	sld [smem:$0xF]  }
0x23a: {  	s15 =	sld [smem:$0xE];
	s19 =	spop (v2sf)  }
0x23b: {  	s16 =	sld [smem:$0xD];
	s14 =	sxor.u32 $0x7FFFFFFF, s19  }
0x23c: {  	s20 =	sld [smem:$0xC];
	s12 =	ssub.s32 s14, s12  }
0x23d: {  	s21 =	sld [smem:$0xB];
	s12 =	sadd.s32 $0x101, s12  }
0x23e: {  	s22 =	sld [smem:$0xA];
	p1 =	sge.s32 s13, s12  }
0x23f: {  	s23 =	sld [smem:$0x9];
	s14 =	sadd.s32 s15, s13;
	s17 =	simm.s32 @!p1 $0x0  }
0x240: {  	s24 =	sld [smem:$0x8];
	p0 =	sge.s32 s14, s12;
	s17 =	simm.s32 @p1 $0x1  }
0x241: {  	[smem:$0x7DC] =	sst s17;
	s17 =	simm.s32 @!p0 $0x0  }
0x242: {  	s25 =	sld [smem:$0x7];
	s17 =	simm.s32 @p0 $0x1  }
0x243: {  	p0 =	por p1, p0;
	[smem:$0x7DD] =	sst s17;
	s17 =	sadd.s32 s16, s14  }
0x244: {  	s26 =	sld [smem:$0x6];
	p2 =	por !p0, !p0;
	p6 =	sge.s32 s17, s12  }
0x245: {  	s28 =	sld [smem:$0x5];
	p3 =	por p0, p6;
	p0 =	por !p6, !p2  }
0x246: {  	s31 =	sld [smem:$0x4];
	s18 =	sadd.s32 s20, s17;
	s19 =	simm.s32 @!p0 $0x0  }
0x247: {  	p4 =	sge.s32 s18, s12;
	p2 =	por !p3, !p3;
	s19 =	simm.s32 @p0 $0x1  }
0x248: {  	p0 =	por p3, p4;
	[smem:$0x7D8] =	sst s19;
	s19 =	sadd.s32 s18, s21  }
0x249: {  	p4 =	por !p4, !p2;
	p5 =	por !p0, !p0;
	p3 =	sge.s32 s19, s12  }
0x24a: {  	s20 =	sadd.s32 s22, s19;
	p6 =	por p0, p3;
	p2 =	por !p3, !p5  }
0x24b: {  	p0 =	sge.s32 s20, s12;
	p1 =	por !p6, !p6;
	s21 =	simm.s32 @!p2 $0x0  }
0x24c: {  	s29 =	sld [smem:$0x7D8];
	s21 =	simm.s32 @p2 $0x1;
	p1 =	por !p0, !p1  }
0x24d: {  	[smem:$0x7D9] =	sst s21;
	s21 =	simm.s32 @!p1 $0x0  }
0x24e: {  	p0 =	por p6, p0;
	s21 =	simm.s32 @p1 $0x1;
	s30 =	sld [smem:$0x7D9]  }
0x24f: {  	p3 =	por !p0, !p0;
	[smem:$0x7DA] =	sst s21;
	s21 =	sadd.s32 s23, s20  }
0x250: {  	s22 =	sadd.s32 s24, s21;
	p6 =	sge.s32 s21, s12;
	s24 =	sld [smem:$0x7DD]  }
0x251: {  	p1 =	por !p6, !p3;
	p0 =	por p0, p6;
	p6 =	sge.s32 s22, s12  }
0x252: {  	s23 =	sadd.s32 s22, s25;
	s25 =	sld [smem:$0x7DC];
	s16 =	simm.s32 @!p1 $0x0  }
0x253: {  	p2 =	por !p0, !p0;
	s16 =	simm.s32 @p1 $0x1;
	p1 =	por p0, p6  }
0x254: {  	p0 =	sge.s32 s23, s12;
	p6 =	por !p6, !p2;
	[smem:$0x7DB] =	sst s16  }
0x255: {  	p3 =	por !p1, !p1;
	s16 =	simm.s32 $0xE;
	p1 =	por p1, p0  }
0x256: {  	p6 =	por !p6, !p6;
	p5 =	por !p0, !p3;
	p0 =	seq.s32 s24, $0x1  }
0x257: {  	s24 =	sadd.s32 s26, s23;
	p3 =	seq.s32 s25, $0x1;
	s16 =	simm.s32 @!p0 $0x0  }
0x258: {  	s26 =	sld [smem:$0x7DA];
	s16 =	simm.s32 @p3 $0xF;
	p3 =	seq.s32 s29, $0x1  }
0x259: {  	p2 =	sge.s32 s24, s12;
	p0 =	por !p1, !p1;
	p3 =	por !p3, !p3  }
0x25a: {  	p0 =	por !p2, !p0;
	p2 =	por p1, p2;
	s25 =	simm.s32 @!p3 $0x0  }
0x25b: {  	p1 =	por !p4, !p4;
	s16 =	simm.s32 @p3 $0xD;
	s25 =	simm.s32 @p3 $0x1  }
0x25c: {  	p3 =	seq.s32 s30, $0x1;
	[smem:$0x7DE] =	sst s25;
	s25 =	simm.s32 @!p1 $0x0  }
0x25d: {  	s29 =	sld [smem:$0x3];
	p4 =	por !p3, !p3;
	s25 =	simm.s32 @p1 $0x1  }
0x25e: {  	p5 =	por !p5, !p5;
	[smem:$0x7DF] =	sst s25;
	s25 =	simm.s32 @!p4 $0x0  }
0x25f: {  	p0 =	por !p0, !p0;
	s16 =	simm.s32 @p1 $0xC;
	s25 =	simm.s32 @p4 $0x1  }
0x260: {  	s16 =	simm.s32 @p4 $0xB;
	p4 =	seq.s32 s26, $0x1;
	[smem:$0x7E0] =	sst s25  }
0x261: {  	s25 =	sadd.s32 s28, s24;
	p4 =	por !p4, !p4;
	s28 =	sld [smem:$0x7DB]  }
0x262: {  	s30 =	sld [smem:$0x2];
	p1 =	por !p2, !p2;
	s26 =	simm.s32 @!p4 $0x0  }
0x263: {  	p3 =	sge.s32 s25, s12;
	s16 =	simm.s32 @p4 $0xA;
	s26 =	simm.s32 @p4 $0x1  }
0x264: {  	p1 =	por !p3, !p1;
	p2 =	por p2, p3;
	p4 =	seq.s32 s28, $0x1  }
0x265: {  	[smem:$0x7E1] =	sst s26;
	s28 =	simm.s32 @!p5 $0x0;
	p3 =	por !p4, !p4  }
0x266: {  	p4 =	por !p2, !p2;
	s28 =	simm.s32 @p5 $0x1;
	s26 =	simm.s32 @!p3 $0x0  }
0x267: {  	s16 =	simm.s32 @p3 $0x9;
	[smem:$0x7E4] =	sst s28;
	s28 =	simm.s32 @!p0 $0x0  }
0x268: {  	s26 =	simm.s32 @p3 $0x1;
	s16 =	simm.s32 @p6 $0x8;
	s28 =	simm.s32 @p0 $0x1  }
0x269: {  	[smem:$0x7E2] =	sst s26;
	s26 =	simm.s32 @!p6 $0x0;
	s16 =	simm.s32 @p5 $0x7  }
0x26a: {  	[smem:$0x7E5] =	sst s28;
	p5 =	por !p1, !p1;
	s26 =	simm.s32 @p6 $0x1  }
0x26b: {  	s16 =	simm.s32 @p0 $0x6;
	[smem:$0x7E3] =	sst s26;
	s26 =	sadd.s32 s31, s25  }
0x26c: {  	s16 =	simm.s32 @p5 $0x5;
	s31 =	sld [smem:$0x1];
	p3 =	sge.s32 s26, s12  }
0x26d: {  	s28 =	sadd.s32 s26, s29;
	s29 =	simm.s32 @!p5 $0x0;
	p4 =	por !p3, !p4  }
0x26e: {  	p2 =	por p2, p3;
	s29 =	simm.s32 @p5 $0x1;
	p3 =	sge.s32 s28, s12  }
0x26f: {  	[smem:$0x7E6] =	sst s29;
	p6 =	por !p2, !p2;
	p0 =	por p2, p3  }
0x270: {  	p5 =	por !p4, !p4;
	s29 =	sadd.s32 s30, s28;
	s30 =	sld [smem:$0x0]  }
0x271: {  	p1 =	por !p3, !p6;
	p2 =	sge.s32 s29, s12;
	p6 =	por !p0, !p0  }
0x272: {  	s16 =	simm.s32 @p5 $0x4;
	s15 =	sadd.s32 s31, s29;
	p4 =	por !p1, !p1  }
0x273: {  	p6 =	por !p2, !p6;
	p1 =	por p0, p2;
	p0 =	sge.s32 s15, s12  }
0x274: {  	s16 =	simm.s32 @p4 $0x3;
	s30 =	sadd.s32 s30, s15;
	p2 =	por !p1, !p1  }
0x275: {  	p3 =	por !p6, !p6;
	p2 =	por !p0, !p2;
	p6 =	slt.s32 s30, s12  }
0x276: {  	s16 =	simm.s32 @p3 $0x2;
	p6 =	por p0, p6;
	p0 =	por !p2, !p2  }
0x277: {  	p1 =	por p6, p1;
	s16 =	simm.s32 @p0 $0x1  }
0x278: {  	s16 =	simm.s32 @!p1 $0x0  }
0x279: {  	s31 =	sshll.u32 s16, $0x7  }
0x27a: {  	s30 =	sand.u32 $0x3FFFFF80, s31;
	s31 =	sld [smem:$0x7DC]  }
0x27b: {  	v4 =	vld [tilespmem:s30+$0x4070]  }
0x27c: {  	v5 =	vld [tilespmem:s30+$0x4060]  }
0x27d: {  	p2 =	seq.s32 s31, $0x1;
	s31 =	sld [smem:$0x7DD];
	_ =	sdelay $0x1  }
0x27e: {  	v6 =	vld [tilespmem:s30+$0x4050]  }
0x27f: {  	v7 =	vld [tilespmem:s30+$0x4040];
	s13 =	simm.s32 @p2 $0x0;
	(xrf0) =	vadd.scan.msk.s32 $0xffff, v4;
	p2 =	seq.s32 s31, $0x1;
	s31 =	sld [smem:$0x7DE]  }
0x280: {  	v4 =	vld [tilespmem:s30+$0x4030];
	(xrf0) =	vadd.scan.msk.s32 $0xffff, v5  }
0x281: {  	v5 =	vld [tilespmem:s30+$0x4020]  }
0x282: {  	s13 =	simm.s32 @!p2 $0x0;
	p2 =	seq.s32 s31, $0x1;
	s31 =	sld [smem:$0x7DF]  }
0x283: {  	(xrf0) =	vadd.scan.msk.s32 $0xffff, v6  }
0x284: {  	(xrf0) =	vadd.scan.msk.s32 $0xffff, v7  }
0x285: {  	s13 =	smov.u32 @p2 s14;
	v6, _, _ =	vpop (xrf0);
	(xrf0) =	vadd.scan.msk.s32 $0xffff, v4;
	p2 =	seq.s32 s31, $0x1  }
0x286: {  	v4 =	vld [tilespmem:s30+$0x4010];
	(v2sf) =	vpush v6, $0xF;
	v6, _, _ =	vpop (xrf0);
	(xrf0) =	vadd.scan.msk.s32 $0xffff, v5;
	s13 =	smov.u32 @p2 s17;
	s17 =	sld [smem:$0x7E0];
	_ =	sdelay $0x2  }
0x287: {  	v7 =	vld [tilespmem:s30+$0x4000];
	(v2sf) =	vpush v6, $0xF;
	v6, _, _ =	vpop (xrf0);
	p2 =	seq.s32 s17, $0x1  }
0x288: {  	(v2sf) =	vpush v6, $0xF;
	v5, _, _ =	vpop (xrf0);
	s13 =	smov.u32 @p2 s18;
	s18 =	sld [smem:$0x7E1]  }
0x289: {  	s30 =	sld [smem:$0x7E2];
	(v2sf) =	vpush v5, $0xF;
	(xrf0) =	vadd.scan.msk.s32 $0xffff, v4;
	v4, _, _ =	vpop (xrf0)  }
0x28a: {  	s31 =	sld [smem:$0x7E3];
	(v2sf) =	vpush v4, $0xF;
	v4, _, _ =	vpop (xrf0)  }
0x28b: {  	s17 =	sld [smem:$0x7E4];
	p2 =	seq.s32 s18, $0x1;
	(v2sf) =	vpush v4, $0xF  }
0x28c: {  	(xrf0) =	vadd.scan.msk.s32 $0xffff, v7;
	s18 =	sld [smem:$0x7E5];
	s13 =	smov.u32 @p2 s19;
	p2 =	seq.s32 s30, $0x1  }
0x28d: {  	s19 =	sld [smem:$0x7E6];
	s13 =	smov.u32 @p2 s20;
	p2 =	seq.s32 s31, $0x1  }
0x28e: {  	s13 =	smov.u32 @p2 s21;
	p2 =	seq.s32 s17, $0x1  }
0x28f: {  	s13 =	smov.u32 @p2 s22;
	p2 =	seq.s32 s18, $0x1  }
0x290: {  	s13 =	smov.u32 @p2 s23;
	p2 =	seq.s32 s19, $0x1  }
0x291: {  	v4, _, _ =	vpop (xrf0);
	s13 =	smov.u32 @p2 s24  }
0x292: {  	(v2sf) =	vpush v4, $0xF;
	v4, _, _ =	vpop (xrf0);
	s13 =	smov.u32 @p5 s25  }
0x293: {  	(v2sf) =	vpush v4, $0xF;
	s13 =	smov.u32 @p4 s26  }
0x294: {  	s13 =	smov.u32 @p3 s28  }
0x295: {  	s20 =	spop (v2sf);
	s13 =	smov.u32 @p0 s29  }
0x296: {  	s21 =	spop (v2sf);
	s15 =	smov.u32 @p1 s13  }
0x297: {  	s22 =	spop (v2sf);
	s13 =	sadd.s32 s15, s20  }
0x298: {  	s23 =	spop (v2sf);
	s17 =	sadd.s32 s21, s13;
	p0 =	sge.s32 s13, s12  }
0x299: {  	s18 =	simm.s32 @!p0 $0x0;
	p2 =	sge.s32 s17, s12;
	s24 =	spop (v2sf)  }
0x29a: {  	s18 =	simm.s32 @p0 $0x1;
	p0 =	por p0, p2;
	s25 =	spop (v2sf)  }
0x29b: {  	[smem:$0x7E8] =	sst s18;
	s18 =	sadd.s32 s22, s17;
	p3 =	por !p0, !p0  }
0x29c: {  	s22 =	sshll.u32 s16, $0x3;
	s16 =	sshllo.u32 s16, $0x3;
	p5 =	sge.s32 s18, s12  }
0x29d: {  	s19 =	sadd.s32 s23, s18;
	p0 =	por p0, p5;
	p1 =	por !p5, !p3  }
0x29e: {  	p4 =	sge.s32 s19, s12;
	p6 =	por !p0, !p0;
	s20 =	simm.s32 @!p1 $0x0  }
0x29f: {  	s29 =	sld [smem:$0x7E8];
	s20 =	simm.s32 @p1 $0x1;
	p1 =	por !p4, !p6  }
0x2a0: {  	p0 =	por p0, p4;
	[smem:$0x7E9] =	sst s20;
	s20 =	simm.s32 @!p1 $0x0  }
0x2a1: {  	s26 =	spop (v2sf);
	p4 =	por !p0, !p0;
	s20 =	simm.s32 @p1 $0x1  }
0x2a2: {  	s28 =	spop (v2sf);
	[smem:$0x7EA] =	sst s20;
	s20 =	sadd.s32 s24, s19  }
0x2a3: {  	s30 =	sld [smem:$0x7E9];
	s24 =	sor.u32 $0x6, s22;
	p6 =	sge.s32 s20, s12  }
0x2a4: {  	s21 =	sadd.s32 s25, s20;
	s31 =	sld [smem:$0x7EA];
	p0 =	por p0, p6  }
0x2a5: {  	p4 =	por !p6, !p4;
	p3 =	sge.s32 s21, s12;
	s14 =	sadd.s32 s26, s21  }
0x2a6: {  	p6 =	por !p0, !p0;
	p1 =	por p0, p3;
	s23 =	sadd.s32 s28, s14  }
0x2a7: {  	p0 =	sge.s32 s14, s12;
	p5 =	por !p3, !p6;
	p3 =	por !p1, !p1  }
0x2a8: {  	p6 =	por !p0, !p3;
	p3 =	slt.s32 s23, s12;
	s23 =	simm.s32 @!p2 $0x0  }
0x2a9: {  	s24 =	simm.s32 @!p2 $0x0;
	s23 =	simm.s32 @p2 $0x1;
	p2 =	seq.s32 s29, $0x1  }
0x2aa: {  	p0 =	por p0, p3;
	p3 =	seq.s32 s30, $0x1;
	s24 =	smov.u32 @p2 s16  }
0x2ab: {  	s16 =	sor.u32 $0x5, s22;
	p2 =	por !p3, !p3;
	p3 =	seq.s32 s31, $0x1  }
0x2ac: {  	s24 =	smov.u32 @p2 s16;
	s16 =	sor.u32 $0x4, s22;
	p3 =	por !p3, !p3  }
0x2ad: {  	p4 =	por !p4, !p4;
	s24 =	smov.u32 @p3 s16;
	s16 =	sor.u32 $0x3, s22  }
0x2ae: {  	p5 =	por !p5, !p5;
	s24 =	smov.u32 @p4 s16;
	s16 =	sor.u32 $0x2, s22  }
0x2af: {  	p6 =	por !p6, !p6;
	s24 =	smov.u32 @p5 s16;
	s16 =	sor.u32 $0x1, s22  }
0x2b0: {  	p0 =	por p1, p0;
	s24 =	smov.u32 @p6 s16  }
0x2b1: {  	s22 =	smov.u32 @p0 s24  }
0x2b2: {  	s16 =	sshll.u32 s22, $0x4  }
0x2b3: {  	v4 =	vld [tilespmem:s16+$0x4000];
	_ =	sdelay $0x4  }
0x2b4: {  	v4 =	vperm.xlane v4, v2;
	_ =	sdelay $0x1  }
0x2b5: {  	[smem:$0x7E7] =	sst s23;
	s22 =	simm.s32 $0x4040;
	(xrf0) =	vadd.scan.msk.s32 $0xffff, v4  }
0x2b6: {  	[tilespmem:s22+$0xFFFFFFC0] =	vst v0  }
0x2b7: {  	[tilespmem:s22+$0x30] =	vst v0  }
0x2b8: {  	[tilespmem:s22+$0x20] =	vst v0  }
0x2b9: {  	[tilespmem:s22+$0x10] =	vst v0  }
0x2ba: {  	[tilespmem:s22+$0x0] =	vst v0  }
0x2bb: {  	[tilespmem:s22+$0xFFFFFFF0] =	vst v0;
	v4, _, _ =	vpop (xrf0)  }
0x2bc: {  	s23 =	simm.s32 $0x0;
	[tilespmem:s22+$0xFFFFFFE0] =	vst v0;
	v4 =	vperm.xlane v4, v2  }
.LBB2_14:
0x2bd: {  	s23 =	sadd.s32 $0x8, s23;
	[tilespmem:s22+$0xFFFFFFD0] =	vst v0;
	s22 =	sadd.s32 $0x80, s22  }
0x2be: {  	[tilespmem:s22+$0xFFFFFFC0] =	vst v0;
	p1 =	slt.u32 s23, $0x38  }
0x2bf: {  	[tilespmem:s22+$0x30] =	vst v0  }
.Ltmp6:
0x2c0: {  	[tilespmem:s22+$0x20] =	vst v0;
	(pc) =	sbr.rel @p1 .LBB2_14-.Ltmp6, $4  }
0x2c1: {  	[tilespmem:s22+$0x10] =	vst v0  }
0x2c2: {  	[tilespmem:s22+$0x0] =	vst v0  }
0x2c3: {  	[tilespmem:s22+$0xFFFFFFF0] =	vst v0  }
0x2c4: {  	[tilespmem:s22+$0xFFFFFFE0] =	vst v0  }
0x2c5: {  	s23 =	sld [smem:$0x7E7]  }
0x2c6: {  	s29 =	sld [smem:$0x7E8];
	_ =	sdelay $0x1  }
0x2c7: {  	p1 =	seq.s32 s23, $0x1  }
0x2c8: {  	s13 =	simm.s32 @!p1 $0x0;
	p1 =	seq.s32 s29, $0x1  }
0x2c9: {  	s13 =	smov.u32 @p1 s15  }
0x2ca: {  	s13 =	smov.u32 @p2 s17  }
0x2cb: {  	s13 =	smov.u32 @p3 s18  }
0x2cc: {  	s13 =	smov.u32 @p4 s19  }
0x2cd: {  	s13 =	smov.u32 @p5 s20  }
0x2ce: {  	s13 =	smov.u32 @p6 s21  }
0x2cf: {  	s14 =	smov.u32 @p0 s13  }
0x2d0: {  	v5 =	vadd.s32 s14, v4  }
0x2d1: {  	vm0 =	vlt.s32 v5, s12  }
0x2d2: {  	v6 =	vsel vm0, $0x80000000, v3  }
0x2d3: {  	(xrf0) =	vmax.scan.msk.u32 $0xffff, v6;
	_ =	sdelay $0x5  }
0x2d4: {  	v6, _, _ =	vpop (xrf0)  }
0x2d5: {  	(v2sf) =	vpush v6, $0xF;
	_ =	sdelay $0xa  }
0x2d6: {  	[tilespmem:s22+$0xFFFFFFD0] =	vst v0;
	s15 =	simm.s32 $0x2080  }
0x2d7: {  	v9 =	vld [tilespmem:s15+$0xFFFFFFA0]  }
0x2d8: {  	v8 =	vld [tilespmem:s15+$0xFFFFFF80]  }
0x2d9: {  	v10 =	vld [tilespmem:s15+$0x70]  }
0x2da: {  	v11 =	vld [tilespmem:s15+$0x60];
	s30 =	spop (v2sf)  }
0x2db: {  	v12 =	vld [tilespmem:s15+$0x50];
	s13 =	sadd.s32 s30, s16  }
0x2dc: {  	s31 =	sshll.u32 s11, $0xB;
	v13 =	vld [tilespmem:s15+$0x40];
	s13 =	sadd.s32 $0x7FFFFFFF, s13  }
0x2dd: {  	v14 =	vld [tilespmem:s15+$0x30];
	s16 =	sor.u32 s31, s13  }
0x2de: {  	v15 =	vld [tilespmem:s15+$0x20];
	v16 =	vshrl.u32 v10, $0xA;
	v7 =	vmov s16  }
0x2df: {  	v17 =	vld [tilespmem:s15+$0x10];
	v18 =	vshrl.u32 v11, $0xA;
	vm0 =	veq.s32 v16, v7  }
0x2e0: {  	v49 =	vld [tilespmem:s15+$0x0];
	v10 =	vand.u32 $0x3FF, v10;
	vm1 =	veq.s32 v18, v7  }
0x2e1: {  	v50 =	vld [tilespmem:s15+$0xFFFFFFF0];
	v19 =	vshrl.u32 v13, $0xA;
	v11 =	vand.u32 $0x3FF, v11  }
0x2e2: {  	v20 =	vld [tilespmem:s15+$0xFFFFFFE0];
	vm2 =	veq.s32 v19, v7  }
0x2e3: {  	v51 =	vld [tilespmem:s15+$0xFFFFFFD0];
	v21 =	vshrl.u32 v14, $0xA;
	v22 =	vshrl.u32 v15, $0xA;
	v13 =	vand.u32 $0x3FF, v13  }
0x2e4: {  	v52 =	vshrl.u32 v12, $0xA;
	v14 =	vand.u32 $0x3FF, v14;
	v6 =	vld [tilespmem:s15+$0xFFFFFFB0];
	vm3 =	veq.s32 v21, v7  }
0x2e5: {  	v15 =	vand.u32 $0x3FF, v15;
	vm4 =	veq.s32 v22, v7;
	[tilespmem:v10+s9+$0x0] =	vst.idx.add.s32.msk vm0, v1;
	v10 =	vshrl.u32 v8, $0xA  }
0x2e6: {  	vm5 =	veq.s32 v52, v7;
	[tilespmem:v11+s9+$0x0] =	vst.idx.add.s32.msk vm1, v1;
	vm1 =	veq.s32 v10, v7;
	v10 =	vshrl.u32 v50, $0xA  }
0x2e7: {  	v23 =	vld [tilespmem:s15+$0xFFFFFFC0];
	v12 =	vand.u32 $0x3FF, v12;
	v54 =	vshrl.u32 v17, $0xA;
	vm6 =	veq.s32 v10, v7  }
0x2e8: {  	v53 =	vshrl.u32 v49, $0xA;
	[tilespmem:v13+s9+$0x0] =	vst.idx.add.s32.msk vm2, v1;
	vm2 =	veq.s32 v54, v7;
	v10 =	vand.u32 $0x3FF, v50  }
0x2e9: {  	v56 =	vand.u32 $0x3FF, v17;
	vm0 =	veq.s32 v53, v7;
	v11 =	vld [tilespmem:s15+$0xFFFFFF90]  }
0x2ea: {  	v57 =	vshrl.u32 v51, $0xA;
	v16 =	vand.u32 $0x3FF, v49;
	[tilespmem:v14+s9+$0x0] =	vst.idx.add.s32.msk vm3, v1  }
0x2eb: {  	v58 =	vshrl.u32 v6, $0xA;
	vm14 =	veq.s32 v57, v7;
	v8 =	vand.u32 $0x3FF, v8;
	[tilespmem:v15+s9+$0x0] =	vst.idx.add.s32.msk vm4, v1  }
0x2ec: {  	v55 =	vshrl.u32 v23, $0xA;
	v60 =	vand.u32 $0x3FF, v51;
	vm15 =	veq.s32 v58, v7;
	[tilespmem:v12+s9+$0x0] =	vst.idx.add.s32.msk vm5, v1  }
0x2ed: {  	v61 =	vand.u32 $0x3FF, v6;
	vm3 =	veq.s32 v55, v7;
	[tilespmem:v10+s9+$0x0] =	vst.idx.add.s32.msk vm6, v1;
	v10 =	vshrl.u32 v9, $0xA  }
0x2ee: {  	v59 =	vand.u32 $0x3FF, v23;
	v63 =	vshrl.u32 v11, $0xA;
	[tilespmem:v56+s9+$0x0] =	vst.idx.add.s32.msk vm2, v1;
	vm2 =	veq.s32 v10, v7  }
0x2ef: {  	v62 =	vshrl.u32 v20, $0xA;
	[tilespmem:v16+s9+$0x0] =	vst.idx.add.s32.msk vm0, v1;
	vm0 =	veq.s32 v63, v7;
	v10 =	vand.u32 $0x3FF, v9  }
0x2f0: {  	[tilespmem:v8+s9+$0x0] =	vst.idx.add.s32.msk vm1, v1;
	vm1 =	veq.s32 v62, v7;
	v9 =	vand.u32 $0x3FF, v11  }
0x2f1: {  	[tilespmem:v60+s9+$0x0] =	vst.idx.add.s32.msk vm14, v1;
	v8 =	vand.u32 $0x3FF, v20  }
0x2f2: {  	[tilespmem:v61+s9+$0x0] =	vst.idx.add.s32.msk vm15, v1  }
0x2f3: {  	p0 =	por $0x1, $0x1;
	v6 =	vmov s12;
	s16 =	simm.s32 $0x0;
	[tilespmem:v59+s9+$0x0] =	vst.idx.add.s32.msk vm3, v1  }
.LBB2_16:
0x2f4: {  	s16 =	sadd.s32 $0x10, s16;
	[tilespmem:v10+s9+$0x0] =	vst.idx.add.s32.msk vm2, v1;
	s15 =	sadd.s32 $0x100, s15  }
0x2f5: {  	p1 =	slt.u32 s16, $0x1F0;
	[tilespmem:v9+s9+$0x0] =	vst.idx.add.s32.msk vm0, v1  }
0x2f6: {  	[tilespmem:v8+s9+$0x0] =	vst.idx.add.s32.msk vm1, v1  }
0x2f7: {  	v9 =	vld [tilespmem:s15+$0xFFFFFFA0]  }
0x2f8: {  	v10 =	vld [tilespmem:s15+$0xFFFFFFB0]  }
0x2f9: {  	v8 =	vld [tilespmem:s15+$0xFFFFFF80]  }
0x2fa: {  	v11 =	vld [tilespmem:s15+$0x70]  }
0x2fb: {  	v12 =	vld [tilespmem:s15+$0x60]  }
0x2fc: {  	v13 =	vld [tilespmem:s15+$0x50]  }
0x2fd: {  	v14 =	vld [tilespmem:s15+$0x40]  }
0x2fe: {  	v15 =	vshrl.u32 v8, $0xA;
	v16 =	vld [tilespmem:s15+$0x30]  }
0x2ff: {  	v18 =	vshrl.u32 v9, $0xA;
	v17 =	vand.u32 $0x3FF, v8;
	v8 =	vld [tilespmem:s15+$0x20];
	v19 =	vshrl.u32 v11, $0xA  }
0x300: {  	vm0 =	veq.s32 v15, v7;
	v15 =	vld [tilespmem:s15+$0x10];
	v20 =	vshrl.u32 v12, $0xA;
	vm1 =	veq.s32 v19, v7  }
0x301: {  	v11 =	vand.u32 $0x3FF, v11;
	v19 =	vld [tilespmem:s15+$0x0];
	v21 =	vshrl.u32 v13, $0xA;
	vm3 =	veq.s32 v20, v7  }
0x302: {  	v12 =	vand.u32 $0x3FF, v12;
	v13 =	vand.u32 $0x3FF, v13;
	v20 =	vld [tilespmem:s15+$0xFFFFFFF0];
	v22 =	vshrl.u32 v14, $0xA  }
0x303: {  	vm2 =	veq.s32 v21, v7;
	v23 =	vld [tilespmem:s15+$0xFFFFFFE0];
	v24 =	vshrl.u32 v16, $0xA;
	vm4 =	veq.s32 v22, v7  }
0x304: {  	v14 =	vand.u32 $0x3FF, v14;
	v21 =	vld [tilespmem:s15+$0xFFFFFFD0];
	v22 =	vshrl.u32 v8, $0xA;
	vm5 =	veq.s32 v24, v7  }
0x305: {  	v16 =	vand.u32 $0x3FF, v16;
	v24 =	vld [tilespmem:s15+$0xFFFFFFC0];
	vm6 =	veq.s32 v22, v7;
	v22 =	vand.u32 $0x3FF, v8  }
0x306: {  	v25 =	vshrl.u32 v15, $0xA;
	v15 =	vand.u32 $0x3FF, v15;
	v8 =	vshrl.u32 v19, $0xA;
	[tilespmem:v11+s9+$0x0] =	vst.idx.add.s32.msk vm1, v1  }
0x307: {  	v11 =	vshrl.u32 v20, $0xA;
	v20 =	vand.u32 $0x3FF, v20;
	vm7 =	veq.s32 v8, v7;
	[tilespmem:v12+s9+$0x0] =	vst.idx.add.s32.msk vm3, v1  }
0x308: {  	v19 =	vand.u32 $0x3FF, v19;
	v12 =	vld [tilespmem:s15+$0xFFFFFF90];
	v26 =	vshrl.u32 v23, $0xA;
	v8 =	vand.u32 $0x3FF, v23  }
0x309: {  	vm3 =	veq.s32 v11, v7;
	v23 =	vshrl.u32 v21, $0xA;
	vm1 =	veq.s32 v26, v7;
	[tilespmem:v14+s9+$0x0] =	vst.idx.add.s32.msk vm4, v1  }
0x30a: {  	v14 =	vand.u32 $0x3FF, v21;
	vm4 =	veq.s32 v25, v7;
	v11 =	vshrl.u32 v24, $0xA;
	[tilespmem:v16+s9+$0x0] =	vst.idx.add.s32.msk vm5, v1  }
0x30b: {  	v21 =	vand.u32 $0x3FF, v10;
	v16 =	vshrl.u32 v10, $0xA;
	vm5 =	veq.s32 v11, v7;
	[tilespmem:v22+s9+$0x0] =	vst.idx.add.s32.msk vm6, v1  }
0x30c: {  	vm8 =	veq.s32 v23, v7;
	vm6 =	veq.s32 v16, v7;
	v11 =	vand.u32 $0x3FF, v24;
	[tilespmem:v13+s9+$0x0] =	vst.idx.add.s32.msk vm2, v1  }
0x30d: {  	vm2 =	veq.s32 v18, v7;
	v10 =	vshrl.u32 v12, $0xA;
	[tilespmem:v19+s9+$0x0] =	vst.idx.add.s32.msk vm7, v1  }
0x30e: {  	[tilespmem:v17+s9+$0x0] =	vst.idx.add.s32.msk vm0, v1;
	vm0 =	veq.s32 v10, v7;
	v10 =	vand.u32 $0x3FF, v9  }
.Ltmp7:
0x30f: {  	v9 =	vand.u32 $0x3FF, v12;
	[tilespmem:v20+s9+$0x0] =	vst.idx.add.s32.msk vm3, v1;
	(pc) =	sbr.rel @p1 .LBB2_16-.Ltmp7, $4  }
0x310: {  	[tilespmem:v15+s9+$0x0] =	vst.idx.add.s32.msk vm4, v1  }
0x311: {  	[tilespmem:v11+s9+$0x0] =	vst.idx.add.s32.msk vm5, v1  }
0x312: {  	[tilespmem:v14+s9+$0x0] =	vst.idx.add.s32.msk vm8, v1  }
0x313: {  	[tilespmem:v21+s9+$0x0] =	vst.idx.add.s32.msk vm6, v1  }
0x314: {  	_ =	sdelay $0x4  }
0x315: {  	[tilespmem:v10+s9+$0x0] =	vst.idx.add.s32.msk vm2, v1  }
0x316: {  	[tilespmem:v9+s9+$0x0] =	vst.idx.add.s32.msk vm0, v1  }
0x317: {  	s15 =	simm.s32 $0x0;
	[tilespmem:v8+s9+$0x0] =	vst.idx.add.s32.msk vm1, v1  }
.LBB2_18:
0x318: {  	s25 =	sshll.u32 s15, $0x7  }
0x319: {  	s26 =	sand.u32 $0x3FFFFF80, s25  }
0x31a: {  	v23 =	vld [tilespmem:s26+$0x4000]  }
0x31b: {  	v24 =	vld [tilespmem:s26+$0x4010]  }
0x31c: {  	v25 =	vld [tilespmem:s26+$0x4020]  }
0x31d: {  	v26 =	vld [tilespmem:s26+$0x4030]  }
0x31e: {  	v27 =	vld [tilespmem:s26+$0x4040]  }
0x31f: {  	v28 =	vld [tilespmem:s26+$0x4050]  }
0x320: {  	v29 =	vld [tilespmem:s26+$0x4060]  }
0x321: {  	v54 =	vld [tilespmem:s26+$0x4070]  }
0x322: {  	v55 =	vld [tilespmem:s26+$0x4180]  }
0x323: {  	v56 =	vld [tilespmem:s26+$0x4190]  }
0x324: {  	v57 =	vld [tilespmem:s26+$0x41A0]  }
0x325: {  	s16 =	sor.u32 $0x1, s15;
	v58 =	vld [tilespmem:s26+$0x41B0]  }
0x326: {  	s17 =	sshll.u32 s16, $0x7;
	v60 =	vld [tilespmem:s26+$0x41D0]  }
0x327: {  	s18 =	sand.u32 $0x3FFFFF80, s17;
	v62 =	vld [tilespmem:s26+$0x41E0]  }
0x328: {  	v7 =	vld [tilespmem:s18+$0x4000]  }
0x329: {  	v8 =	vld [tilespmem:s18+$0x4010]  }
0x32a: {  	v9 =	vld [tilespmem:s18+$0x4020]  }
0x32b: {  	v10 =	vld [tilespmem:s18+$0x4030]  }
0x32c: {  	v11 =	vld [tilespmem:s18+$0x4040]  }
0x32d: {  	s23 =	sor.u32 $0x2, s15;
	v12 =	vld [tilespmem:s18+$0x4050]  }
0x32e: {  	s19 =	sshll.u32 s23, $0x7;
	v13 =	vld [tilespmem:s18+$0x4060]  }
0x32f: {  	s24 =	sand.u32 $0x3FFFFF80, s19;
	v14 =	vld [tilespmem:s18+$0x4070]  }
0x330: {  	v15 =	vld [tilespmem:s24+$0x4000]  }
0x331: {  	v16 =	vld [tilespmem:s24+$0x4010]  }
0x332: {  	v17 =	vld [tilespmem:s24+$0x4020]  }
0x333: {  	v18 =	vld [tilespmem:s24+$0x4030]  }
0x334: {  	v19 =	vld [tilespmem:s24+$0x4040];
	v23 =	vadd.s32 v23, v24  }
0x335: {  	v20 =	vld [tilespmem:s24+$0x4050];
	v61 =	vadd.s32 v55, v56;
	v23 =	vadd.s32 v25, v23;
	v7 =	vadd.s32 v7, v8  }
0x336: {  	v8 =	vld [tilespmem:s26+$0x41C0];
	v59 =	vadd.s32 v15, v16;
	v23 =	vadd.s32 v26, v23;
	v7 =	vadd.s32 v9, v7  }
0x337: {  	v21 =	vld [tilespmem:s24+$0x4060];
	v9 =	vadd.s32 v17, v59;
	v23 =	vadd.s32 v27, v23;
	v7 =	vadd.s32 v10, v7  }
0x338: {  	v22 =	vld [tilespmem:s24+$0x4070];
	v9 =	vadd.s32 v18, v9;
	v10 =	vadd.s32 v57, v61;
	v23 =	vadd.s32 v28, v23  }
0x339: {  	v63 =	vld [tilespmem:s26+$0x41F0];
	v7 =	vadd.s32 v11, v7;
	v9 =	vadd.s32 v19, v9;
	v10 =	vadd.s32 v58, v10  }
0x33a: {  	v23 =	vadd.s32 v29, v23;
	v7 =	vadd.s32 v12, v7;
	v9 =	vadd.s32 v20, v9  }
0x33b: {  	v23 =	vadd.s32 v54, v23;
	v7 =	vadd.s32 v13, v7;
	v8 =	vadd.s32 v8, v10  }
0x33c: {  	v9 =	vadd.s32 v21, v9;
	(xrf0) =	vadd.scan.msk.s32 $0xffff, v23;
	v7 =	vadd.s32 v14, v7;
	v8 =	vadd.s32 v60, v8  }
0x33d: {  	(xrf0) =	vadd.scan.msk.s32 $0xffff, v7;
	v7 =	vadd.s32 v22, v9;
	v8 =	vadd.s32 v62, v8  }
0x33e: {  	(xrf0) =	vadd.scan.msk.s32 $0xffff, v7;
	v7 =	vadd.s32 v63, v8  }
0x33f: {  	(xrf0) =	vadd.scan.msk.s32 $0xffff, v7;
	_ =	sdelay $0x2  }
0x340: {  	v7, _, _ =	vpop (xrf0)  }
0x341: {  	v8, _, _ =	vpop (xrf0);
	(v2sf) =	vpush v7, $0xF  }
0x342: {  	v7, _, _ =	vpop (xrf0);
	(v2sf) =	vpush v8, $0xF  }
0x343: {  	(v2sf) =	vpush v7, $0xF;
	v7, _, _ =	vpop (xrf0)  }
0x344: {  	(v2sf) =	vpush v7, $0xF;
	_ =	sdelay $0xa  }
0x345: {  	p1 =	por p0, p0  }
.Ltmp8:
0x346: {  	s28 =	spop (v2sf);
	(pc) =	sbr.rel @p1 .LBB2_18-.Ltmp8, $4  }
0x347: {  	[smem:s15] =	sst s28;
	s29 =	spop (v2sf)  }
0x348: {  	[smem:s16] =	sst s29;
	s30 =	spop (v2sf)  }
0x349: {  	[smem:s23] =	sst s30;
	s31 =	spop (v2sf)  }
0x34a: {  	p0 =	por $0x0, $0x0;
	[smem:s15+$0x3] =	sst s31;
	s15 =	simm.s32 $0x4  }
0x34b: {  	vm0 =	vlt.s32 v5, v6;
	v4 =	vxor.u32 $0x80000000, v4  }
0x34c: {  	v4 =	vnsel vm0, $0x80000000, v4  }
0x34d: {  	(xrf0) =	vmax.scan.msk.u32 $0xffff, v4;
	_ =	sdelay $0x5  }
0x34e: {  	v4, _, _ =	vpop (xrf0)  }
0x34f: {  	(v2sf) =	vpush v4, $0xF;
	_ =	sdelay $0xd  }
0x350: {  	s16 =	sld [smem:$0x7]  }
0x351: {  	s17 =	sld [smem:$0x6];
	s15 =	spop (v2sf)  }
0x352: {  	s12 =	ssub.s32 s12, s14;
	s23 =	sld [smem:$0x5];
	s15 =	sxor.u32 $0x7FFFFFFF, s15  }
0x353: {  	s19 =	sld [smem:$0x4];
	s12 =	sadd.s32 s12, s15  }
0x354: {  	s24 =	sld [smem:$0x3];
	s17 =	sadd.s32 s17, s16;
	s12 =	sadd.s32 $0x1, s12  }
0x355: {  	s25 =	sld [smem:$0x2];
	p0 =	sge.s32 s17, s12  }
0x356: {  	s26 =	sld [smem:$0x1];
	s14 =	simm.s32 @!p0 $0x0  }
0x357: {  	s22 =	sld [smem:$0x0];
	s14 =	simm.s32 @p0 $0x1  }
0x358: {  	p2 =	sge.s32 s16, s12;
	[smem:$0x7CF] =	sst s14;
	s14 =	simm.s32 $0x6  }
0x359: {  	s18 =	sadd.s32 s23, s17;
	s14 =	simm.s32 @!p0 $0x0;
	p0 =	por p2, p0  }
0x35a: {  	s19 =	sadd.s32 s19, s18;
	p3 =	sge.s32 s18, s12;
	p4 =	por !p0, !p0  }
0x35b: {  	s14 =	simm.s32 @p2 $0x7;
	p0 =	por p0, p3;
	p4 =	por !p3, !p4  }
0x35c: {  	p5 =	por !p0, !p0;
	p1 =	por !p4, !p4;
	p4 =	sge.s32 s19, s12  }
0x35d: {  	s20 =	simm.s32 @!p1 $0x0;
	p0 =	por p0, p4;
	p3 =	por !p4, !p5  }
0x35e: {  	s14 =	simm.s32 @p1 $0x5;
	s20 =	simm.s32 @p1 $0x1;
	p3 =	por !p3, !p3  }
0x35f: {  	p5 =	por !p0, !p0;
	[smem:$0x7D0] =	sst s20;
	s21 =	simm.s32 @!p3 $0x0  }
0x360: {  	s20 =	sadd.s32 s19, s24;
	s14 =	simm.s32 @p3 $0x4;
	s21 =	simm.s32 @p3 $0x1  }
0x361: {  	p6 =	sge.s32 s20, s12;
	[smem:$0x7D1] =	sst s21;
	s21 =	sadd.s32 s25, s20  }
0x362: {  	p5 =	por !p6, !p5;
	p0 =	por p0, p6;
	p6 =	sge.s32 s21, s12  }
0x363: {  	p1 =	por !p0, !p0;
	p4 =	por !p5, !p5;
	s15 =	sadd.s32 s26, s21  }
0x364: {  	p1 =	por !p6, !p1;
	p6 =	por p0, p6;
	s14 =	simm.s32 @p4 $0x3  }
0x365: {  	s22 =	sadd.s32 s22, s15;
	p0 =	sge.s32 s15, s12;
	p3 =	por !p6, !p6  }
0x366: {  	p1 =	por !p1, !p1;
	p5 =	por !p0, !p3;
	p3 =	slt.s32 s22, s12  }
0x367: {  	s14 =	simm.s32 @p1 $0x2;
	p3 =	por p0, p3;
	p0 =	por !p5, !p5  }
0x368: {  	p6 =	por p3, p6;
	s14 =	simm.s32 @p0 $0x1  }
0x369: {  	s14 =	simm.s32 @!p6 $0x0  }
0x36a: {  	s28 =	sshll.u32 s14, $0x7  }
0x36b: {  	s22 =	sand.u32 $0x3FFFFF80, s28  }
0x36c: {  	v4 =	vld [tilespmem:s22+$0x4070]  }
0x36d: {  	v5 =	vld [tilespmem:s22+$0x4060]  }
0x36e: {  	v6 =	vld [tilespmem:s22+$0x4050]  }
0x36f: {  	v7 =	vld [tilespmem:s22+$0x4040]  }
0x370: {  	v8 =	vld [tilespmem:s22+$0x4030]  }
0x371: {  	(xrf0) =	vadd.scan.msk.s32 $0xffff, v4  }
0x372: {  	v4 =	vld [tilespmem:s22+$0x4020];
	(xrf0) =	vadd.scan.msk.s32 $0xffff, v5  }
0x373: {  	(xrf0) =	vadd.scan.msk.s32 $0xffff, v6  }
0x374: {  	(xrf0) =	vadd.scan.msk.s32 $0xffff, v7  }
0x375: {  	(xrf0) =	vadd.scan.msk.s32 $0xffff, v8;
	_ =	sdelay $0x1  }
0x376: {  	(xrf0) =	vadd.scan.msk.s32 $0xffff, v4;
	v4, _, _ =	vpop (xrf0)  }
0x377: {  	v6, _, _ =	vpop (xrf0);
	(v2sf) =	vpush v4, $0xF  }
0x378: {  	v7, _, _ =	vpop (xrf0);
	(v2sf) =	vpush v6, $0xF  }
0x379: {  	v5 =	vld [tilespmem:s22+$0x4010];
	v6, _, _ =	vpop (xrf0);
	(v2sf) =	vpush v7, $0xF  }
0x37a: {  	(v2sf) =	vpush v6, $0xF;
	v6, _, _ =	vpop (xrf0)  }
0x37b: {  	(v2sf) =	vpush v6, $0xF  }
0x37c: {  	s29 =	sld [smem:$0x7CF];
	v6, _, _ =	vpop (xrf0)  }
0x37d: {  	s30 =	sld [smem:$0x7D0];
	(v2sf) =	vpush v6, $0xF  }
0x37e: {  	s31 =	sld [smem:$0x7D1];
	(xrf0) =	vadd.scan.msk.s32 $0xffff, v5;
	v4 =	vld [tilespmem:s22+$0x4000]  }
0x37f: {  	s16 =	simm.s32 @p2 $0x0;
	p2 =	seq.s32 s29, $0x1  }
0x380: {  	s16 =	simm.s32 @!p2 $0x0;
	p2 =	seq.s32 s30, $0x1  }
0x381: {  	s16 =	smov.u32 @p2 s17;
	p2 =	seq.s32 s31, $0x1  }
0x382: {  	s16 =	smov.u32 @p2 s18  }
0x383: {  	s16 =	smov.u32 @p4 s19;
	(xrf0) =	vadd.scan.msk.s32 $0xffff, v4  }
0x384: {  	s16 =	smov.u32 @p1 s20;
	v4, _, _ =	vpop (xrf0)  }
0x385: {  	s16 =	smov.u32 @p0 s21;
	(v2sf) =	vpush v4, $0xF  }
0x386: {  	s15 =	smov.u32 @p6 s16;
	s20 =	spop (v2sf)  }
0x387: {  	s21 =	spop (v2sf);
	s16 =	sadd.s32 s15, s20  }
0x388: {  	s22 =	spop (v2sf);
	s17 =	sadd.s32 s21, s16  }
0x389: {  	v4, _, _ =	vpop (xrf0);
	p5 =	sge.s32 s16, s12;
	s23 =	spop (v2sf);
	p6 =	sge.s32 s17, s12  }
0x38a: {  	(v2sf) =	vpush v4, $0xF;
	s19 =	sadd.s32 s22, s17;
	s24 =	spop (v2sf);
	p1 =	por p5, p6  }
0x38b: {  	s21 =	simm.s32 @!p6 $0x0;
	p4 =	sge.s32 s19, s12;
	s18 =	sadd.s32 s23, s19  }
0x38c: {  	s23 =	sshll.u32 s14, $0x3;
	s21 =	simm.s32 @p6 $0x1;
	s25 =	spop (v2sf)  }
0x38d: {  	p3 =	por !p1, !p1;
	p0 =	por p1, p4;
	p1 =	sge.s32 s18, s12  }
0x38e: {  	s20 =	sadd.s32 s24, s18;
	[smem:$0x7D6] =	sst s21;
	s21 =	simm.s32 @!p5 $0x0  }
0x38f: {  	p2 =	por !p4, !p3;
	p4 =	por !p0, !p0;
	p0 =	por p0, p1  }
0x390: {  	p3 =	por !p1, !p4;
	p1 =	sge.s32 s20, s12;
	p4 =	por !p0, !p0  }
0x391: {  	s21 =	simm.s32 @p5 $0x1;
	p0 =	por p0, p1;
	p1 =	por !p1, !p4  }
0x392: {  	[smem:$0x7D7] =	sst s21;
	s21 =	sadd.s32 s25, s20;
	s22 =	simm.s32 @!p1 $0x0  }
0x393: {  	p4 =	por !p0, !p0;
	s22 =	simm.s32 @p1 $0x1;
	p1 =	sge.s32 s21, s12  }
0x394: {  	s14 =	sshllo.u32 s14, $0x3;
	s26 =	spop (v2sf);
	p4 =	por !p1, !p4  }
0x395: {  	s25 =	sor.u32 $0x6, s23;
	[smem:$0x7D2] =	sst s22;
	s22 =	simm.s32 @!p4 $0x0  }
0x396: {  	p3 =	por !p3, !p3;
	s25 =	simm.s32 @!p6 $0x0;
	s22 =	simm.s32 @p4 $0x1  }
0x397: {  	p4 =	por p0, p1;
	[smem:$0x7D3] =	sst s22;
	s22 =	sadd.s32 s26, s21  }
0x398: {  	s25 =	smov.u32 @p5 s14;
	p1 =	por !p4, !p4;
	p0 =	sge.s32 s22, s12  }
0x399: {  	s14 =	sor.u32 $0x5, s23;
	s24 =	spop (v2sf);
	p1 =	por !p0, !p1  }
0x39a: {  	p5 =	por !p2, !p2;
	s24 =	sadd.s32 s24, s22;
	s26 =	simm.s32 @!p1 $0x0  }
0x39b: {  	s28 =	sld [smem:$0x7D2];
	s26 =	simm.s32 @p1 $0x1;
	p1 =	slt.s32 s24, s12  }
0x39c: {  	s25 =	smov.u32 @p5 s14;
	s29 =	sld [smem:$0x7D3];
	p0 =	por p0, p1  }
0x39d: {  	s14 =	sor.u32 $0x4, s23;
	[smem:$0x7D4] =	sst s26;
	s24 =	simm.s32 @!p0 $0x0  }
0x39e: {  	s25 =	smov.u32 @p3 s14;
	s30 =	sld [smem:$0x7D4];
	s24 =	simm.s32 @p0 $0x1  }
0x39f: {  	s14 =	sor.u32 $0x3, s23;
	p6 =	seq.s32 s28, $0x1;
	[smem:$0x7D5] =	sst s24  }
0x3a0: {  	p2 =	por !p6, !p6;
	p1 =	seq.s32 s29, $0x1;
	s31 =	sld [smem:$0x7D5]  }
0x3a1: {  	s25 =	smov.u32 @p2 s14;
	s14 =	sor.u32 $0x2, s23;
	p1 =	por !p1, !p1  }
0x3a2: {  	s25 =	smov.u32 @p1 s14;
	p6 =	seq.s32 s30, $0x1  }
0x3a3: {  	s14 =	sor.u32 $0x1, s23;
	p0 =	por !p6, !p6;
	p6 =	seq.s32 s31, $0x1  }
0x3a4: {  	s25 =	smov.u32 @p0 s14;
	p4 =	por p4, p6  }
0x3a5: {  	s23 =	smov.u32 @p4 s25  }
0x3a6: {  	s26 =	sshll.u32 s23, $0x4  }
0x3a7: {  	v4 =	vld [tilespmem:s26+$0x4000];
	_ =	sdelay $0x3  }
0x3a8: {  	s28 =	sld [smem:$0x7D6]  }
0x3a9: {  	s29 =	sld [smem:$0x7D7];
	v4 =	vperm.xlane v4, v2;
	_ =	sdelay $0x1  }
0x3aa: {  	p6 =	seq.s32 s28, $0x1;
	(xrf0) =	vadd.scan.msk.s32 $0xffff, v4  }
0x3ab: {  	s16 =	simm.s32 @!p6 $0x0;
	p6 =	seq.s32 s29, $0x1  }
0x3ac: {  	s16 =	smov.u32 @p6 s15  }
0x3ad: {  	s16 =	smov.u32 @p5 s17  }
0x3ae: {  	s16 =	smov.u32 @p3 s19  }
0x3af: {  	s16 =	smov.u32 @p2 s18  }
0x3b0: {  	s16 =	smov.u32 @p1 s20;
	v4, _, _ =	vpop (xrf0)  }
0x3b1: {  	s16 =	smov.u32 @p0 s21;
	v4 =	vperm.xlane v4, v2  }
0x3b2: {  	s22 =	smov.u32 @p4 s16  }
0x3b3: {  	v4 =	vadd.s32 s22, v4  }
0x3b4: {  	vm0 =	vlt.s32 v4, s12  }
0x3b5: {  	v4 =	vsel vm0, $0x80000000, v3  }
0x3b6: {  	(xrf0) =	vmax.scan.msk.u32 $0xffff, v4;
	_ =	sdelay $0x5  }
0x3b7: {  	s30 =	simm.s32 $0x2080;
	v4, _, _ =	vpop (xrf0)  }
0x3b8: {  	v5 =	vld [tilespmem:s30+$0x70];
	(v2sf) =	vpush v4, $0xF  }
0x3b9: {  	v7 =	vld [tilespmem:s30+$0xFFFFFF90]  }
0x3ba: {  	v8 =	vld [tilespmem:s30+$0xFFFFFFA0]  }
0x3bb: {  	v9 =	vld [tilespmem:s30+$0xFFFFFFB0]  }
0x3bc: {  	v10 =	vld [tilespmem:s30+$0xFFFFFFC0]  }
0x3bd: {  	v11 =	vld [tilespmem:s30+$0xFFFFFFD0]  }
0x3be: {  	v12 =	vld [tilespmem:s30+$0xFFFFFFE0]  }
0x3bf: {  	v13 =	vld [tilespmem:s30+$0xFFFFFFF0]  }
0x3c0: {  	v14 =	vld [tilespmem:s30+$0x0]  }
0x3c1: {  	v15 =	vld [tilespmem:s30+$0x10]  }
0x3c2: {  	v16 =	vld [tilespmem:s30+$0x20]  }
0x3c3: {  	v17 =	vld [tilespmem:s30+$0x30]  }
0x3c4: {  	v18 =	vld [tilespmem:s30+$0x40]  }
0x3c5: {  	v19 =	vld [tilespmem:s30+$0x50]  }
0x3c6: {  	v20 =	vld [tilespmem:s30+$0x60]  }
0x3c7: {  	v21 =	vld [tilespmem:s30+$0xFFFFFF80];
	s12 =	simm.s32 $0x80;
	s31 =	spop (v2sf)  }
0x3c8: {  	s11 =	sshll.u32 s11, $0x15;
	s13 =	sshll.u32 s13, $0xA;
	v6 =	vld [tilespmem:s12+$0x70];
	s14 =	sadd.s32 s31, s26  }
0x3c9: {  	s11 =	sor.u32 s11, s13;
	v22 =	vld [tilespmem:s12+$0xFFFFFF80];
	s14 =	sadd.s32 $0x7FFFFFFF, s14  }
0x3ca: {  	v23 =	vld [tilespmem:s12+$0xFFFFFF90];
	s11 =	sor.u32 s14, s11  }
0x3cb: {  	v24 =	vld [tilespmem:s12+$0xFFFFFFA0];
	v4 =	vmov s11  }
0x3cc: {  	vm0 =	vlt.u32 v5, v4;
	v5 =	vld [tilespmem:s12+$0xFFFFFFB0]  }
0x3cd: {  	v63 =	vld [tilespmem:s12+$0xFFFFFFC0];
	v6 =	vsel vm0, $0x0, v6;
	vm0 =	vlt.u32 v21, v4  }
0x3ce: {  	vm1 =	vlt.u32 v7, v4;
	v7 =	vld [tilespmem:s12+$0xFFFFFFD0];
	[tilespmem:s12+$0x70] =	vst v6;
	v6 =	vsel vm0, $0x0, v22  }
0x3cf: {  	vm0 =	vlt.u32 v8, v4;
	v8 =	vld [tilespmem:s12+$0xFFFFFFE0];
	[tilespmem:s12+$0xFFFFFF80] =	vst v6;
	v6 =	vsel vm1, $0x0, v23  }
0x3d0: {  	vm1 =	vlt.u32 v9, v4;
	v9 =	vld [tilespmem:s12+$0xFFFFFFF0];
	[tilespmem:s12+$0xFFFFFF90] =	vst v6;
	v6 =	vsel vm0, $0x0, v24  }
0x3d1: {  	vm0 =	vlt.u32 v10, v4;
	v10 =	vld [tilespmem:s12+$0x0];
	[tilespmem:s12+$0xFFFFFFA0] =	vst v6;
	v5 =	vsel vm1, $0x0, v5  }
0x3d2: {  	vm1 =	vlt.u32 v11, v4;
	v11 =	vld [tilespmem:s12+$0x10];
	[tilespmem:s12+$0xFFFFFFB0] =	vst v5;
	v5 =	vsel vm0, $0x0, v63  }
0x3d3: {  	vm0 =	vlt.u32 v12, v4;
	v6 =	vsel vm1, $0x0, v7;
	[tilespmem:s12+$0xFFFFFFC0] =	vst v5;
	v5 =	vld [tilespmem:s12+$0x20]  }
0x3d4: {  	vm2 =	vlt.u32 v14, v4;
	vm1 =	vlt.u32 v13, v4;
	[tilespmem:s12+$0xFFFFFFD0] =	vst v6;
	v7 =	vsel vm0, $0x0, v8;
	v6 =	vld [tilespmem:s12+$0x30]  }
0x3d5: {  	vm5 =	vlt.u32 v15, v4;
	vm4 =	vlt.u32 v16, v4;
	[tilespmem:s12+$0xFFFFFFE0] =	vst v7;
	v8 =	vsel vm1, $0x0, v9;
	v7 =	vld [tilespmem:s12+$0x40]  }
0x3d6: {  	vm3 =	vlt.u32 v17, v4;
	vm0 =	vlt.u32 v20, v4;
	[tilespmem:s12+$0xFFFFFFF0] =	vst v8;
	v9 =	vsel vm2, $0x0, v10;
	v8 =	vld [tilespmem:s12+$0x50]  }
0x3d7: {  	s13 =	simm.s32 $0x2180;
	s14 =	simm.s32 $0x80;
	s11 =	simm.s32 $0x0;
	vm1 =	vlt.u32 v18, v4;
	vm2 =	vlt.u32 v19, v4;
	[tilespmem:s12+$0x0] =	vst v9;
	v10 =	vsel vm5, $0x0, v11;
	v9 =	vld [tilespmem:s12+$0x60]  }
.LBB2_20:
0x3d8: {  	v11 =	vld [tilespmem:s13+$0x70];
	s11 =	sadd.s32 $0x10, s11;
	[tilespmem:s12+$0x10] =	vst v10;
	v5 =	vsel vm4, $0x0, v5;
	s14 =	sadd.s32 $0x100, s14  }
0x3d9: {  	v10 =	vld [tilespmem:s14+$0x70];
	p0 =	slt.u32 s11, $0x1F0;
	[tilespmem:s12+$0x20] =	vst v5;
	v5 =	vsel vm3, $0x0, v6  }
0x3da: {  	v6 =	vld [tilespmem:s13+$0xFFFFFF90];
	[tilespmem:s12+$0x30] =	vst v5;
	v5 =	vsel vm1, $0x0, v7  }
0x3db: {  	v7 =	vld [tilespmem:s13+$0xFFFFFFA0];
	[tilespmem:s12+$0x40] =	vst v5;
	v5 =	vsel vm2, $0x0, v8  }
0x3dc: {  	v8 =	vld [tilespmem:s13+$0xFFFFFFB0];
	[tilespmem:s12+$0x50] =	vst v5;
	v5 =	vsel vm0, $0x0, v9  }
0x3dd: {  	v9 =	vld [tilespmem:s13+$0xFFFFFFC0];
	vm0 =	vlt.u32 v11, v4;
	[tilespmem:s12+$0x60] =	vst v5;
	s12 =	smov.u32 s14  }
0x3de: {  	v5 =	vld [tilespmem:s13+$0xFFFFFFD0];
	v10 =	vsel vm0, $0x0, v10  }
0x3df: {  	vm12 =	vlt.u32 v6, v4;
	v6 =	vld [tilespmem:s13+$0xFFFFFFE0];
	[tilespmem:s14+$0x70] =	vst v10  }
0x3e0: {  	vm13 =	vlt.u32 v7, v4;
	v7 =	vld [tilespmem:s13+$0xFFFFFFF0]  }
0x3e1: {  	vm11 =	vlt.u32 v8, v4;
	v8 =	vld [tilespmem:s13+$0x0]  }
0x3e2: {  	vm10 =	vlt.u32 v9, v4;
	v9 =	vld [tilespmem:s13+$0x10]  }
0x3e3: {  	vm9 =	vlt.u32 v5, v4;
	v5 =	vld [tilespmem:s13+$0x20]  }
0x3e4: {  	vm8 =	vlt.u32 v6, v4;
	v6 =	vld [tilespmem:s13+$0x30]  }
0x3e5: {  	vm7 =	vlt.u32 v7, v4;
	v7 =	vld [tilespmem:s13+$0x40]  }
0x3e6: {  	vm6 =	vlt.u32 v8, v4;
	v8 =	vld [tilespmem:s13+$0x50]  }
0x3e7: {  	vm5 =	vlt.u32 v9, v4;
	v9 =	vld [tilespmem:s13+$0x60]  }
0x3e8: {  	v10 =	vld [tilespmem:s13+$0xFFFFFF80];
	vm4 =	vlt.u32 v5, v4  }
0x3e9: {  	v5 =	vld [tilespmem:s14+$0xFFFFFF80];
	vm3 =	vlt.u32 v6, v4  }
0x3ea: {  	v6 =	vld [tilespmem:s14+$0xFFFFFF90];
	vm1 =	vlt.u32 v7, v4  }
0x3eb: {  	v7 =	vld [tilespmem:s14+$0xFFFFFFA0];
	vm2 =	vlt.u32 v8, v4  }
0x3ec: {  	v8 =	vld [tilespmem:s14+$0xFFFFFFB0];
	vm0 =	vlt.u32 v9, v4  }
0x3ed: {  	vm14 =	vlt.u32 v10, v4;
	v9 =	vld [tilespmem:s14+$0xFFFFFFC0]  }
0x3ee: {  	v5 =	vsel vm14, $0x0, v5;
	v10 =	vld [tilespmem:s14+$0xFFFFFFD0]  }
0x3ef: {  	[tilespmem:s14+$0xFFFFFF80] =	vst v5;
	v5 =	vsel vm12, $0x0, v6;
	v6 =	vld [tilespmem:s14+$0xFFFFFFE0]  }
0x3f0: {  	[tilespmem:s14+$0xFFFFFF90] =	vst v5;
	v5 =	vsel vm13, $0x0, v7;
	v7 =	vld [tilespmem:s14+$0xFFFFFFF0]  }
0x3f1: {  	[tilespmem:s14+$0xFFFFFFA0] =	vst v5;
	v5 =	vsel vm11, $0x0, v8;
	v8 =	vld [tilespmem:s14+$0x0]  }
0x3f2: {  	[tilespmem:s14+$0xFFFFFFB0] =	vst v5;
	v5 =	vsel vm10, $0x0, v9;
	v9 =	vld [tilespmem:s14+$0x10]  }
.Ltmp9:
0x3f3: {  	[tilespmem:s14+$0xFFFFFFC0] =	vst v5;
	v10 =	vsel vm9, $0x0, v10;
	v5 =	vld [tilespmem:s14+$0x20];
	(pc) =	sbr.rel @p0 .LBB2_20-.Ltmp9, $4  }
0x3f4: {  	[tilespmem:s14+$0xFFFFFFD0] =	vst v10;
	v10 =	vsel vm8, $0x0, v6;
	v6 =	vld [tilespmem:s14+$0x30]  }
0x3f5: {  	[tilespmem:s14+$0xFFFFFFE0] =	vst v10;
	v10 =	vsel vm7, $0x0, v7;
	v7 =	vld [tilespmem:s14+$0x40]  }
0x3f6: {  	[tilespmem:s14+$0xFFFFFFF0] =	vst v10;
	v10 =	vsel vm6, $0x0, v8;
	v8 =	vld [tilespmem:s14+$0x50]  }
0x3f7: {  	s13 =	sadd.s32 $0x100, s13;
	[tilespmem:s14+$0x0] =	vst v10;
	v10 =	vsel vm5, $0x0, v9;
	v9 =	vld [tilespmem:s14+$0x60]  }
0x3f8: {  	[tilespmem:s12+$0x10] =	vst v10;
	v4 =	vsel vm4, $0x0, v5  }
0x3f9: {  	[tilespmem:s12+$0x20] =	vst v4;
	v4 =	vsel vm3, $0x0, v6  }
0x3fa: {  	[tilespmem:s12+$0x30] =	vst v4;
	v4 =	vsel vm1, $0x0, v7  }
0x3fb: {  	s10 =	sadd.s32 $0x1, s10;
	[tilespmem:s12+$0x40] =	vst v4;
	v4 =	vsel vm2, $0x0, v8  }
0x3fc: {  	p0 =	sne.s32 s10, s5;
	[tilespmem:s12+$0x50] =	vst v4;
	v4 =	vsel vm0, $0x0, v9  }
.Ltmp10:
0x3fd: {  	[tilespmem:s12+$0x60] =	vst v4;
	(pc) =	sbr.rel @p0 .LBB2_1-.Ltmp10, $4  }
0x3fe: {  	[hbm4b:s4+s6] =	stream.strided.scatter [tilespmem:s2], [sflag:$0x1], $0x2000, s7, s6, $0x38;
	[tilespmem:$0x4800] =	vst v63  }
0x3ff: {  	_ =	swait.ge [sflag:s8], $0x2000  }
0x400: {  	[sflag:s8] =	ssyncset.done $0x0  }
0x401: {  	[sflag:s8] =	ssyncadd.s32 $0xFFFFE000  }
0x402: {  	_ =	sfence.sel $0x180000  }
0x403: {  	[bflag:$0x0] =	sbarrier.arrive $0xFFFF  }
0x404: {  	p0 =	sne.s32 s1, $0x0;
	_ =	strace $0x90000047  }
0x405: {  	s0 =	sadd.s32 @!p0 $0x100000, s0;
	[bflag:$0x2] =	sbarrier.arrive $0xFFFF  }
0x406: {  	[sflag:s0] =	ssyncadd.tile.s32 @!p0 $0x1;
	_ =	shalt  }
.Lfunc_end2:
_tile_overlayer_lowered:
.L_overlay_start_2:
0x407: {  	(tag) =	ssettag $0x2  }
0x408: {  	s0 =	rddreg [dreg:$0x0];
	s2 =	stileid.u32  }
0x409: {  	s1 =	rddreg [dreg:$0x1];
	p0 =	sne.s32 s2, $0x0  }
0x40a: {  	s3 =	rddreg [dreg:$0x2];
	[bflag:$0x3] =	sbarrier.arrive $0xFFFF;
	s2 =	simm.s32 @!p0 $0x1C01  }
0x40b: {  	[timem:s3], [sflag:s2] =	dma.local @!p0 [hbm:s0], s1  }
0x40c: {  	s0 =	simm.s32 @!p0 $0x1  }
0x40d: {  	_ =	swait.ge @!p0 [sflag:s0], s1  }
0x40e: {  	s1 =	ssub.s32 @!p0 $0x0, s1;
	[sflag:s0] =	ssyncset.done @!p0 $0x0  }
0x40f: {  	[sflag:s0] =	ssyncadd.s32 @!p0 s1  }
0x410: {  	[bflag:$0x3] =	sbarrier.arrive $0xFFFF  }
0x411: {  	_ =	shalt  }

</sc_bundles>
